<compile_context>
chip_gen: v7x
topology: tpu7x:2x2x1
jax: 0.10.2.dev20260603
libtpu: 0.0.44.dev20260713+nightly
codegen_flags: <defaults>
</compile_context>

<pallas_src>
import functools

import jax
import jax.numpy as jnp
from jax import lax
from jax.experimental import pallas as pl
from jax.experimental.pallas import tpu as pltpu
from jax.experimental.pallas import tpu_sc as plsc

N_NUM = 100
N_CAT = 26
VOCAB = 1000
EMBED_DIM = 128
BATCH = 16384

NUM_CORES = 2
NUM_SUBCORES = 16
NW = NUM_CORES * NUM_SUBCORES

ROWS = BATCH * N_CAT
BLK = 128
IDX_ROWS = ROWS // BLK
IDX_PER_W = IDX_ROWS // NW
FBLK = BATCH // BLK
NBUF = 6
NDEF = 3


def _sc_gather(tables_flat, idxt2d):
    mesh = plsc.VectorSubcoreMesh(core_axis_name="c", subcore_axis_name="s")

    @functools.partial(
        pl.kernel,
        mesh=mesh,
        out_type=jax.ShapeDtypeStruct((ROWS, EMBED_DIM), jnp.float32),
        scratch_types=[
            pltpu.VMEM((IDX_PER_W, BLK), jnp.int32),
            pltpu.VMEM((NBUF, BLK, EMBED_DIM), jnp.float32),
            [pltpu.SemaphoreType.DMA] * NBUF,
            [pltpu.SemaphoreType.DMA] * NBUF,
        ],
    )
    def k(tab_hbm, idx_hbm, out_hbm, idx_v, bufs, gsems, osems):
        wid = lax.axis_index("s") * NUM_CORES + lax.axis_index("c")
        base = wid * IDX_PER_W
        pltpu.sync_copy(idx_hbm.at[pl.ds(base, IDX_PER_W)], idx_v)

        def flats(j):
            field = lax.div(base + j, FBLK)
            off = field * VOCAB
            for c in range(BLK // 16):
                idx_v[j, pl.ds(c * 16, 16)] = (
                    off + idx_v[j, pl.ds(c * 16, 16)]
                )

        def gather(j, b):
            return pltpu.make_async_copy(
                tab_hbm.at[idx_v.at[j]], bufs.at[b], gsems[b])

        def out_copy(j, b):
            return pltpu.make_async_copy(
                bufs.at[b], out_hbm.at[pl.ds((base + j) * BLK, BLK)],
                osems[b])

        for b in range(NBUF):
            flats(b)
            gather(b, b).start()

        def step(jo, carry):
            for b in range(NBUF):
                j = jo * NBUF + b

                @pl.when(j < IDX_PER_W)
                def _():
                    gather(j, b).wait()
                    out_copy(j, b).start()

                jd = j - NDEF
                bd = (b - NDEF) % NBUF
                jn = jd + NBUF

                @pl.when(jnp.logical_and(jd >= 0, jn < IDX_PER_W))
                def _():
                    flats(jn)
                    out_copy(jd, bd).wait()
                    gather(jn, bd).start()

            return carry

        nsteps = (IDX_PER_W + NBUF - 1) // NBUF
        lax.fori_loop(0, nsteps, step, 0)
        for t in range(NBUF):
            j = IDX_PER_W - NBUF + t
            out_copy(j, j % NBUF).wait()

    return k(tables_flat, idxt2d)


def _mlp(x_num, W1, b1, W2, b2):
    BM = 1024

    def body(x_ref, w1_ref, b1_ref, w2_ref, b2_ref, o_ref):
        h = jnp.dot(x_ref[...], w1_ref[...],
                    preferred_element_type=jnp.float32) + b1_ref[...]
        h = jnp.maximum(h, 0.0)
        o_ref[...] = jnp.dot(h, w2_ref[...],
                             preferred_element_type=jnp.float32) + b2_ref[...]

    return pl.pallas_call(
        body,
        grid=(BATCH // BM,),
        in_specs=[
            pl.BlockSpec((BM, N_NUM), lambda i: (i, 0)),
            pl.BlockSpec((N_NUM, EMBED_DIM), lambda i: (0, 0)),
            pl.BlockSpec((1, EMBED_DIM), lambda i: (0, 0)),
            pl.BlockSpec((EMBED_DIM, EMBED_DIM), lambda i: (0, 0)),
            pl.BlockSpec((1, EMBED_DIM), lambda i: (0, 0)),
        ],
        out_specs=pl.BlockSpec((BM, EMBED_DIM), lambda i: (i, 0)),
        out_shape=jax.ShapeDtypeStruct((BATCH, EMBED_DIM), jnp.float32),
    )(x_num, W1, b1.reshape(1, EMBED_DIM), W2, b2.reshape(1, EMBED_DIM))


def kernel(x_num, x_cat, W1, b1, W2, b2, tables):
    idxt2d = x_cat.astype(jnp.int32).T.reshape(IDX_ROWS, BLK)
    tables_flat = tables.reshape(N_CAT * VOCAB, EMBED_DIM)
    out2d = _sc_gather(tables_flat, idxt2d)
    x_cats = out2d.reshape(N_CAT, BATCH, EMBED_DIM).transpose(1, 0, 2)
    num_out = _mlp(x_num, W1, b1, W2, b2)[:, None, :]
    return (num_out, x_cats)

# --- scband reference (transcript-rebuilt; emitter-appended) ---
"""Pipeline reference for scband-tokenizer-13821204759137 (READ-ONLY COPY).

The authoritative reference and input builder live on the scoring server;
editing this copy changes nothing except your own understanding.
"""

import jax, jax.numpy as jnp
import numpy as np

N_NUM = 100
N_CAT = 26
VOCAB = 1000
EMBED_DIM = 128
BATCH = 16384


def setup_inputs(seed: int = 0) -> dict:
    key = jax.random.key(seed)
    ks = jax.random.split(key, 8)
    x_num = jax.random.normal(ks[0], (BATCH, N_NUM), dtype=jnp.float32)
    x_cat = jax.random.randint(ks[1], (BATCH, N_CAT), 0, VOCAB, dtype=jnp.int64)
    # SimpleMLP params: Linear(n_num->embed_dim), ReLU, Linear(embed_dim->embed_dim)
    W1 = jax.random.normal(ks[2], (N_NUM, EMBED_DIM), dtype=jnp.float32) * (1.0 / np.sqrt(N_NUM))
    b1 = jnp.zeros((EMBED_DIM,), dtype=jnp.float32)
    W2 = jax.random.normal(ks[3], (EMBED_DIM, EMBED_DIM), dtype=jnp.float32) * (1.0 / np.sqrt(EMBED_DIM))
    b2 = jnp.zeros((EMBED_DIM,), dtype=jnp.float32)
    # 26 embedding tables, each [VOCAB, EMBED_DIM], stacked
    tables = jax.random.normal(ks[4], (N_CAT, VOCAB, EMBED_DIM), dtype=jnp.float32)
    return {"x_num": x_num, "x_cat": x_cat, "W1": W1, "b1": b1, "W2": W2, "b2": b2, "tables": tables}


def reference(x_num, x_cat, W1, b1, W2, b2, tables):
    # numeric branch: SimpleMLP then unsqueeze(1)
    h = jax.nn.relu(x_num @ W1 + b1)
    num_out = (h @ W2 + b2)[:, None, :]  # [B, 1, D]
    # categorical branch: per-field embedding lookup, concat on dim 1
    x_cats = []
    for i in range(N_CAT):
        emb_i = jnp.take(tables[i], x_cat[:, i], axis=0)  # [B, D]
        x_cats.append(emb_i[:, None, :])
    x_cats = jnp.concatenate(x_cats, axis=1)  # [B, N_CAT, D]
    return (num_out, x_cats)

if __name__ == "__main__":
    import jax
    _d = setup_inputs()
    print(jax.jit(kernel)(*tuple(_d.values())))

</pallas_src>

<mosaic_0001>
#map = affine_map<(d0, d1) -> (0, 0)>
module attributes {stable_mosaic.version = 14 : i64} {
  func.func @k(%arg0: i32, %arg1: i32, %arg2: memref<26000x128xf32, #tpu.memory_space<hbm>>, %arg3: memref<3328x128xi32, #tpu.memory_space<hbm>>, %arg4: memref<425984x128xf32, #tpu.memory_space<hbm>>, %arg5: memref<104x128xi32, #tpu.memory_space<vmem>>, %arg6: memref<6x128x128xf32, #tpu.memory_space<vmem>>, %arg7: memref<!tpu.dma_semaphore, #tpu.memory_space<semaphore_mem>>, %arg8: memref<!tpu.dma_semaphore, #tpu.memory_space<semaphore_mem>>, %arg9: memref<!tpu.dma_semaphore, #tpu.memory_space<semaphore_mem>>, %arg10: memref<!tpu.dma_semaphore, #tpu.memory_space<semaphore_mem>>, %arg11: memref<!tpu.dma_semaphore, #tpu.memory_space<semaphore_mem>>, %arg12: memref<!tpu.dma_semaphore, #tpu.memory_space<semaphore_mem>>, %arg13: memref<!tpu.dma_semaphore, #tpu.memory_space<semaphore_mem>>, %arg14: memref<!tpu.dma_semaphore, #tpu.memory_space<semaphore_mem>>, %arg15: memref<!tpu.dma_semaphore, #tpu.memory_space<semaphore_mem>>, %arg16: memref<!tpu.dma_semaphore, #tpu.memory_space<semaphore_mem>>, %arg17: memref<!tpu.dma_semaphore, #tpu.memory_space<semaphore_mem>>, %arg18: memref<!tpu.dma_semaphore, #tpu.memory_space<semaphore_mem>>) attributes {dimension_semantics = [#tpu.dimension_semantics<core_parallel>, #tpu.dimension_semantics<subcore_parallel>], iteration_bounds = array<i64: 2, 16>, scalar_prefetch = 0 : i64, scratch_operands = 14 : i64, tpu.core_type = #tpu.core_type<sc_vector_subcore>, window_params = [{transform_indices = #map}, {transform_indices = #map}, {transform_indices = #map}]} {
    %mul3A = arith.constant 2 : i32
    %mul3A_0 = arith.muli %arg1, %mul3A : i32
    %add3A = arith.addi %mul3A_0, %arg0 : i32
    %mul3A_1 = arith.constant 104 : i32
    %mul3A_2 = arith.muli %add3A, %mul3A_1 : i32
    "tpu.region"() ({
      %run_scoped3A = tpu.sem_alloc : memref<!tpu.dma_semaphore, #tpu.memory_space<semaphore_mem>>
      %dma_start3A_837 = arith.constant 0 : i32
      %dma_start3A_838 = tpu.memref_slice %arg3[%mul3A_2, %dma_start3A_837] : memref<3328x128xi32, #tpu.memory_space<hbm>> -> memref<104x128xi32, #tpu.memory_space<hbm>>
      %dma_start3A_839 = arith.constant 0 : i32
      %dma_start3A_840 = tpu.memref_slice %arg3[%mul3A_2, %dma_start3A_839] : memref<3328x128xi32, #tpu.memory_space<hbm>> -> memref<104x128xi32, #tpu.memory_space<hbm>>
      tpu.enqueue_dma source(%dma_start3A_840 : memref<104x128xi32, #tpu.memory_space<hbm>>) target(%arg5 : memref<104x128xi32, #tpu.memory_space<vmem>>) target_semaphore(%run_scoped3A : memref<!tpu.dma_semaphore, #tpu.memory_space<semaphore_mem>>)
      %dma_wait3A_841 = arith.constant 0 : i32
      %dma_wait3A_842 = tpu.memref_slice %arg3[%mul3A_2, %dma_wait3A_841] : memref<3328x128xi32, #tpu.memory_space<hbm>> -> memref<104x128xi32, #tpu.memory_space<hbm>>
      %dma_wait3A_843 = arith.constant 0 : i32
      %dma_wait3A_844 = tpu.memref_slice %arg3[%mul3A_2, %dma_wait3A_843] : memref<3328x128xi32, #tpu.memory_space<hbm>> -> memref<104x128xi32, #tpu.memory_space<hbm>>
      tpu.wait_dma2 semaphore(%run_scoped3A : memref<!tpu.dma_semaphore, #tpu.memory_space<semaphore_mem>>) src(%dma_wait3A_844 : memref<104x128xi32, #tpu.memory_space<hbm>>) dst(%arg5 : memref<104x128xi32, #tpu.memory_space<vmem>>)
      tpu.yield
    }) : () -> ()
    %add3A_3 = arith.constant 0 : i32
    %add3A_4 = arith.addi %mul3A_2, %add3A_3 : i32
    %div3A = arith.constant 128 : i32
    %div3A_5 = arith.divsi %add3A_4, %div3A : i32
    %mul3A_6 = arith.constant 1000 : i32
    %mul3A_7 = arith.muli %div3A_5, %mul3A_6 : i32
    %get3A = arith.constant 0 : i32
    %get3A_8 = arith.index_cast %get3A : i32 to index
    %get3A_9 = arith.constant 0 : index
    %get3A_10 = tpu.vector_load %arg5[%get3A_8, %get3A_9] {strides = array<i32>} : memref<104x128xi32, #tpu.memory_space<vmem>>, vector<1x16xi32>,
    %get3A_11 = vector.shape_cast %get3A_10 : vector<1x16xi32> to vector<16xi32>
    %add3A_12 = vector.broadcast %mul3A_7 : i32 to vector<16xi32>
    %add3A_13 = arith.addi %add3A_12, %get3A_11 : vector<16xi32>
    %swap3A = arith.constant 0 : i32
    %swap3A_14 = arith.index_cast %swap3A : i32 to index
    %swap3A_15 = arith.constant 0 : index
    %swap3A_16 = tpu.vector_load %arg5[%swap3A_14, %swap3A_15] {strides = array<i32>} : memref<104x128xi32, #tpu.memory_space<vmem>>, vector<1x16xi32>,
    %swap3A_17 = vector.shape_cast %swap3A_16 : vector<1x16xi32> to vector<16xi32>
    %swap3A_18 = vector.shape_cast %add3A_13 : vector<16xi32> to vector<1x16xi32>
    tpu.vector_store %arg5[%swap3A_14, %swap3A_15], %swap3A_18 {strides = array<i32>} : memref<104x128xi32, #tpu.memory_space<vmem>>, vector<1x16xi32>,
    %get3A_19 = arith.constant 0 : i32
    %get3A_20 = arith.index_cast %get3A_19 : i32 to index
    %get3A_21 = arith.constant 16 : index
    %get3A_22 = tpu.vector_load %arg5[%get3A_20, %get3A_21] {strides = array<i32>} : memref<104x128xi32, #tpu.memory_space<vmem>>, vector<1x16xi32>,
    %get3A_23 = vector.shape_cast %get3A_22 : vector<1x16xi32> to vector<16xi32>
    %add3A_24 = vector.broadcast %mul3A_7 : i32 to vector<16xi32>
    %add3A_25 = arith.addi %add3A_24, %get3A_23 : vector<16xi32>
    %swap3A_26 = arith.constant 0 : i32
    %swap3A_27 = arith.index_cast %swap3A_26 : i32 to index
    %swap3A_28 = arith.constant 16 : index
    %swap3A_29 = tpu.vector_load %arg5[%swap3A_27, %swap3A_28] {strides = array<i32>} : memref<104x128xi32, #tpu.memory_space<vmem>>, vector<1x16xi32>,
    %swap3A_30 = vector.shape_cast %swap3A_29 : vector<1x16xi32> to vector<16xi32>
    %swap3A_31 = vector.shape_cast %add3A_25 : vector<16xi32> to vector<1x16xi32>
    tpu.vector_store %arg5[%swap3A_27, %swap3A_28], %swap3A_31 {strides = array<i32>} : memref<104x128xi32, #tpu.memory_space<vmem>>, vector<1x16xi32>,
    %get3A_32 = arith.constant 0 : i32
    %get3A_33 = arith.index_cast %get3A_32 : i32 to index
    %get3A_34 = arith.constant 32 : index
    %get3A_35 = tpu.vector_load %arg5[%get3A_33, %get3A_34] {strides = array<i32>} : memref<104x128xi32, #tpu.memory_space<vmem>>, vector<1x16xi32>,
    %get3A_36 = vector.shape_cast %get3A_35 : vector<1x16xi32> to vector<16xi32>
    %add3A_37 = vector.broadcast %mul3A_7 : i32 to vector<16xi32>
    %add3A_38 = arith.addi %add3A_37, %get3A_36 : vector<16xi32>
    %swap3A_39 = arith.constant 0 : i32
    %swap3A_40 = arith.index_cast %swap3A_39 : i32 to index
    %swap3A_41 = arith.constant 32 : index
    %swap3A_42 = tpu.vector_load %arg5[%swap3A_40, %swap3A_41] {strides = array<i32>} : memref<104x128xi32, #tpu.memory_space<vmem>>, vector<1x16xi32>,
    %swap3A_43 = vector.shape_cast %swap3A_42 : vector<1x16xi32> to vector<16xi32>
    %swap3A_44 = vector.shape_cast %add3A_38 : vector<16xi32> to vector<1x16xi32>
    tpu.vector_store %arg5[%swap3A_40, %swap3A_41], %swap3A_44 {strides = array<i32>} : memref<104x128xi32, #tpu.memory_space<vmem>>, vector<1x16xi32>,
    %get3A_45 = arith.constant 0 : i32
    %get3A_46 = arith.index_cast %get3A_45 : i32 to index
    %get3A_47 = arith.constant 48 : index
    %get3A_48 = tpu.vector_load %arg5[%get3A_46, %get3A_47] {strides = array<i32>} : memref<104x128xi32, #tpu.memory_space<vmem>>, vector<1x16xi32>,
    %get3A_49 = vector.shape_cast %get3A_48 : vector<1x16xi32> to vector<16xi32>
    %add3A_50 = vector.broadcast %mul3A_7 : i32 to vector<16xi32>
    %add3A_51 = arith.addi %add3A_50, %get3A_49 : vector<16xi32>
    %swap3A_52 = arith.constant 0 : i32
    %swap3A_53 = arith.index_cast %swap3A_52 : i32 to index
    %swap3A_54 = arith.constant 48 : index
    %swap3A_55 = tpu.vector_load %arg5[%swap3A_53, %swap3A_54] {strides = array<i32>} : memref<104x128xi32, #tpu.memory_space<vmem>>, vector<1x16xi32>,
    %swap3A_56 = vector.shape_cast %swap3A_55 : vector<1x16xi32> to vector<16xi32>
    %swap3A_57 = vector.shape_cast %add3A_51 : vector<16xi32> to vector<1x16xi32>
    tpu.vector_store %arg5[%swap3A_53, %swap3A_54], %swap3A_57 {strides = array<i32>} : memref<104x128xi32, #tpu.memory_space<vmem>>, vector<1x16xi32>,
    %get3A_58 = arith.constant 0 : i32
    %get3A_59 = arith.index_cast %get3A_58 : i32 to index
    %get3A_60 = arith.constant 64 : index
    %get3A_61 = tpu.vector_load %arg5[%get3A_59, %get3A_60] {strides = array<i32>} : memref<104x128xi32, #tpu.memory_space<vmem>>, vector<1x16xi32>,
    %get3A_62 = vector.shape_cast %get3A_61 : vector<1x16xi32> to vector<16xi32>
    %add3A_63 = vector.broadcast %mul3A_7 : i32 to vector<16xi32>
    %add3A_64 = arith.addi %add3A_63, %get3A_62 : vector<16xi32>
    %swap3A_65 = arith.constant 0 : i32
    %swap3A_66 = arith.index_cast %swap3A_65 : i32 to index
    %swap3A_67 = arith.constant 64 : index
    %swap3A_68 = tpu.vector_load %arg5[%swap3A_66, %swap3A_67] {strides = array<i32>} : memref<104x128xi32, #tpu.memory_space<vmem>>, vector<1x16xi32>,
    %swap3A_69 = vector.shape_cast %swap3A_68 : vector<1x16xi32> to vector<16xi32>
    %swap3A_70 = vector.shape_cast %add3A_64 : vector<16xi32> to vector<1x16xi32>
    tpu.vector_store %arg5[%swap3A_66, %swap3A_67], %swap3A_70 {strides = array<i32>} : memref<104x128xi32, #tpu.memory_space<vmem>>, vector<1x16xi32>,
    %get3A_71 = arith.constant 0 : i32
    %get3A_72 = arith.index_cast %get3A_71 : i32 to index
    %get3A_73 = arith.constant 80 : index
    %get3A_74 = tpu.vector_load %arg5[%get3A_72, %get3A_73] {strides = array<i32>} : memref<104x128xi32, #tpu.memory_space<vmem>>, vector<1x16xi32>,
    %get3A_75 = vector.shape_cast %get3A_74 : vector<1x16xi32> to vector<16xi32>
    %add3A_76 = vector.broadcast %mul3A_7 : i32 to vector<16xi32>
    %add3A_77 = arith.addi %add3A_76, %get3A_75 : vector<16xi32>
    %swap3A_78 = arith.constant 0 : i32
    %swap3A_79 = arith.index_cast %swap3A_78 : i32 to index
    %swap3A_80 = arith.constant 80 : index
    %swap3A_81 = tpu.vector_load %arg5[%swap3A_79, %swap3A_80] {strides = array<i32>} : memref<104x128xi32, #tpu.memory_space<vmem>>, vector<1x16xi32>,
    %swap3A_82 = vector.shape_cast %swap3A_81 : vector<1x16xi32> to vector<16xi32>
    %swap3A_83 = vector.shape_cast %add3A_77 : vector<16xi32> to vector<1x16xi32>
    tpu.vector_store %arg5[%swap3A_79, %swap3A_80], %swap3A_83 {strides = array<i32>} : memref<104x128xi32, #tpu.memory_space<vmem>>, vector<1x16xi32>,
    %get3A_84 = arith.constant 0 : i32
    %get3A_85 = arith.index_cast %get3A_84 : i32 to index
    %get3A_86 = arith.constant 96 : index
    %get3A_87 = tpu.vector_load %arg5[%get3A_85, %get3A_86] {strides = array<i32>} : memref<104x128xi32, #tpu.memory_space<vmem>>, vector<1x16xi32>,
    %get3A_88 = vector.shape_cast %get3A_87 : vector<1x16xi32> to vector<16xi32>
    %add3A_89 = vector.broadcast %mul3A_7 : i32 to vector<16xi32>
    %add3A_90 = arith.addi %add3A_89, %get3A_88 : vector<16xi32>
    %swap3A_91 = arith.constant 0 : i32
    %swap3A_92 = arith.index_cast %swap3A_91 : i32 to index
    %swap3A_93 = arith.constant 96 : index
    %swap3A_94 = tpu.vector_load %arg5[%swap3A_92, %swap3A_93] {strides = array<i32>} : memref<104x128xi32, #tpu.memory_space<vmem>>, vector<1x16xi32>,
    %swap3A_95 = vector.shape_cast %swap3A_94 : vector<1x16xi32> to vector<16xi32>
    %swap3A_96 = vector.shape_cast %add3A_90 : vector<16xi32> to vector<1x16xi32>
    tpu.vector_store %arg5[%swap3A_92, %swap3A_93], %swap3A_96 {strides = array<i32>} : memref<104x128xi32, #tpu.memory_space<vmem>>, vector<1x16xi32>,
    %get3A_97 = arith.constant 0 : i32
    %get3A_98 = arith.index_cast %get3A_97 : i32 to index
    %get3A_99 = arith.constant 112 : index
    %get3A_100 = tpu.vector_load %arg5[%get3A_98, %get3A_99] {strides = array<i32>} : memref<104x128xi32, #tpu.memory_space<vmem>>, vector<1x16xi32>,
    %get3A_101 = vector.shape_cast %get3A_100 : vector<1x16xi32> to vector<16xi32>
    %add3A_102 = vector.broadcast %mul3A_7 : i32 to vector<16xi32>
    %add3A_103 = arith.addi %add3A_102, %get3A_101 : vector<16xi32>
    %swap3A_104 = arith.constant 0 : i32
    %swap3A_105 = arith.index_cast %swap3A_104 : i32 to index
    %swap3A_106 = arith.constant 112 : index
    %swap3A_107 = tpu.vector_load %arg5[%swap3A_105, %swap3A_106] {strides = array<i32>} : memref<104x128xi32, #tpu.memory_space<vmem>>, vector<1x16xi32>,
    %swap3A_108 = vector.shape_cast %swap3A_107 : vector<1x16xi32> to vector<16xi32>
    %swap3A_109 = vector.shape_cast %add3A_103 : vector<16xi32> to vector<1x16xi32>
    tpu.vector_store %arg5[%swap3A_105, %swap3A_106], %swap3A_109 {strides = array<i32>} : memref<104x128xi32, #tpu.memory_space<vmem>>, vector<1x16xi32>,
    %dma_start3A = arith.constant 0 : i32
    %dma_start3A_110 = arith.constant 0 : i32
    %dma_start3A_111 = arith.constant 0 : i32
    %dma_start3A_112 = arith.constant 0 : i32
    %dma_start3A_113 = tpu.memref_slice %arg6[%dma_start3A_110, %dma_start3A_111, %dma_start3A_112] : memref<6x128x128xf32, #tpu.memory_space<vmem>> -> memref<1x128x128xf32, #tpu.memory_space<vmem>>
    %dma_start3A_114 = tpu.memref_squeeze %dma_start3A_113 : memref<1x128x128xf32, #tpu.memory_space<vmem>> -> memref<128x128xf32, #tpu.memory_space<vmem>>
    %dma_start3A_115 = arith.constant 0 : i32
    %dma_start3A_116 = tpu.memref_slice %arg5[%dma_start3A, %dma_start3A_115] : memref<104x128xi32, #tpu.memory_space<vmem>> -> memref<1x128xi32, #tpu.memory_space<vmem>>
    %dma_start3A_117 = tpu.memref_squeeze %dma_start3A_116 : memref<1x128xi32, #tpu.memory_space<vmem>> -> memref<128xi32, #tpu.memory_space<vmem>>
    %dma_start3A_118 = arith.constant 0 : i32
    %dma_start3A_119 = arith.constant 0 : i32
    %dma_start3A_120 = tpu.memref_slice %arg2[%dma_start3A_118, %dma_start3A_119] : memref<26000x128xf32, #tpu.memory_space<hbm>> -> memref<26000x128xf32, #tpu.memory_space<hbm>>
    tpu.enqueue_indirect_dma source(%dma_start3A_120 : memref<26000x128xf32, #tpu.memory_space<hbm>>) target(%dma_start3A_114 : memref<128x128xf32, #tpu.memory_space<vmem>>) offsets(%dma_start3A_117 : memref<128xi32, #tpu.memory_space<vmem>>) semaphore(%arg7 : memref<!tpu.dma_semaphore, #tpu.memory_space<semaphore_mem>>)
    %add3A_121 = arith.constant 1 : i32
    %add3A_122 = arith.addi %mul3A_2, %add3A_121 : i32
    %div3A_123 = arith.constant 128 : i32
    %div3A_124 = arith.divsi %add3A_122, %div3A_123 : i32
    %mul3A_125 = arith.constant 1000 : i32
    %mul3A_126 = arith.muli %div3A_124, %mul3A_125 : i32
    %get3A_127 = arith.constant 1 : i32
    %get3A_128 = arith.index_cast %get3A_127 : i32 to index
    %get3A_129 = arith.constant 0 : index
    %get3A_130 = tpu.vector_load %arg5[%get3A_128, %get3A_129] {strides = array<i32>} : memref<104x128xi32, #tpu.memory_space<vmem>>, vector<1x16xi32>,
    %get3A_131 = vector.shape_cast %get3A_130 : vector<1x16xi32> to vector<16xi32>
    %add3A_132 = vector.broadcast %mul3A_126 : i32 to vector<16xi32>
    %add3A_133 = arith.addi %add3A_132, %get3A_131 : vector<16xi32>
    %swap3A_134 = arith.constant 1 : i32
    %swap3A_135 = arith.index_cast %swap3A_134 : i32 to index
    %swap3A_136 = arith.constant 0 : index
    %swap3A_137 = tpu.vector_load %arg5[%swap3A_135, %swap3A_136] {strides = array<i32>} : memref<104x128xi32, #tpu.memory_space<vmem>>, vector<1x16xi32>,
    %swap3A_138 = vector.shape_cast %swap3A_137 : vector<1x16xi32> to vector<16xi32>
    %swap3A_139 = vector.shape_cast %add3A_133 : vector<16xi32> to vector<1x16xi32>
    tpu.vector_store %arg5[%swap3A_135, %swap3A_136], %swap3A_139 {strides = array<i32>} : memref<104x128xi32, #tpu.memory_space<vmem>>, vector<1x16xi32>,
    %get3A_140 = arith.constant 1 : i32
    %get3A_141 = arith.index_cast %get3A_140 : i32 to index
    %get3A_142 = arith.constant 16 : index
    %get3A_143 = tpu.vector_load %arg5[%get3A_141, %get3A_142] {strides = array<i32>} : memref<104x128xi32, #tpu.memory_space<vmem>>, vector<1x16xi32>,
    %get3A_144 = vector.shape_cast %get3A_143 : vector<1x16xi32> to vector<16xi32>
    %add3A_145 = vector.broadcast %mul3A_126 : i32 to vector<16xi32>
    %add3A_146 = arith.addi %add3A_145, %get3A_144 : vector<16xi32>
    %swap3A_147 = arith.constant 1 : i32
    %swap3A_148 = arith.index_cast %swap3A_147 : i32 to index
    %swap3A_149 = arith.constant 16 : index
    %swap3A_150 = tpu.vector_load %arg5[%swap3A_148, %swap3A_149] {strides = array<i32>} : memref<104x128xi32, #tpu.memory_space<vmem>>, vector<1x16xi32>,
    %swap3A_151 = vector.shape_cast %swap3A_150 : vector<1x16xi32> to vector<16xi32>
    %swap3A_152 = vector.shape_cast %add3A_146 : vector<16xi32> to vector<1x16xi32>
    tpu.vector_store %arg5[%swap3A_148, %swap3A_149], %swap3A_152 {strides = array<i32>} : memref<104x128xi32, #tpu.memory_space<vmem>>, vector<1x16xi32>,
    %get3A_153 = arith.constant 1 : i32
    %get3A_154 = arith.index_cast %get3A_153 : i32 to index
    %get3A_155 = arith.constant 32 : index
    %get3A_156 = tpu.vector_load %arg5[%get3A_154, %get3A_155] {strides = array<i32>} : memref<104x128xi32, #tpu.memory_space<vmem>>, vector<1x16xi32>,
    %get3A_157 = vector.shape_cast %get3A_156 : vector<1x16xi32> to vector<16xi32>
    %add3A_158 = vector.broadcast %mul3A_126 : i32 to vector<16xi32>
    %add3A_159 = arith.addi %add3A_158, %get3A_157 : vector<16xi32>
    %swap3A_160 = arith.constant 1 : i32
    %swap3A_161 = arith.index_cast %swap3A_160 : i32 to index
    %swap3A_162 = arith.constant 32 : index
    %swap3A_163 = tpu.vector_load %arg5[%swap3A_161, %swap3A_162] {strides = array<i32>} : memref<104x128xi32, #tpu.memory_space<vmem>>, vector<1x16xi32>,
    %swap3A_164 = vector.shape_cast %swap3A_163 : vector<1x16xi32> to vector<16xi32>
    %swap3A_165 = vector.shape_cast %add3A_159 : vector<16xi32> to vector<1x16xi32>
    tpu.vector_store %arg5[%swap3A_161, %swap3A_162], %swap3A_165 {strides = array<i32>} : memref<104x128xi32, #tpu.memory_space<vmem>>, vector<1x16xi32>,
    %get3A_166 = arith.constant 1 : i32
    %get3A_167 = arith.index_cast %get3A_166 : i32 to index
    %get3A_168 = arith.constant 48 : index
    %get3A_169 = tpu.vector_load %arg5[%get3A_167, %get3A_168] {strides = array<i32>} : memref<104x128xi32, #tpu.memory_space<vmem>>, vector<1x16xi32>,
    %get3A_170 = vector.shape_cast %get3A_169 : vector<1x16xi32> to vector<16xi32>
    %add3A_171 = vector.broadcast %mul3A_126 : i32 to vector<16xi32>
    %add3A_172 = arith.addi %add3A_171, %get3A_170 : vector<16xi32>
    %swap3A_173 = arith.constant 1 : i32
    %swap3A_174 = arith.index_cast %swap3A_173 : i32 to index
    %swap3A_175 = arith.constant 48 : index
    %swap3A_176 = tpu.vector_load %arg5[%swap3A_174, %swap3A_175] {strides = array<i32>} : memref<104x128xi32, #tpu.memory_space<vmem>>, vector<1x16xi32>,
    %swap3A_177 = vector.shape_cast %swap3A_176 : vector<1x16xi32> to vector<16xi32>
    %swap3A_178 = vector.shape_cast %add3A_172 : vector<16xi32> to vector<1x16xi32>
    tpu.vector_store %arg5[%swap3A_174, %swap3A_175], %swap3A_178 {strides = array<i32>} : memref<104x128xi32, #tpu.memory_space<vmem>>, vector<1x16xi32>,
    %get3A_179 = arith.constant 1 : i32
    %get3A_180 = arith.index_cast %get3A_179 : i32 to index
    %get3A_181 = arith.constant 64 : index
    %get3A_182 = tpu.vector_load %arg5[%get3A_180, %get3A_181] {strides = array<i32>} : memref<104x128xi32, #tpu.memory_space<vmem>>, vector<1x16xi32>,
    %get3A_183 = vector.shape_cast %get3A_182 : vector<1x16xi32> to vector<16xi32>
    %add3A_184 = vector.broadcast %mul3A_126 : i32 to vector<16xi32>
    %add3A_185 = arith.addi %add3A_184, %get3A_183 : vector<16xi32>
    %swap3A_186 = arith.constant 1 : i32
    %swap3A_187 = arith.index_cast %swap3A_186 : i32 to index
    %swap3A_188 = arith.constant 64 : index
    %swap3A_189 = tpu.vector_load %arg5[%swap3A_187, %swap3A_188] {strides = array<i32>} : memref<104x128xi32, #tpu.memory_space<vmem>>, vector<1x16xi32>,
    %swap3A_190 = vector.shape_cast %swap3A_189 : vector<1x16xi32> to vector<16xi32>
    %swap3A_191 = vector.shape_cast %add3A_185 : vector<16xi32> to vector<1x16xi32>
    tpu.vector_store %arg5[%swap3A_187, %swap3A_188], %swap3A_191 {strides = array<i32>} : memref<104x128xi32, #tpu.memory_space<vmem>>, vector<1x16xi32>,
    %get3A_192 = arith.constant 1 : i32
    %get3A_193 = arith.index_cast %get3A_192 : i32 to index
    %get3A_194 = arith.constant 80 : index
    %get3A_195 = tpu.vector_load %arg5[%get3A_193, %get3A_194] {strides = array<i32>} : memref<104x128xi32, #tpu.memory_space<vmem>>, vector<1x16xi32>,
    %get3A_196 = vector.shape_cast %get3A_195 : vector<1x16xi32> to vector<16xi32>
    %add3A_197 = vector.broadcast %mul3A_126 : i32 to vector<16xi32>
    %add3A_198 = arith.addi %add3A_197, %get3A_196 : vector<16xi32>
    %swap3A_199 = arith.constant 1 : i32
    %swap3A_200 = arith.index_cast %swap3A_199 : i32 to index
    %swap3A_201 = arith.constant 80 : index
    %swap3A_202 = tpu.vector_load %arg5[%swap3A_200, %swap3A_201] {strides = array<i32>} : memref<104x128xi32, #tpu.memory_space<vmem>>, vector<1x16xi32>,
    %swap3A_203 = vector.shape_cast %swap3A_202 : vector<1x16xi32> to vector<16xi32>
    %swap3A_204 = vector.shape_cast %add3A_198 : vector<16xi32> to vector<1x16xi32>
    tpu.vector_store %arg5[%swap3A_200, %swap3A_201], %swap3A_204 {strides = array<i32>} : memref<104x128xi32, #tpu.memory_space<vmem>>, vector<1x16xi32>,
    %get3A_205 = arith.constant 1 : i32
    %get3A_206 = arith.index_cast %get3A_205 : i32 to index
    %get3A_207 = arith.constant 96 : index
    %get3A_208 = tpu.vector_load %arg5[%get3A_206, %get3A_207] {strides = array<i32>} : memref<104x128xi32, #tpu.memory_space<vmem>>, vector<1x16xi32>,
    %get3A_209 = vector.shape_cast %get3A_208 : vector<1x16xi32> to vector<16xi32>
    %add3A_210 = vector.broadcast %mul3A_126 : i32 to vector<16xi32>
    %add3A_211 = arith.addi %add3A_210, %get3A_209 : vector<16xi32>
    %swap3A_212 = arith.constant 1 : i32
    %swap3A_213 = arith.index_cast %swap3A_212 : i32 to index
    %swap3A_214 = arith.constant 96 : index
    %swap3A_215 = tpu.vector_load %arg5[%swap3A_213, %swap3A_214] {strides = array<i32>} : memref<104x128xi32, #tpu.memory_space<vmem>>, vector<1x16xi32>,
    %swap3A_216 = vector.shape_cast %swap3A_215 : vector<1x16xi32> to vector<16xi32>
    %swap3A_217 = vector.shape_cast %add3A_211 : vector<16xi32> to vector<1x16xi32>
    tpu.vector_store %arg5[%swap3A_213, %swap3A_214], %swap3A_217 {strides = array<i32>} : memref<104x128xi32, #tpu.memory_space<vmem>>, vector<1x16xi32>,
    %get3A_218 = arith.constant 1 : i32
    %get3A_219 = arith.index_cast %get3A_218 : i32 to index
    %get3A_220 = arith.constant 112 : index
    %get3A_221 = tpu.vector_load %arg5[%get3A_219, %get3A_220] {strides = array<i32>} : memref<104x128xi32, #tpu.memory_space<vmem>>, vector<1x16xi32>,
    %get3A_222 = vector.shape_cast %get3A_221 : vector<1x16xi32> to vector<16xi32>
    %add3A_223 = vector.broadcast %mul3A_126 : i32 to vector<16xi32>
    %add3A_224 = arith.addi %add3A_223, %get3A_222 : vector<16xi32>
    %swap3A_225 = arith.constant 1 : i32
    %swap3A_226 = arith.index_cast %swap3A_225 : i32 to index
    %swap3A_227 = arith.constant 112 : index
    %swap3A_228 = tpu.vector_load %arg5[%swap3A_226, %swap3A_227] {strides = array<i32>} : memref<104x128xi32, #tpu.memory_space<vmem>>, vector<1x16xi32>,
    %swap3A_229 = vector.shape_cast %swap3A_228 : vector<1x16xi32> to vector<16xi32>
    %swap3A_230 = vector.shape_cast %add3A_224 : vector<16xi32> to vector<1x16xi32>
    tpu.vector_store %arg5[%swap3A_226, %swap3A_227], %swap3A_230 {strides = array<i32>} : memref<104x128xi32, #tpu.memory_space<vmem>>, vector<1x16xi32>,
    %dma_start3A_231 = arith.constant 1 : i32
    %dma_start3A_232 = arith.constant 1 : i32
    %dma_start3A_233 = arith.constant 0 : i32
    %dma_start3A_234 = arith.constant 0 : i32
    %dma_start3A_235 = tpu.memref_slice %arg6[%dma_start3A_232, %dma_start3A_233, %dma_start3A_234] : memref<6x128x128xf32, #tpu.memory_space<vmem>> -> memref<1x128x128xf32, #tpu.memory_space<vmem>>
    %dma_start3A_236 = tpu.memref_squeeze %dma_start3A_235 : memref<1x128x128xf32, #tpu.memory_space<vmem>> -> memref<128x128xf32, #tpu.memory_space<vmem>>
    %dma_start3A_237 = arith.constant 0 : i32
    %dma_start3A_238 = tpu.memref_slice %arg5[%dma_start3A_231, %dma_start3A_237] : memref<104x128xi32, #tpu.memory_space<vmem>> -> memref<1x128xi32, #tpu.memory_space<vmem>>
    %dma_start3A_239 = tpu.memref_squeeze %dma_start3A_238 : memref<1x128xi32, #tpu.memory_space<vmem>> -> memref<128xi32, #tpu.memory_space<vmem>>
    %dma_start3A_240 = arith.constant 0 : i32
    %dma_start3A_241 = arith.constant 0 : i32
    %dma_start3A_242 = tpu.memref_slice %arg2[%dma_start3A_240, %dma_start3A_241] : memref<26000x128xf32, #tpu.memory_space<hbm>> -> memref<26000x128xf32, #tpu.memory_space<hbm>>
    tpu.enqueue_indirect_dma source(%dma_start3A_242 : memref<26000x128xf32, #tpu.memory_space<hbm>>) target(%dma_start3A_236 : memref<128x128xf32, #tpu.memory_space<vmem>>) offsets(%dma_start3A_239 : memref<128xi32, #tpu.memory_space<vmem>>) semaphore(%arg8 : memref<!tpu.dma_semaphore, #tpu.memory_space<semaphore_mem>>)
    %add3A_243 = arith.constant 2 : i32
    %add3A_244 = arith.addi %mul3A_2, %add3A_243 : i32
    %div3A_245 = arith.constant 128 : i32
    %div3A_246 = arith.divsi %add3A_244, %div3A_245 : i32
    %mul3A_247 = arith.constant 1000 : i32
    %mul3A_248 = arith.muli %div3A_246, %mul3A_247 : i32
    %get3A_249 = arith.constant 2 : i32
    %get3A_250 = arith.index_cast %get3A_249 : i32 to index
    %get3A_251 = arith.constant 0 : index
    %get3A_252 = tpu.vector_load %arg5[%get3A_250, %get3A_251] {strides = array<i32>} : memref<104x128xi32, #tpu.memory_space<vmem>>, vector<1x16xi32>,
    %get3A_253 = vector.shape_cast %get3A_252 : vector<1x16xi32> to vector<16xi32>
    %add3A_254 = vector.broadcast %mul3A_248 : i32 to vector<16xi32>
    %add3A_255 = arith.addi %add3A_254, %get3A_253 : vector<16xi32>
    %swap3A_256 = arith.constant 2 : i32
    %swap3A_257 = arith.index_cast %swap3A_256 : i32 to index
    %swap3A_258 = arith.constant 0 : index
    %swap3A_259 = tpu.vector_load %arg5[%swap3A_257, %swap3A_258] {strides = array<i32>} : memref<104x128xi32, #tpu.memory_space<vmem>>, vector<1x16xi32>,
    %swap3A_260 = vector.shape_cast %swap3A_259 : vector<1x16xi32> to vector<16xi32>
    %swap3A_261 = vector.shape_cast %add3A_255 : vector<16xi32> to vector<1x16xi32>
    tpu.vector_store %arg5[%swap3A_257, %swap3A_258], %swap3A_261 {strides = array<i32>} : memref<104x128xi32, #tpu.memory_space<vmem>>, vector<1x16xi32>,
    %get3A_262 = arith.constant 2 : i32
    %get3A_263 = arith.index_cast %get3A_262 : i32 to index
    %get3A_264 = arith.constant 16 : index
    %get3A_265 = tpu.vector_load %arg5[%get3A_263, %get3A_264] {strides = array<i32>} : memref<104x128xi32, #tpu.memory_space<vmem>>, vector<1x16xi32>,
    %get3A_266 = vector.shape_cast %get3A_265 : vector<1x16xi32> to vector<16xi32>
    %add3A_267 = vector.broadcast %mul3A_248 : i32 to vector<16xi32>
    %add3A_268 = arith.addi %add3A_267, %get3A_266 : vector<16xi32>
    %swap3A_269 = arith.constant 2 : i32
    %swap3A_270 = arith.index_cast %swap3A_269 : i32 to index
    %swap3A_271 = arith.constant 16 : index
    %swap3A_272 = tpu.vector_load %arg5[%swap3A_270, %swap3A_271] {strides = array<i32>} : memref<104x128xi32, #tpu.memory_space<vmem>>, vector<1x16xi32>,
    %swap3A_273 = vector.shape_cast %swap3A_272 : vector<1x16xi32> to vector<16xi32>
    %swap3A_274 = vector.shape_cast %add3A_268 : vector<16xi32> to vector<1x16xi32>
    tpu.vector_store %arg5[%swap3A_270, %swap3A_271], %swap3A_274 {strides = array<i32>} : memref<104x128xi32, #tpu.memory_space<vmem>>, vector<1x16xi32>,
    %get3A_275 = arith.constant 2 : i32
    %get3A_276 = arith.index_cast %get3A_275 : i32 to index
    %get3A_277 = arith.constant 32 : index
    %get3A_278 = tpu.vector_load %arg5[%get3A_276, %get3A_277] {strides = array<i32>} : memref<104x128xi32, #tpu.memory_space<vmem>>, vector<1x16xi32>,
    %get3A_279 = vector.shape_cast %get3A_278 : vector<1x16xi32> to vector<16xi32>
    %add3A_280 = vector.broadcast %mul3A_248 : i32 to vector<16xi32>
    %add3A_281 = arith.addi %add3A_280, %get3A_279 : vector<16xi32>
    %swap3A_282 = arith.constant 2 : i32
    %swap3A_283 = arith.index_cast %swap3A_282 : i32 to index
    %swap3A_284 = arith.constant 32 : index
    %swap3A_285 = tpu.vector_load %arg5[%swap3A_283, %swap3A_284] {strides = array<i32>} : memref<104x128xi32, #tpu.memory_space<vmem>>, vector<1x16xi32>,
    %swap3A_286 = vector.shape_cast %swap3A_285 : vector<1x16xi32> to vector<16xi32>
    %swap3A_287 = vector.shape_cast %add3A_281 : vector<16xi32> to vector<1x16xi32>
    tpu.vector_store %arg5[%swap3A_283, %swap3A_284], %swap3A_287 {strides = array<i32>} : memref<104x128xi32, #tpu.memory_space<vmem>>, vector<1x16xi32>,
    %get3A_288 = arith.constant 2 : i32
    %get3A_289 = arith.index_cast %get3A_288 : i32 to index
    %get3A_290 = arith.constant 48 : index
    %get3A_291 = tpu.vector_load %arg5[%get3A_289, %get3A_290] {strides = array<i32>} : memref<104x128xi32, #tpu.memory_space<vmem>>, vector<1x16xi32>,
    %get3A_292 = vector.shape_cast %get3A_291 : vector<1x16xi32> to vector<16xi32>
    %add3A_293 = vector.broadcast %mul3A_248 : i32 to vector<16xi32>
    %add3A_294 = arith.addi %add3A_293, %get3A_292 : vector<16xi32>
    %swap3A_295 = arith.constant 2 : i32
    %swap3A_296 = arith.index_cast %swap3A_295 : i32 to index
    %swap3A_297 = arith.constant 48 : index
    %swap3A_298 = tpu.vector_load %arg5[%swap3A_296, %swap3A_297] {strides = array<i32>} : memref<104x128xi32, #tpu.memory_space<vmem>>, vector<1x16xi32>,
    %swap3A_299 = vector.shape_cast %swap3A_298 : vector<1x16xi32> to vector<16xi32>
    %swap3A_300 = vector.shape_cast %add3A_294 : vector<16xi32> to vector<1x16xi32>
    tpu.vector_store %arg5[%swap3A_296, %swap3A_297], %swap3A_300 {strides = array<i32>} : memref<104x128xi32, #tpu.memory_space<vmem>>, vector<1x16xi32>,
    %get3A_301 = arith.constant 2 : i32
    %get3A_302 = arith.index_cast %get3A_301 : i32 to index
    %get3A_303 = arith.constant 64 : index
    %get3A_304 = tpu.vector_load %arg5[%get3A_302, %get3A_303] {strides = array<i32>} : memref<104x128xi32, #tpu.memory_space<vmem>>, vector<1x16xi32>,
    %get3A_305 = vector.shape_cast %get3A_304 : vector<1x16xi32> to vector<16xi32>
    %add3A_306 = vector.broadcast %mul3A_248 : i32 to vector<16xi32>
    %add3A_307 = arith.addi %add3A_306, %get3A_305 : vector<16xi32>
    %swap3A_308 = arith.constant 2 : i32
    %swap3A_309 = arith.index_cast %swap3A_308 : i32 to index
    %swap3A_310 = arith.constant 64 : index
    %swap3A_311 = tpu.vector_load %arg5[%swap3A_309, %swap3A_310] {strides = array<i32>} : memref<104x128xi32, #tpu.memory_space<vmem>>, vector<1x16xi32>,
    %swap3A_312 = vector.shape_cast %swap3A_311 : vector<1x16xi32> to vector<16xi32>
    %swap3A_313 = vector.shape_cast %add3A_307 : vector<16xi32> to vector<1x16xi32>
    tpu.vector_store %arg5[%swap3A_309, %swap3A_310], %swap3A_313 {strides = array<i32>} : memref<104x128xi32, #tpu.memory_space<vmem>>, vector<1x16xi32>,
    %get3A_314 = arith.constant 2 : i32
    %get3A_315 = arith.index_cast %get3A_314 : i32 to index
    %get3A_316 = arith.constant 80 : index
    %get3A_317 = tpu.vector_load %arg5[%get3A_315, %get3A_316] {strides = array<i32>} : memref<104x128xi32, #tpu.memory_space<vmem>>, vector<1x16xi32>,
    %get3A_318 = vector.shape_cast %get3A_317 : vector<1x16xi32> to vector<16xi32>
    %add3A_319 = vector.broadcast %mul3A_248 : i32 to vector<16xi32>
    %add3A_320 = arith.addi %add3A_319, %get3A_318 : vector<16xi32>
    %swap3A_321 = arith.constant 2 : i32
    %swap3A_322 = arith.index_cast %swap3A_321 : i32 to index
    %swap3A_323 = arith.constant 80 : index
    %swap3A_324 = tpu.vector_load %arg5[%swap3A_322, %swap3A_323] {strides = array<i32>} : memref<104x128xi32, #tpu.memory_space<vmem>>, vector<1x16xi32>,
    %swap3A_325 = vector.shape_cast %swap3A_324 : vector<1x16xi32> to vector<16xi32>
    %swap3A_326 = vector.shape_cast %add3A_320 : vector<16xi32> to vector<1x16xi32>
    tpu.vector_store %arg5[%swap3A_322, %swap3A_323], %swap3A_326 {strides = array<i32>} : memref<104x128xi32, #tpu.memory_space<vmem>>, vector<1x16xi32>,
    %get3A_327 = arith.constant 2 : i32
    %get3A_328 = arith.index_cast %get3A_327 : i32 to index
    %get3A_329 = arith.constant 96 : index
    %get3A_330 = tpu.vector_load %arg5[%get3A_328, %get3A_329] {strides = array<i32>} : memref<104x128xi32, #tpu.memory_space<vmem>>, vector<1x16xi32>,
    %get3A_331 = vector.shape_cast %get3A_330 : vector<1x16xi32> to vector<16xi32>
    %add3A_332 = vector.broadcast %mul3A_248 : i32 to vector<16xi32>
    %add3A_333 = arith.addi %add3A_332, %get3A_331 : vector<16xi32>
    %swap3A_334 = arith.constant 2 : i32
    %swap3A_335 = arith.index_cast %swap3A_334 : i32 to index
    %swap3A_336 = arith.constant 96 : index
    %swap3A_337 = tpu.vector_load %arg5[%swap3A_335, %swap3A_336] {strides = array<i32>} : memref<104x128xi32, #tpu.memory_space<vmem>>, vector<1x16xi32>,
    %swap3A_338 = vector.shape_cast %swap3A_337 : vector<1x16xi32> to vector<16xi32>
    %swap3A_339 = vector.shape_cast %add3A_333 : vector<16xi32> to vector<1x16xi32>
    tpu.vector_store %arg5[%swap3A_335, %swap3A_336], %swap3A_339 {strides = array<i32>} : memref<104x128xi32, #tpu.memory_space<vmem>>, vector<1x16xi32>,
    %get3A_340 = arith.constant 2 : i32
    %get3A_341 = arith.index_cast %get3A_340 : i32 to index
    %get3A_342 = arith.constant 112 : index
    %get3A_343 = tpu.vector_load %arg5[%get3A_341, %get3A_342] {strides = array<i32>} : memref<104x128xi32, #tpu.memory_space<vmem>>, vector<1x16xi32>,
    %get3A_344 = vector.shape_cast %get3A_343 : vector<1x16xi32> to vector<16xi32>
    %add3A_345 = vector.broadcast %mul3A_248 : i32 to vector<16xi32>
    %add3A_346 = arith.addi %add3A_345, %get3A_344 : vector<16xi32>
    %swap3A_347 = arith.constant 2 : i32
    %swap3A_348 = arith.index_cast %swap3A_347 : i32 to index
    %swap3A_349 = arith.constant 112 : index
    %swap3A_350 = tpu.vector_load %arg5[%swap3A_348, %swap3A_349] {strides = array<i32>} : memref<104x128xi32, #tpu.memory_space<vmem>>, vector<1x16xi32>,
    %swap3A_351 = vector.shape_cast %swap3A_350 : vector<1x16xi32> to vector<16xi32>
    %swap3A_352 = vector.shape_cast %add3A_346 : vector<16xi32> to vector<1x16xi32>
    tpu.vector_store %arg5[%swap3A_348, %swap3A_349], %swap3A_352 {strides = array<i32>} : memref<104x128xi32, #tpu.memory_space<vmem>>, vector<1x16xi32>,
    %dma_start3A_353 = arith.constant 2 : i32
    %dma_start3A_354 = arith.constant 2 : i32
    %dma_start3A_355 = arith.constant 0 : i32
    %dma_start3A_356 = arith.constant 0 : i32
    %dma_start3A_357 = tpu.memref_slice %arg6[%dma_start3A_354, %dma_start3A_355, %dma_start3A_356] : memref<6x128x128xf32, #tpu.memory_space<vmem>> -> memref<1x128x128xf32, #tpu.memory_space<vmem>>
    %dma_start3A_358 = tpu.memref_squeeze %dma_start3A_357 : memref<1x128x128xf32, #tpu.memory_space<vmem>> -> memref<128x128xf32, #tpu.memory_space<vmem>>
    %dma_start3A_359 = arith.constant 0 : i32
    %dma_start3A_360 = tpu.memref_slice %arg5[%dma_start3A_353, %dma_start3A_359] : memref<104x128xi32, #tpu.memory_space<vmem>> -> memref<1x128xi32, #tpu.memory_space<vmem>>
    %dma_start3A_361 = tpu.memref_squeeze %dma_start3A_360 : memref<1x128xi32, #tpu.memory_space<vmem>> -> memref<128xi32, #tpu.memory_space<vmem>>
    %dma_start3A_362 = arith.constant 0 : i32
    %dma_start3A_363 = arith.constant 0 : i32
    %dma_start3A_364 = tpu.memref_slice %arg2[%dma_start3A_362, %dma_start3A_363] : memref<26000x128xf32, #tpu.memory_space<hbm>> -> memref<26000x128xf32, #tpu.memory_space<hbm>>
    tpu.enqueue_indirect_dma source(%dma_start3A_364 : memref<26000x128xf32, #tpu.memory_space<hbm>>) target(%dma_start3A_358 : memref<128x128xf32, #tpu.memory_space<vmem>>) offsets(%dma_start3A_361 : memref<128xi32, #tpu.memory_space<vmem>>) semaphore(%arg9 : memref<!tpu.dma_semaphore, #tpu.memory_space<semaphore_mem>>)
    %add3A_365 = arith.constant 3 : i32
    %add3A_366 = arith.addi %mul3A_2, %add3A_365 : i32
    %div3A_367 = arith.constant 128 : i32
    %div3A_368 = arith.divsi %add3A_366, %div3A_367 : i32
    %mul3A_369 = arith.constant 1000 : i32
    %mul3A_370 = arith.muli %div3A_368, %mul3A_369 : i32
    %get3A_371 = arith.constant 3 : i32
    %get3A_372 = arith.index_cast %get3A_371 : i32 to index
    %get3A_373 = arith.constant 0 : index
    %get3A_374 = tpu.vector_load %arg5[%get3A_372, %get3A_373] {strides = array<i32>} : memref<104x128xi32, #tpu.memory_space<vmem>>, vector<1x16xi32>,
    %get3A_375 = vector.shape_cast %get3A_374 : vector<1x16xi32> to vector<16xi32>
    %add3A_376 = vector.broadcast %mul3A_370 : i32 to vector<16xi32>
    %add3A_377 = arith.addi %add3A_376, %get3A_375 : vector<16xi32>
    %swap3A_378 = arith.constant 3 : i32
    %swap3A_379 = arith.index_cast %swap3A_378 : i32 to index
    %swap3A_380 = arith.constant 0 : index
    %swap3A_381 = tpu.vector_load %arg5[%swap3A_379, %swap3A_380] {strides = array<i32>} : memref<104x128xi32, #tpu.memory_space<vmem>>, vector<1x16xi32>,
    %swap3A_382 = vector.shape_cast %swap3A_381 : vector<1x16xi32> to vector<16xi32>
    %swap3A_383 = vector.shape_cast %add3A_377 : vector<16xi32> to vector<1x16xi32>
    tpu.vector_store %arg5[%swap3A_379, %swap3A_380], %swap3A_383 {strides = array<i32>} : memref<104x128xi32, #tpu.memory_space<vmem>>, vector<1x16xi32>,
    %get3A_384 = arith.constant 3 : i32
    %get3A_385 = arith.index_cast %get3A_384 : i32 to index
    %get3A_386 = arith.constant 16 : index
    %get3A_387 = tpu.vector_load %arg5[%get3A_385, %get3A_386] {strides = array<i32>} : memref<104x128xi32, #tpu.memory_space<vmem>>, vector<1x16xi32>,
    %get3A_388 = vector.shape_cast %get3A_387 : vector<1x16xi32> to vector<16xi32>
    %add3A_389 = vector.broadcast %mul3A_370 : i32 to vector<16xi32>
    %add3A_390 = arith.addi %add3A_389, %get3A_388 : vector<16xi32>
    %swap3A_391 = arith.constant 3 : i32
    %swap3A_392 = arith.index_cast %swap3A_391 : i32 to index
    %swap3A_393 = arith.constant 16 : index
    %swap3A_394 = tpu.vector_load %arg5[%swap3A_392, %swap3A_393] {strides = array<i32>} : memref<104x128xi32, #tpu.memory_space<vmem>>, vector<1x16xi32>,
    %swap3A_395 = vector.shape_cast %swap3A_394 : vector<1x16xi32> to vector<16xi32>
    %swap3A_396 = vector.shape_cast %add3A_390 : vector<16xi32> to vector<1x16xi32>
    tpu.vector_store %arg5[%swap3A_392, %swap3A_393], %swap3A_396 {strides = array<i32>} : memref<104x128xi32, #tpu.memory_space<vmem>>, vector<1x16xi32>,
    %get3A_397 = arith.constant 3 : i32
    %get3A_398 = arith.index_cast %get3A_397 : i32 to index
    %get3A_399 = arith.constant 32 : index
    %get3A_400 = tpu.vector_load %arg5[%get3A_398, %get3A_399] {strides = array<i32>} : memref<104x128xi32, #tpu.memory_space<vmem>>, vector<1x16xi32>,
    %get3A_401 = vector.shape_cast %get3A_400 : vector<1x16xi32> to vector<16xi32>
    %add3A_402 = vector.broadcast %mul3A_370 : i32 to vector<16xi32>
    %add3A_403 = arith.addi %add3A_402, %get3A_401 : vector<16xi32>
    %swap3A_404 = arith.constant 3 : i32
    %swap3A_405 = arith.index_cast %swap3A_404 : i32 to index
    %swap3A_406 = arith.constant 32 : index
    %swap3A_407 = tpu.vector_load %arg5[%swap3A_405, %swap3A_406] {strides = array<i32>} : memref<104x128xi32, #tpu.memory_space<vmem>>, vector<1x16xi32>,
    %swap3A_408 = vector.shape_cast %swap3A_407 : vector<1x16xi32> to vector<16xi32>
    %swap3A_409 = vector.shape_cast %add3A_403 : vector<16xi32> to vector<1x16xi32>
    tpu.vector_store %arg5[%swap3A_405, %swap3A_406], %swap3A_409 {strides = array<i32>} : memref<104x128xi32, #tpu.memory_space<vmem>>, vector<1x16xi32>,
    %get3A_410 = arith.constant 3 : i32
    %get3A_411 = arith.index_cast %get3A_410 : i32 to index
    %get3A_412 = arith.constant 48 : index
    %get3A_413 = tpu.vector_load %arg5[%get3A_411, %get3A_412] {strides = array<i32>} : memref<104x128xi32, #tpu.memory_space<vmem>>, vector<1x16xi32>,
    %get3A_414 = vector.shape_cast %get3A_413 : vector<1x16xi32> to vector<16xi32>
    %add3A_415 = vector.broadcast %mul3A_370 : i32 to vector<16xi32>
    %add3A_416 = arith.addi %add3A_415, %get3A_414 : vector<16xi32>
    %swap3A_417 = arith.constant 3 : i32
    %swap3A_418 = arith.index_cast %swap3A_417 : i32 to index
    %swap3A_419 = arith.constant 48 : index
    %swap3A_420 = tpu.vector_load %arg5[%swap3A_418, %swap3A_419] {strides = array<i32>} : memref<104x128xi32, #tpu.memory_space<vmem>>, vector<1x16xi32>,
    %swap3A_421 = vector.shape_cast %swap3A_420 : vector<1x16xi32> to vector<16xi32>
    %swap3A_422 = vector.shape_cast %add3A_416 : vector<16xi32> to vector<1x16xi32>
    tpu.vector_store %arg5[%swap3A_418, %swap3A_419], %swap3A_422 {strides = array<i32>} : memref<104x128xi32, #tpu.memory_space<vmem>>, vector<1x16xi32>,
    %get3A_423 = arith.constant 3 : i32
    %get3A_424 = arith.index_cast %get3A_423 : i32 to index
    %get3A_425 = arith.constant 64 : index
    %get3A_426 = tpu.vector_load %arg5[%get3A_424, %get3A_425] {strides = array<i32>} : memref<104x128xi32, #tpu.memory_space<vmem>>, vector<1x16xi32>,
    %get3A_427 = vector.shape_cast %get3A_426 : vector<1x16xi32> to vector<16xi32>
    %add3A_428 = vector.broadcast %mul3A_370 : i32 to vector<16xi32>
    %add3A_429 = arith.addi %add3A_428, %get3A_427 : vector<16xi32>
    %swap3A_430 = arith.constant 3 : i32
    %swap3A_431 = arith.index_cast %swap3A_430 : i32 to index
    %swap3A_432 = arith.constant 64 : index
    %swap3A_433 = tpu.vector_load %arg5[%swap3A_431, %swap3A_432] {strides = array<i32>} : memref<104x128xi32, #tpu.memory_space<vmem>>, vector<1x16xi32>,
    %swap3A_434 = vector.shape_cast %swap3A_433 : vector<1x16xi32> to vector<16xi32>
    %swap3A_435 = vector.shape_cast %add3A_429 : vector<16xi32> to vector<1x16xi32>
    tpu.vector_store %arg5[%swap3A_431, %swap3A_432], %swap3A_435 {strides = array<i32>} : memref<104x128xi32, #tpu.memory_space<vmem>>, vector<1x16xi32>,
    %get3A_436 = arith.constant 3 : i32
    %get3A_437 = arith.index_cast %get3A_436 : i32 to index
    %get3A_438 = arith.constant 80 : index
    %get3A_439 = tpu.vector_load %arg5[%get3A_437, %get3A_438] {strides = array<i32>} : memref<104x128xi32, #tpu.memory_space<vmem>>, vector<1x16xi32>,
    %get3A_440 = vector.shape_cast %get3A_439 : vector<1x16xi32> to vector<16xi32>
    %add3A_441 = vector.broadcast %mul3A_370 : i32 to vector<16xi32>
    %add3A_442 = arith.addi %add3A_441, %get3A_440 : vector<16xi32>
    %swap3A_443 = arith.constant 3 : i32
    %swap3A_444 = arith.index_cast %swap3A_443 : i32 to index
    %swap3A_445 = arith.constant 80 : index
    %swap3A_446 = tpu.vector_load %arg5[%swap3A_444, %swap3A_445] {strides = array<i32>} : memref<104x128xi32, #tpu.memory_space<vmem>>, vector<1x16xi32>,
    %swap3A_447 = vector.shape_cast %swap3A_446 : vector<1x16xi32> to vector<16xi32>
    %swap3A_448 = vector.shape_cast %add3A_442 : vector<16xi32> to vector<1x16xi32>
    tpu.vector_store %arg5[%swap3A_444, %swap3A_445], %swap3A_448 {strides = array<i32>} : memref<104x128xi32, #tpu.memory_space<vmem>>, vector<1x16xi32>,
    %get3A_449 = arith.constant 3 : i32
    %get3A_450 = arith.index_cast %get3A_449 : i32 to index
    %get3A_451 = arith.constant 96 : index
    %get3A_452 = tpu.vector_load %arg5[%get3A_450, %get3A_451] {strides = array<i32>} : memref<104x128xi32, #tpu.memory_space<vmem>>, vector<1x16xi32>,
    %get3A_453 = vector.shape_cast %get3A_452 : vector<1x16xi32> to vector<16xi32>
    %add3A_454 = vector.broadcast %mul3A_370 : i32 to vector<16xi32>
    %add3A_455 = arith.addi %add3A_454, %get3A_453 : vector<16xi32>
    %swap3A_456 = arith.constant 3 : i32
    %swap3A_457 = arith.index_cast %swap3A_456 : i32 to index
    %swap3A_458 = arith.constant 96 : index
    %swap3A_459 = tpu.vector_load %arg5[%swap3A_457, %swap3A_458] {strides = array<i32>} : memref<104x128xi32, #tpu.memory_space<vmem>>, vector<1x16xi32>,
    %swap3A_460 = vector.shape_cast %swap3A_459 : vector<1x16xi32> to vector<16xi32>
    %swap3A_461 = vector.shape_cast %add3A_455 : vector<16xi32> to vector<1x16xi32>
    tpu.vector_store %arg5[%swap3A_457, %swap3A_458], %swap3A_461 {strides = array<i32>} : memref<104x128xi32, #tpu.memory_space<vmem>>, vector<1x16xi32>,
    %get3A_462 = arith.constant 3 : i32
    %get3A_463 = arith.index_cast %get3A_462 : i32 to index
    %get3A_464 = arith.constant 112 : index
    %get3A_465 = tpu.vector_load %arg5[%get3A_463, %get3A_464] {strides = array<i32>} : memref<104x128xi32, #tpu.memory_space<vmem>>, vector<1x16xi32>,
    %get3A_466 = vector.shape_cast %get3A_465 : vector<1x16xi32> to vector<16xi32>
    %add3A_467 = vector.broadcast %mul3A_370 : i32 to vector<16xi32>
    %add3A_468 = arith.addi %add3A_467, %get3A_466 : vector<16xi32>
    %swap3A_469 = arith.constant 3 : i32
    %swap3A_470 = arith.index_cast %swap3A_469 : i32 to index
    %swap3A_471 = arith.constant 112 : index
    %swap3A_472 = tpu.vector_load %arg5[%swap3A_470, %swap3A_471] {strides = array<i32>} : memref<104x128xi32, #tpu.memory_space<vmem>>, vector<1x16xi32>,
    %swap3A_473 = vector.shape_cast %swap3A_472 : vector<1x16xi32> to vector<16xi32>
    %swap3A_474 = vector.shape_cast %add3A_468 : vector<16xi32> to vector<1x16xi32>
    tpu.vector_store %arg5[%swap3A_470, %swap3A_471], %swap3A_474 {strides = array<i32>} : memref<104x128xi32, #tpu.memory_space<vmem>>, vector<1x16xi32>,
    %dma_start3A_475 = arith.constant 3 : i32
    %dma_start3A_476 = arith.constant 3 : i32
    %dma_start3A_477 = arith.constant 0 : i32
    %dma_start3A_478 = arith.constant 0 : i32
    %dma_start3A_479 = tpu.memref_slice %arg6[%dma_start3A_476, %dma_start3A_477, %dma_start3A_478] : memref<6x128x128xf32, #tpu.memory_space<vmem>> -> memref<1x128x128xf32, #tpu.memory_space<vmem>>
    %dma_start3A_480 = tpu.memref_squeeze %dma_start3A_479 : memref<1x128x128xf32, #tpu.memory_space<vmem>> -> memref<128x128xf32, #tpu.memory_space<vmem>>
    %dma_start3A_481 = arith.constant 0 : i32
    %dma_start3A_482 = tpu.memref_slice %arg5[%dma_start3A_475, %dma_start3A_481] : memref<104x128xi32, #tpu.memory_space<vmem>> -> memref<1x128xi32, #tpu.memory_space<vmem>>
    %dma_start3A_483 = tpu.memref_squeeze %dma_start3A_482 : memref<1x128xi32, #tpu.memory_space<vmem>> -> memref<128xi32, #tpu.memory_space<vmem>>
    %dma_start3A_484 = arith.constant 0 : i32
    %dma_start3A_485 = arith.constant 0 : i32
    %dma_start3A_486 = tpu.memref_slice %arg2[%dma_start3A_484, %dma_start3A_485] : memref<26000x128xf32, #tpu.memory_space<hbm>> -> memref<26000x128xf32, #tpu.memory_space<hbm>>
    tpu.enqueue_indirect_dma source(%dma_start3A_486 : memref<26000x128xf32, #tpu.memory_space<hbm>>) target(%dma_start3A_480 : memref<128x128xf32, #tpu.memory_space<vmem>>) offsets(%dma_start3A_483 : memref<128xi32, #tpu.memory_space<vmem>>) semaphore(%arg10 : memref<!tpu.dma_semaphore, #tpu.memory_space<semaphore_mem>>)
    %add3A_487 = arith.constant 4 : i32
    %add3A_488 = arith.addi %mul3A_2, %add3A_487 : i32
    %div3A_489 = arith.constant 128 : i32
    %div3A_490 = arith.divsi %add3A_488, %div3A_489 : i32
    %mul3A_491 = arith.constant 1000 : i32
    %mul3A_492 = arith.muli %div3A_490, %mul3A_491 : i32
    %get3A_493 = arith.constant 4 : i32
    %get3A_494 = arith.index_cast %get3A_493 : i32 to index
    %get3A_495 = arith.constant 0 : index
    %get3A_496 = tpu.vector_load %arg5[%get3A_494, %get3A_495] {strides = array<i32>} : memref<104x128xi32, #tpu.memory_space<vmem>>, vector<1x16xi32>,
    %get3A_497 = vector.shape_cast %get3A_496 : vector<1x16xi32> to vector<16xi32>
    %add3A_498 = vector.broadcast %mul3A_492 : i32 to vector<16xi32>
    %add3A_499 = arith.addi %add3A_498, %get3A_497 : vector<16xi32>
    %swap3A_500 = arith.constant 4 : i32
    %swap3A_501 = arith.index_cast %swap3A_500 : i32 to index
    %swap3A_502 = arith.constant 0 : index
    %swap3A_503 = tpu.vector_load %arg5[%swap3A_501, %swap3A_502] {strides = array<i32>} : memref<104x128xi32, #tpu.memory_space<vmem>>, vector<1x16xi32>,
    %swap3A_504 = vector.shape_cast %swap3A_503 : vector<1x16xi32> to vector<16xi32>
    %swap3A_505 = vector.shape_cast %add3A_499 : vector<16xi32> to vector<1x16xi32>
    tpu.vector_store %arg5[%swap3A_501, %swap3A_502], %swap3A_505 {strides = array<i32>} : memref<104x128xi32, #tpu.memory_space<vmem>>, vector<1x16xi32>,
    %get3A_506 = arith.constant 4 : i32
    %get3A_507 = arith.index_cast %get3A_506 : i32 to index
    %get3A_508 = arith.constant 16 : index
    %get3A_509 = tpu.vector_load %arg5[%get3A_507, %get3A_508] {strides = array<i32>} : memref<104x128xi32, #tpu.memory_space<vmem>>, vector<1x16xi32>,
    %get3A_510 = vector.shape_cast %get3A_509 : vector<1x16xi32> to vector<16xi32>
    %add3A_511 = vector.broadcast %mul3A_492 : i32 to vector<16xi32>
    %add3A_512 = arith.addi %add3A_511, %get3A_510 : vector<16xi32>
    %swap3A_513 = arith.constant 4 : i32
    %swap3A_514 = arith.index_cast %swap3A_513 : i32 to index
    %swap3A_515 = arith.constant 16 : index
    %swap3A_516 = tpu.vector_load %arg5[%swap3A_514, %swap3A_515] {strides = array<i32>} : memref<104x128xi32, #tpu.memory_space<vmem>>, vector<1x16xi32>,
    %swap3A_517 = vector.shape_cast %swap3A_516 : vector<1x16xi32> to vector<16xi32>
    %swap3A_518 = vector.shape_cast %add3A_512 : vector<16xi32> to vector<1x16xi32>
    tpu.vector_store %arg5[%swap3A_514, %swap3A_515], %swap3A_518 {strides = array<i32>} : memref<104x128xi32, #tpu.memory_space<vmem>>, vector<1x16xi32>,
    %get3A_519 = arith.constant 4 : i32
    %get3A_520 = arith.index_cast %get3A_519 : i32 to index
    %get3A_521 = arith.constant 32 : index
    %get3A_522 = tpu.vector_load %arg5[%get3A_520, %get3A_521] {strides = array<i32>} : memref<104x128xi32, #tpu.memory_space<vmem>>, vector<1x16xi32>,
    %get3A_523 = vector.shape_cast %get3A_522 : vector<1x16xi32> to vector<16xi32>
    %add3A_524 = vector.broadcast %mul3A_492 : i32 to vector<16xi32>
    %add3A_525 = arith.addi %add3A_524, %get3A_523 : vector<16xi32>
    %swap3A_526 = arith.constant 4 : i32
    %swap3A_527 = arith.index_cast %swap3A_526 : i32 to index
    %swap3A_528 = arith.constant 32 : index
    %swap3A_529 = tpu.vector_load %arg5[%swap3A_527, %swap3A_528] {strides = array<i32>} : memref<104x128xi32, #tpu.memory_space<vmem>>, vector<1x16xi32>,
    %swap3A_530 = vector.shape_cast %swap3A_529 : vector<1x16xi32> to vector<16xi32>
    %swap3A_531 = vector.shape_cast %add3A_525 : vector<16xi32> to vector<1x16xi32>
    tpu.vector_store %arg5[%swap3A_527, %swap3A_528], %swap3A_531 {strides = array<i32>} : memref<104x128xi32, #tpu.memory_space<vmem>>, vector<1x16xi32>,
    %get3A_532 = arith.constant 4 : i32
    %get3A_533 = arith.index_cast %get3A_532 : i32 to index
    %get3A_534 = arith.constant 48 : index
    %get3A_535 = tpu.vector_load %arg5[%get3A_533, %get3A_534] {strides = array<i32>} : memref<104x128xi32, #tpu.memory_space<vmem>>, vector<1x16xi32>,
    %get3A_536 = vector.shape_cast %get3A_535 : vector<1x16xi32> to vector<16xi32>
    %add3A_537 = vector.broadcast %mul3A_492 : i32 to vector<16xi32>
    %add3A_538 = arith.addi %add3A_537, %get3A_536 : vector<16xi32>
    %swap3A_539 = arith.constant 4 : i32
    %swap3A_540 = arith.index_cast %swap3A_539 : i32 to index
    %swap3A_541 = arith.constant 48 : index
    %swap3A_542 = tpu.vector_load %arg5[%swap3A_540, %swap3A_541] {strides = array<i32>} : memref<104x128xi32, #tpu.memory_space<vmem>>, vector<1x16xi32>,
    %swap3A_543 = vector.shape_cast %swap3A_542 : vector<1x16xi32> to vector<16xi32>
    %swap3A_544 = vector.shape_cast %add3A_538 : vector<16xi32> to vector<1x16xi32>
    tpu.vector_store %arg5[%swap3A_540, %swap3A_541], %swap3A_544 {strides = array<i32>} : memref<104x128xi32, #tpu.memory_space<vmem>>, vector<1x16xi32>,
    %get3A_545 = arith.constant 4 : i32
    %get3A_546 = arith.index_cast %get3A_545 : i32 to index
    %get3A_547 = arith.constant 64 : index
    %get3A_548 = tpu.vector_load %arg5[%get3A_546, %get3A_547] {strides = array<i32>} : memref<104x128xi32, #tpu.memory_space<vmem>>, vector<1x16xi32>,
    %get3A_549 = vector.shape_cast %get3A_548 : vector<1x16xi32> to vector<16xi32>
    %add3A_550 = vector.broadcast %mul3A_492 : i32 to vector<16xi32>
    %add3A_551 = arith.addi %add3A_550, %get3A_549 : vector<16xi32>
    %swap3A_552 = arith.constant 4 : i32
    %swap3A_553 = arith.index_cast %swap3A_552 : i32 to index
    %swap3A_554 = arith.constant 64 : index
    %swap3A_555 = tpu.vector_load %arg5[%swap3A_553, %swap3A_554] {strides = array<i32>} : memref<104x128xi32, #tpu.memory_space<vmem>>, vector<1x16xi32>,
    %swap3A_556 = vector.shape_cast %swap3A_555 : vector<1x16xi32> to vector<16xi32>
    %swap3A_557 = vector.shape_cast %add3A_551 : vector<16xi32> to vector<1x16xi32>
    tpu.vector_store %arg5[%swap3A_553, %swap3A_554], %swap3A_557 {strides = array<i32>} : memref<104x128xi32, #tpu.memory_space<vmem>>, vector<1x16xi32>,
    %get3A_558 = arith.constant 4 : i32
    %get3A_559 = arith.index_cast %get3A_558 : i32 to index
    %get3A_560 = arith.constant 80 : index
    %get3A_561 = tpu.vector_load %arg5[%get3A_559, %get3A_560] {strides = array<i32>} : memref<104x128xi32, #tpu.memory_space<vmem>>, vector<1x16xi32>,
    %get3A_562 = vector.shape_cast %get3A_561 : vector<1x16xi32> to vector<16xi32>
    %add3A_563 = vector.broadcast %mul3A_492 : i32 to vector<16xi32>
    %add3A_564 = arith.addi %add3A_563, %get3A_562 : vector<16xi32>
    %swap3A_565 = arith.constant 4 : i32
    %swap3A_566 = arith.index_cast %swap3A_565 : i32 to index
    %swap3A_567 = arith.constant 80 : index
    %swap3A_568 = tpu.vector_load %arg5[%swap3A_566, %swap3A_567] {strides = array<i32>} : memref<104x128xi32, #tpu.memory_space<vmem>>, vector<1x16xi32>,
    %swap3A_569 = vector.shape_cast %swap3A_568 : vector<1x16xi32> to vector<16xi32>
    %swap3A_570 = vector.shape_cast %add3A_564 : vector<16xi32> to vector<1x16xi32>
    tpu.vector_store %arg5[%swap3A_566, %swap3A_567], %swap3A_570 {strides = array<i32>} : memref<104x128xi32, #tpu.memory_space<vmem>>, vector<1x16xi32>,
    %get3A_571 = arith.constant 4 : i32
    %get3A_572 = arith.index_cast %get3A_571 : i32 to index
    %get3A_573 = arith.constant 96 : index
    %get3A_574 = tpu.vector_load %arg5[%get3A_572, %get3A_573] {strides = array<i32>} : memref<104x128xi32, #tpu.memory_space<vmem>>, vector<1x16xi32>,
    %get3A_575 = vector.shape_cast %get3A_574 : vector<1x16xi32> to vector<16xi32>
    %add3A_576 = vector.broadcast %mul3A_492 : i32 to vector<16xi32>
    %add3A_577 = arith.addi %add3A_576, %get3A_575 : vector<16xi32>
    %swap3A_578 = arith.constant 4 : i32
    %swap3A_579 = arith.index_cast %swap3A_578 : i32 to index
    %swap3A_580 = arith.constant 96 : index
    %swap3A_581 = tpu.vector_load %arg5[%swap3A_579, %swap3A_580] {strides = array<i32>} : memref<104x128xi32, #tpu.memory_space<vmem>>, vector<1x16xi32>,
    %swap3A_582 = vector.shape_cast %swap3A_581 : vector<1x16xi32> to vector<16xi32>
    %swap3A_583 = vector.shape_cast %add3A_577 : vector<16xi32> to vector<1x16xi32>
    tpu.vector_store %arg5[%swap3A_579, %swap3A_580], %swap3A_583 {strides = array<i32>} : memref<104x128xi32, #tpu.memory_space<vmem>>, vector<1x16xi32>,
    %get3A_584 = arith.constant 4 : i32
    %get3A_585 = arith.index_cast %get3A_584 : i32 to index
    %get3A_586 = arith.constant 112 : index
    %get3A_587 = tpu.vector_load %arg5[%get3A_585, %get3A_586] {strides = array<i32>} : memref<104x128xi32, #tpu.memory_space<vmem>>, vector<1x16xi32>,
    %get3A_588 = vector.shape_cast %get3A_587 : vector<1x16xi32> to vector<16xi32>
    %add3A_589 = vector.broadcast %mul3A_492 : i32 to vector<16xi32>
    %add3A_590 = arith.addi %add3A_589, %get3A_588 : vector<16xi32>
    %swap3A_591 = arith.constant 4 : i32
    %swap3A_592 = arith.index_cast %swap3A_591 : i32 to index
    %swap3A_593 = arith.constant 112 : index
    %swap3A_594 = tpu.vector_load %arg5[%swap3A_592, %swap3A_593] {strides = array<i32>} : memref<104x128xi32, #tpu.memory_space<vmem>>, vector<1x16xi32>,
    %swap3A_595 = vector.shape_cast %swap3A_594 : vector<1x16xi32> to vector<16xi32>
    %swap3A_596 = vector.shape_cast %add3A_590 : vector<16xi32> to vector<1x16xi32>
    tpu.vector_store %arg5[%swap3A_592, %swap3A_593], %swap3A_596 {strides = array<i32>} : memref<104x128xi32, #tpu.memory_space<vmem>>, vector<1x16xi32>,
    %dma_start3A_597 = arith.constant 4 : i32
    %dma_start3A_598 = arith.constant 4 : i32
    %dma_start3A_599 = arith.constant 0 : i32
    %dma_start3A_600 = arith.constant 0 : i32
    %dma_start3A_601 = tpu.memref_slice %arg6[%dma_start3A_598, %dma_start3A_599, %dma_start3A_600] : memref<6x128x128xf32, #tpu.memory_space<vmem>> -> memref<1x128x128xf32, #tpu.memory_space<vmem>>
    %dma_start3A_602 = tpu.memref_squeeze %dma_start3A_601 : memref<1x128x128xf32, #tpu.memory_space<vmem>> -> memref<128x128xf32, #tpu.memory_space<vmem>>
    %dma_start3A_603 = arith.constant 0 : i32
    %dma_start3A_604 = tpu.memref_slice %arg5[%dma_start3A_597, %dma_start3A_603] : memref<104x128xi32, #tpu.memory_space<vmem>> -> memref<1x128xi32, #tpu.memory_space<vmem>>
    %dma_start3A_605 = tpu.memref_squeeze %dma_start3A_604 : memref<1x128xi32, #tpu.memory_space<vmem>> -> memref<128xi32, #tpu.memory_space<vmem>>
    %dma_start3A_606 = arith.constant 0 : i32
    %dma_start3A_607 = arith.constant 0 : i32
    %dma_start3A_608 = tpu.memref_slice %arg2[%dma_start3A_606, %dma_start3A_607] : memref<26000x128xf32, #tpu.memory_space<hbm>> -> memref<26000x128xf32, #tpu.memory_space<hbm>>
    tpu.enqueue_indirect_dma source(%dma_start3A_608 : memref<26000x128xf32, #tpu.memory_space<hbm>>) target(%dma_start3A_602 : memref<128x128xf32, #tpu.memory_space<vmem>>) offsets(%dma_start3A_605 : memref<128xi32, #tpu.memory_space<vmem>>) semaphore(%arg11 : memref<!tpu.dma_semaphore, #tpu.memory_space<semaphore_mem>>)
    %add3A_609 = arith.constant 5 : i32
    %add3A_610 = arith.addi %mul3A_2, %add3A_609 : i32
    %div3A_611 = arith.constant 128 : i32
    %div3A_612 = arith.divsi %add3A_610, %div3A_611 : i32
    %mul3A_613 = arith.constant 1000 : i32
    %mul3A_614 = arith.muli %div3A_612, %mul3A_613 : i32
    %get3A_615 = arith.constant 5 : i32
    %get3A_616 = arith.index_cast %get3A_615 : i32 to index
    %get3A_617 = arith.constant 0 : index
    %get3A_618 = tpu.vector_load %arg5[%get3A_616, %get3A_617] {strides = array<i32>} : memref<104x128xi32, #tpu.memory_space<vmem>>, vector<1x16xi32>,
    %get3A_619 = vector.shape_cast %get3A_618 : vector<1x16xi32> to vector<16xi32>
    %add3A_620 = vector.broadcast %mul3A_614 : i32 to vector<16xi32>
    %add3A_621 = arith.addi %add3A_620, %get3A_619 : vector<16xi32>
    %swap3A_622 = arith.constant 5 : i32
    %swap3A_623 = arith.index_cast %swap3A_622 : i32 to index
    %swap3A_624 = arith.constant 0 : index
    %swap3A_625 = tpu.vector_load %arg5[%swap3A_623, %swap3A_624] {strides = array<i32>} : memref<104x128xi32, #tpu.memory_space<vmem>>, vector<1x16xi32>,
    %swap3A_626 = vector.shape_cast %swap3A_625 : vector<1x16xi32> to vector<16xi32>
    %swap3A_627 = vector.shape_cast %add3A_621 : vector<16xi32> to vector<1x16xi32>
    tpu.vector_store %arg5[%swap3A_623, %swap3A_624], %swap3A_627 {strides = array<i32>} : memref<104x128xi32, #tpu.memory_space<vmem>>, vector<1x16xi32>,
    %get3A_628 = arith.constant 5 : i32
    %get3A_629 = arith.index_cast %get3A_628 : i32 to index
    %get3A_630 = arith.constant 16 : index
    %get3A_631 = tpu.vector_load %arg5[%get3A_629, %get3A_630] {strides = array<i32>} : memref<104x128xi32, #tpu.memory_space<vmem>>, vector<1x16xi32>,
    %get3A_632 = vector.shape_cast %get3A_631 : vector<1x16xi32> to vector<16xi32>
    %add3A_633 = vector.broadcast %mul3A_614 : i32 to vector<16xi32>
    %add3A_634 = arith.addi %add3A_633, %get3A_632 : vector<16xi32>
    %swap3A_635 = arith.constant 5 : i32
    %swap3A_636 = arith.index_cast %swap3A_635 : i32 to index
    %swap3A_637 = arith.constant 16 : index
    %swap3A_638 = tpu.vector_load %arg5[%swap3A_636, %swap3A_637] {strides = array<i32>} : memref<104x128xi32, #tpu.memory_space<vmem>>, vector<1x16xi32>,
    %swap3A_639 = vector.shape_cast %swap3A_638 : vector<1x16xi32> to vector<16xi32>
    %swap3A_640 = vector.shape_cast %add3A_634 : vector<16xi32> to vector<1x16xi32>
    tpu.vector_store %arg5[%swap3A_636, %swap3A_637], %swap3A_640 {strides = array<i32>} : memref<104x128xi32, #tpu.memory_space<vmem>>, vector<1x16xi32>,
    %get3A_641 = arith.constant 5 : i32
    %get3A_642 = arith.index_cast %get3A_641 : i32 to index
    %get3A_643 = arith.constant 32 : index
    %get3A_644 = tpu.vector_load %arg5[%get3A_642, %get3A_643] {strides = array<i32>} : memref<104x128xi32, #tpu.memory_space<vmem>>, vector<1x16xi32>,
    %get3A_645 = vector.shape_cast %get3A_644 : vector<1x16xi32> to vector<16xi32>
    %add3A_646 = vector.broadcast %mul3A_614 : i32 to vector<16xi32>
    %add3A_647 = arith.addi %add3A_646, %get3A_645 : vector<16xi32>
    %swap3A_648 = arith.constant 5 : i32
    %swap3A_649 = arith.index_cast %swap3A_648 : i32 to index
    %swap3A_650 = arith.constant 32 : index
    %swap3A_651 = tpu.vector_load %arg5[%swap3A_649, %swap3A_650] {strides = array<i32>} : memref<104x128xi32, #tpu.memory_space<vmem>>, vector<1x16xi32>,
    %swap3A_652 = vector.shape_cast %swap3A_651 : vector<1x16xi32> to vector<16xi32>
    %swap3A_653 = vector.shape_cast %add3A_647 : vector<16xi32> to vector<1x16xi32>
    tpu.vector_store %arg5[%swap3A_649, %swap3A_650], %swap3A_653 {strides = array<i32>} : memref<104x128xi32, #tpu.memory_space<vmem>>, vector<1x16xi32>,
    %get3A_654 = arith.constant 5 : i32
    %get3A_655 = arith.index_cast %get3A_654 : i32 to index
    %get3A_656 = arith.constant 48 : index
    %get3A_657 = tpu.vector_load %arg5[%get3A_655, %get3A_656] {strides = array<i32>} : memref<104x128xi32, #tpu.memory_space<vmem>>, vector<1x16xi32>,
    %get3A_658 = vector.shape_cast %get3A_657 : vector<1x16xi32> to vector<16xi32>
    %add3A_659 = vector.broadcast %mul3A_614 : i32 to vector<16xi32>
    %add3A_660 = arith.addi %add3A_659, %get3A_658 : vector<16xi32>
    %swap3A_661 = arith.constant 5 : i32
    %swap3A_662 = arith.index_cast %swap3A_661 : i32 to index
    %swap3A_663 = arith.constant 48 : index
    %swap3A_664 = tpu.vector_load %arg5[%swap3A_662, %swap3A_663] {strides = array<i32>} : memref<104x128xi32, #tpu.memory_space<vmem>>, vector<1x16xi32>,
    %swap3A_665 = vector.shape_cast %swap3A_664 : vector<1x16xi32> to vector<16xi32>
    %swap3A_666 = vector.shape_cast %add3A_660 : vector<16xi32> to vector<1x16xi32>
    tpu.vector_store %arg5[%swap3A_662, %swap3A_663], %swap3A_666 {strides = array<i32>} : memref<104x128xi32, #tpu.memory_space<vmem>>, vector<1x16xi32>,
    %get3A_667 = arith.constant 5 : i32
    %get3A_668 = arith.index_cast %get3A_667 : i32 to index
    %get3A_669 = arith.constant 64 : index
    %get3A_670 = tpu.vector_load %arg5[%get3A_668, %get3A_669] {strides = array<i32>} : memref<104x128xi32, #tpu.memory_space<vmem>>, vector<1x16xi32>,
    %get3A_671 = vector.shape_cast %get3A_670 : vector<1x16xi32> to vector<16xi32>
    %add3A_672 = vector.broadcast %mul3A_614 : i32 to vector<16xi32>
    %add3A_673 = arith.addi %add3A_672, %get3A_671 : vector<16xi32>
    %swap3A_674 = arith.constant 5 : i32
    %swap3A_675 = arith.index_cast %swap3A_674 : i32 to index
    %swap3A_676 = arith.constant 64 : index
    %swap3A_677 = tpu.vector_load %arg5[%swap3A_675, %swap3A_676] {strides = array<i32>} : memref<104x128xi32, #tpu.memory_space<vmem>>, vector<1x16xi32>,
    %swap3A_678 = vector.shape_cast %swap3A_677 : vector<1x16xi32> to vector<16xi32>
    %swap3A_679 = vector.shape_cast %add3A_673 : vector<16xi32> to vector<1x16xi32>
    tpu.vector_store %arg5[%swap3A_675, %swap3A_676], %swap3A_679 {strides = array<i32>} : memref<104x128xi32, #tpu.memory_space<vmem>>, vector<1x16xi32>,
    %get3A_680 = arith.constant 5 : i32
    %get3A_681 = arith.index_cast %get3A_680 : i32 to index
    %get3A_682 = arith.constant 80 : index
    %get3A_683 = tpu.vector_load %arg5[%get3A_681, %get3A_682] {strides = array<i32>} : memref<104x128xi32, #tpu.memory_space<vmem>>, vector<1x16xi32>,
    %get3A_684 = vector.shape_cast %get3A_683 : vector<1x16xi32> to vector<16xi32>
    %add3A_685 = vector.broadcast %mul3A_614 : i32 to vector<16xi32>
    %add3A_686 = arith.addi %add3A_685, %get3A_684 : vector<16xi32>
    %swap3A_687 = arith.constant 5 : i32
    %swap3A_688 = arith.index_cast %swap3A_687 : i32 to index
    %swap3A_689 = arith.constant 80 : index
    %swap3A_690 = tpu.vector_load %arg5[%swap3A_688, %swap3A_689] {strides = array<i32>} : memref<104x128xi32, #tpu.memory_space<vmem>>, vector<1x16xi32>,
    %swap3A_691 = vector.shape_cast %swap3A_690 : vector<1x16xi32> to vector<16xi32>
    %swap3A_692 = vector.shape_cast %add3A_686 : vector<16xi32> to vector<1x16xi32>
    tpu.vector_store %arg5[%swap3A_688, %swap3A_689], %swap3A_692 {strides = array<i32>} : memref<104x128xi32, #tpu.memory_space<vmem>>, vector<1x16xi32>,
    %get3A_693 = arith.constant 5 : i32
    %get3A_694 = arith.index_cast %get3A_693 : i32 to index
    %get3A_695 = arith.constant 96 : index
    %get3A_696 = tpu.vector_load %arg5[%get3A_694, %get3A_695] {strides = array<i32>} : memref<104x128xi32, #tpu.memory_space<vmem>>, vector<1x16xi32>,
    %get3A_697 = vector.shape_cast %get3A_696 : vector<1x16xi32> to vector<16xi32>
    %add3A_698 = vector.broadcast %mul3A_614 : i32 to vector<16xi32>
    %add3A_699 = arith.addi %add3A_698, %get3A_697 : vector<16xi32>
    %swap3A_700 = arith.constant 5 : i32
    %swap3A_701 = arith.index_cast %swap3A_700 : i32 to index
    %swap3A_702 = arith.constant 96 : index
    %swap3A_703 = tpu.vector_load %arg5[%swap3A_701, %swap3A_702] {strides = array<i32>} : memref<104x128xi32, #tpu.memory_space<vmem>>, vector<1x16xi32>,
    %swap3A_704 = vector.shape_cast %swap3A_703 : vector<1x16xi32> to vector<16xi32>
    %swap3A_705 = vector.shape_cast %add3A_699 : vector<16xi32> to vector<1x16xi32>
    tpu.vector_store %arg5[%swap3A_701, %swap3A_702], %swap3A_705 {strides = array<i32>} : memref<104x128xi32, #tpu.memory_space<vmem>>, vector<1x16xi32>,
    %get3A_706 = arith.constant 5 : i32
    %get3A_707 = arith.index_cast %get3A_706 : i32 to index
    %get3A_708 = arith.constant 112 : index
    %get3A_709 = tpu.vector_load %arg5[%get3A_707, %get3A_708] {strides = array<i32>} : memref<104x128xi32, #tpu.memory_space<vmem>>, vector<1x16xi32>,
    %get3A_710 = vector.shape_cast %get3A_709 : vector<1x16xi32> to vector<16xi32>
    %add3A_711 = vector.broadcast %mul3A_614 : i32 to vector<16xi32>
    %add3A_712 = arith.addi %add3A_711, %get3A_710 : vector<16xi32>
    %swap3A_713 = arith.constant 5 : i32
    %swap3A_714 = arith.index_cast %swap3A_713 : i32 to index
    %swap3A_715 = arith.constant 112 : index
    %swap3A_716 = tpu.vector_load %arg5[%swap3A_714, %swap3A_715] {strides = array<i32>} : memref<104x128xi32, #tpu.memory_space<vmem>>, vector<1x16xi32>,
    %swap3A_717 = vector.shape_cast %swap3A_716 : vector<1x16xi32> to vector<16xi32>
    %swap3A_718 = vector.shape_cast %add3A_712 : vector<16xi32> to vector<1x16xi32>
    tpu.vector_store %arg5[%swap3A_714, %swap3A_715], %swap3A_718 {strides = array<i32>} : memref<104x128xi32, #tpu.memory_space<vmem>>, vector<1x16xi32>,
    %dma_start3A_719 = arith.constant 5 : i32
    %dma_start3A_720 = arith.constant 5 : i32
    %dma_start3A_721 = arith.constant 0 : i32
    %dma_start3A_722 = arith.constant 0 : i32
    %dma_start3A_723 = tpu.memref_slice %arg6[%dma_start3A_720, %dma_start3A_721, %dma_start3A_722] : memref<6x128x128xf32, #tpu.memory_space<vmem>> -> memref<1x128x128xf32, #tpu.memory_space<vmem>>
    %dma_start3A_724 = tpu.memref_squeeze %dma_start3A_723 : memref<1x128x128xf32, #tpu.memory_space<vmem>> -> memref<128x128xf32, #tpu.memory_space<vmem>>
    %dma_start3A_725 = arith.constant 0 : i32
    %dma_start3A_726 = tpu.memref_slice %arg5[%dma_start3A_719, %dma_start3A_725] : memref<104x128xi32, #tpu.memory_space<vmem>> -> memref<1x128xi32, #tpu.memory_space<vmem>>
    %dma_start3A_727 = tpu.memref_squeeze %dma_start3A_726 : memref<1x128xi32, #tpu.memory_space<vmem>> -> memref<128xi32, #tpu.memory_space<vmem>>
    %dma_start3A_728 = arith.constant 0 : i32
    %dma_start3A_729 = arith.constant 0 : i32
    %dma_start3A_730 = tpu.memref_slice %arg2[%dma_start3A_728, %dma_start3A_729] : memref<26000x128xf32, #tpu.memory_space<hbm>> -> memref<26000x128xf32, #tpu.memory_space<hbm>>
    tpu.enqueue_indirect_dma source(%dma_start3A_730 : memref<26000x128xf32, #tpu.memory_space<hbm>>) target(%dma_start3A_724 : memref<128x128xf32, #tpu.memory_space<vmem>>) offsets(%dma_start3A_727 : memref<128xi32, #tpu.memory_space<vmem>>) semaphore(%arg12 : memref<!tpu.dma_semaphore, #tpu.memory_space<semaphore_mem>>)
    %scan3A = arith.constant 0 : i32
    %scan3A_731 = arith.constant 0 : i32
    %scan3A_732 = arith.constant 18 : i32
    %scan3A_733 = arith.addi %scan3A_731, %scan3A_732 : i32
    %scan3A_734 = arith.constant 1 : i32
    scf.for %scan3A_837 = %scan3A_731 to %scan3A_733 step %scan3A_734  : i32 {
      %mul3A_838 = arith.constant 6 : i32
      %mul3A_839 = arith.muli %scan3A_837, %mul3A_838 : i32
      %add3A_840 = arith.constant 0 : i32
      %add3A_841 = arith.addi %mul3A_839, %add3A_840 : i32
      %lt3A = arith.constant 104 : i32
      %lt3A_842 = arith.cmpi slt, %add3A_841, %lt3A : i32
      %convert_element_type3A = arith.extui %lt3A_842 : i1 to i32
      %cond3A = arith.constant 0 : i32
      %cond3A_843 = arith.cmpi ne, %convert_element_type3A, %cond3A : i32
      scf.if %cond3A_843 {
        %dma_wait3A_958 = arith.constant 0 : i32
        %dma_wait3A_959 = arith.constant 0 : i32
        %dma_wait3A_960 = arith.constant 0 : i32
        %dma_wait3A_961 = tpu.memref_slice %arg6[%dma_wait3A_958, %dma_wait3A_959, %dma_wait3A_960] : memref<6x128x128xf32, #tpu.memory_space<vmem>> -> memref<1x128x128xf32, #tpu.memory_space<vmem>>
        %dma_wait3A_962 = tpu.memref_squeeze %dma_wait3A_961 : memref<1x128x128xf32, #tpu.memory_space<vmem>> -> memref<128x128xf32, #tpu.memory_space<vmem>>
        %dma_wait3A_963 = arith.constant 0 : i32
        %dma_wait3A_964 = tpu.memref_slice %arg5[%add3A_841, %dma_wait3A_963] : memref<104x128xi32, #tpu.memory_space<vmem>> -> memref<1x128xi32, #tpu.memory_space<vmem>>
        %dma_wait3A_965 = tpu.memref_squeeze %dma_wait3A_964 : memref<1x128xi32, #tpu.memory_space<vmem>> -> memref<128xi32, #tpu.memory_space<vmem>>
        %dma_wait3A_966 = arith.constant 0 : i32
        %dma_wait3A_967 = arith.constant 0 : i32
        %dma_wait3A_968 = tpu.memref_slice %arg2[%dma_wait3A_966, %dma_wait3A_967] : memref<26000x128xf32, #tpu.memory_space<hbm>> -> memref<26000x128xf32, #tpu.memory_space<hbm>>
        tpu.wait_indirect_dma semaphore(%arg7 : memref<!tpu.dma_semaphore, #tpu.memory_space<semaphore_mem>>) src(%dma_wait3A_968 : memref<26000x128xf32, #tpu.memory_space<hbm>>) dst(%dma_wait3A_962 : memref<128x128xf32, #tpu.memory_space<vmem>>)
        %add3A_969 = arith.addi %mul3A_2, %add3A_841 : i32
        %mul3A_970 = arith.constant 128 : i32
        %mul3A_971 = arith.muli %add3A_969, %mul3A_970 : i32
        %dma_start3A_972 = arith.constant 0 : i32
        %dma_start3A_973 = arith.constant 0 : i32
        %dma_start3A_974 = arith.constant 0 : i32
        %dma_start3A_975 = tpu.memref_slice %arg6[%dma_start3A_972, %dma_start3A_973, %dma_start3A_974] : memref<6x128x128xf32, #tpu.memory_space<vmem>> -> memref<1x128x128xf32, #tpu.memory_space<vmem>>
        %dma_start3A_976 = tpu.memref_squeeze %dma_start3A_975 : memref<1x128x128xf32, #tpu.memory_space<vmem>> -> memref<128x128xf32, #tpu.memory_space<vmem>>
        %dma_start3A_977 = arith.constant 0 : i32
        %dma_start3A_978 = tpu.memref_slice %arg4[%mul3A_971, %dma_start3A_977] : memref<425984x128xf32, #tpu.memory_space<hbm>> -> memref<128x128xf32, #tpu.memory_space<hbm>>
        %dma_start3A_979 = arith.constant 0 : i32
        %dma_start3A_980 = tpu.memref_slice %arg4[%mul3A_971, %dma_start3A_979] : memref<425984x128xf32, #tpu.memory_space<hbm>> -> memref<128x128xf32, #tpu.memory_space<hbm>>
        %dma_start3A_981 = arith.constant 0 : i32
        %dma_start3A_982 = arith.constant 0 : i32
        %dma_start3A_983 = tpu.memref_slice %arg6[%dma_start3A_972, %dma_start3A_981, %dma_start3A_982] : memref<6x128x128xf32, #tpu.memory_space<vmem>> -> memref<1x128x128xf32, #tpu.memory_space<vmem>>
        %dma_start3A_984 = tpu.memref_squeeze %dma_start3A_983 : memref<1x128x128xf32, #tpu.memory_space<vmem>> -> memref<128x128xf32, #tpu.memory_space<vmem>>
        tpu.enqueue_dma source(%dma_start3A_984 : memref<128x128xf32, #tpu.memory_space<vmem>>) target(%dma_start3A_980 : memref<128x128xf32, #tpu.memory_space<hbm>>) target_semaphore(%arg13 : memref<!tpu.dma_semaphore, #tpu.memory_space<semaphore_mem>>)
      } else {
      }
      %sub3A = arith.constant 3 : i32
      %sub3A_844 = arith.subi %add3A_841, %sub3A : i32
      %add3A_845 = arith.constant 6 : i32
      %add3A_846 = arith.addi %sub3A_844, %add3A_845 : i32
      %ge3A = arith.constant 0 : i32
      %ge3A_847 = arith.cmpi sge, %sub3A_844, %ge3A : i32
      %lt3A_848 = arith.constant 104 : i32
      %lt3A_849 = arith.cmpi slt, %add3A_846, %lt3A_848 : i32
      %and3A = arith.andi %ge3A_847, %lt3A_849 : i1
      %convert_element_type3A_850 = arith.extui %and3A : i1 to i32
      %cond3A_851 = arith.constant 0 : i32
      %cond3A_852 = arith.cmpi ne, %convert_element_type3A_850, %cond3A_851 : i32
      scf.if %cond3A_852 {
        %add3A_958 = arith.addi %mul3A_2, %add3A_846 : i32
        %div3A_959 = arith.constant 128 : i32
        %div3A_960 = arith.divsi %add3A_958, %div3A_959 : i32
        %mul3A_961 = arith.constant 1000 : i32
        %mul3A_962 = arith.muli %div3A_960, %mul3A_961 : i32
        %get3A_963 = arith.index_cast %add3A_846 : i32 to index
        %get3A_964 = arith.constant 0 : index
        %get3A_965 = tpu.vector_load %arg5[%get3A_963, %get3A_964] {strides = array<i32>} : memref<104x128xi32, #tpu.memory_space<vmem>>, vector<1x16xi32>,
        %get3A_966 = vector.shape_cast %get3A_965 : vector<1x16xi32> to vector<16xi32>
        %add3A_967 = vector.broadcast %mul3A_962 : i32 to vector<16xi32>
        %add3A_968 = arith.addi %add3A_967, %get3A_966 : vector<16xi32>
        %swap3A_969 = arith.index_cast %add3A_846 : i32 to index
        %swap3A_970 = arith.constant 0 : index
        %swap3A_971 = tpu.vector_load %arg5[%swap3A_969, %swap3A_970] {strides = array<i32>} : memref<104x128xi32, #tpu.memory_space<vmem>>, vector<1x16xi32>,
        %swap3A_972 = vector.shape_cast %swap3A_971 : vector<1x16xi32> to vector<16xi32>
        %swap3A_973 = vector.shape_cast %add3A_968 : vector<16xi32> to vector<1x16xi32>
        tpu.vector_store %arg5[%swap3A_969, %swap3A_970], %swap3A_973 {strides = array<i32>} : memref<104x128xi32, #tpu.memory_space<vmem>>, vector<1x16xi32>,
        %get3A_974 = arith.index_cast %add3A_846 : i32 to index
        %get3A_975 = arith.constant 16 : index
        %get3A_976 = tpu.vector_load %arg5[%get3A_974, %get3A_975] {strides = array<i32>} : memref<104x128xi32, #tpu.memory_space<vmem>>, vector<1x16xi32>,
        %get3A_977 = vector.shape_cast %get3A_976 : vector<1x16xi32> to vector<16xi32>
        %add3A_978 = vector.broadcast %mul3A_962 : i32 to vector<16xi32>
        %add3A_979 = arith.addi %add3A_978, %get3A_977 : vector<16xi32>
        %swap3A_980 = arith.index_cast %add3A_846 : i32 to index
        %swap3A_981 = arith.constant 16 : index
        %swap3A_982 = tpu.vector_load %arg5[%swap3A_980, %swap3A_981] {strides = array<i32>} : memref<104x128xi32, #tpu.memory_space<vmem>>, vector<1x16xi32>,
        %swap3A_983 = vector.shape_cast %swap3A_982 : vector<1x16xi32> to vector<16xi32>
        %swap3A_984 = vector.shape_cast %add3A_979 : vector<16xi32> to vector<1x16xi32>
        tpu.vector_store %arg5[%swap3A_980, %swap3A_981], %swap3A_984 {strides = array<i32>} : memref<104x128xi32, #tpu.memory_space<vmem>>, vector<1x16xi32>,
        %get3A_985 = arith.index_cast %add3A_846 : i32 to index
        %get3A_986 = arith.constant 32 : index
        %get3A_987 = tpu.vector_load %arg5[%get3A_985, %get3A_986] {strides = array<i32>} : memref<104x128xi32, #tpu.memory_space<vmem>>, vector<1x16xi32>,
        %get3A_988 = vector.shape_cast %get3A_987 : vector<1x16xi32> to vector<16xi32>
        %add3A_989 = vector.broadcast %mul3A_962 : i32 to vector<16xi32>
        %add3A_990 = arith.addi %add3A_989, %get3A_988 : vector<16xi32>
        %swap3A_991 = arith.index_cast %add3A_846 : i32 to index
        %swap3A_992 = arith.constant 32 : index
        %swap3A_993 = tpu.vector_load %arg5[%swap3A_991, %swap3A_992] {strides = array<i32>} : memref<104x128xi32, #tpu.memory_space<vmem>>, vector<1x16xi32>,
        %swap3A_994 = vector.shape_cast %swap3A_993 : vector<1x16xi32> to vector<16xi32>
        %swap3A_995 = vector.shape_cast %add3A_990 : vector<16xi32> to vector<1x16xi32>
        tpu.vector_store %arg5[%swap3A_991, %swap3A_992], %swap3A_995 {strides = array<i32>} : memref<104x128xi32, #tpu.memory_space<vmem>>, vector<1x16xi32>,
        %get3A_996 = arith.index_cast %add3A_846 : i32 to index
        %get3A_997 = arith.constant 48 : index
        %get3A_998 = tpu.vector_load %arg5[%get3A_996, %get3A_997] {strides = array<i32>} : memref<104x128xi32, #tpu.memory_space<vmem>>, vector<1x16xi32>,
        %get3A_999 = vector.shape_cast %get3A_998 : vector<1x16xi32> to vector<16xi32>
        %add3A_1000 = vector.broadcast %mul3A_962 : i32 to vector<16xi32>
        %add3A_1001 = arith.addi %add3A_1000, %get3A_999 : vector<16xi32>
        %swap3A_1002 = arith.index_cast %add3A_846 : i32 to index
        %swap3A_1003 = arith.constant 48 : index
        %swap3A_1004 = tpu.vector_load %arg5[%swap3A_1002, %swap3A_1003] {strides = array<i32>} : memref<104x128xi32, #tpu.memory_space<vmem>>, vector<1x16xi32>,
        %swap3A_1005 = vector.shape_cast %swap3A_1004 : vector<1x16xi32> to vector<16xi32>
        %swap3A_1006 = vector.shape_cast %add3A_1001 : vector<16xi32> to vector<1x16xi32>
        tpu.vector_store %arg5[%swap3A_1002, %swap3A_1003], %swap3A_1006 {strides = array<i32>} : memref<104x128xi32, #tpu.memory_space<vmem>>, vector<1x16xi32>,
        %get3A_1007 = arith.index_cast %add3A_846 : i32 to index
        %get3A_1008 = arith.constant 64 : index
        %get3A_1009 = tpu.vector_load %arg5[%get3A_1007, %get3A_1008] {strides = array<i32>} : memref<104x128xi32, #tpu.memory_space<vmem>>, vector<1x16xi32>,
        %get3A_1010 = vector.shape_cast %get3A_1009 : vector<1x16xi32> to vector<16xi32>
        %add3A_1011 = vector.broadcast %mul3A_962 : i32 to vector<16xi32>
        %add3A_1012 = arith.addi %add3A_1011, %get3A_1010 : vector<16xi32>
        %swap3A_1013 = arith.index_cast %add3A_846 : i32 to index
        %swap3A_1014 = arith.constant 64 : index
        %swap3A_1015 = tpu.vector_load %arg5[%swap3A_1013, %swap3A_1014] {strides = array<i32>} : memref<104x128xi32, #tpu.memory_space<vmem>>, vector<1x16xi32>,
        %swap3A_1016 = vector.shape_cast %swap3A_1015 : vector<1x16xi32> to vector<16xi32>
        %swap3A_1017 = vector.shape_cast %add3A_1012 : vector<16xi32> to vector<1x16xi32>
        tpu.vector_store %arg5[%swap3A_1013, %swap3A_1014], %swap3A_1017 {strides = array<i32>} : memref<104x128xi32, #tpu.memory_space<vmem>>, vector<1x16xi32>,
        %get3A_1018 = arith.index_cast %add3A_846 : i32 to index
        %get3A_1019 = arith.constant 80 : index
        %get3A_1020 = tpu.vector_load %arg5[%get3A_1018, %get3A_1019] {strides = array<i32>} : memref<104x128xi32, #tpu.memory_space<vmem>>, vector<1x16xi32>,
        %get3A_1021 = vector.shape_cast %get3A_1020 : vector<1x16xi32> to vector<16xi32>
        %add3A_1022 = vector.broadcast %mul3A_962 : i32 to vector<16xi32>
        %add3A_1023 = arith.addi %add3A_1022, %get3A_1021 : vector<16xi32>
        %swap3A_1024 = arith.index_cast %add3A_846 : i32 to index
        %swap3A_1025 = arith.constant 80 : index
        %swap3A_1026 = tpu.vector_load %arg5[%swap3A_1024, %swap3A_1025] {strides = array<i32>} : memref<104x128xi32, #tpu.memory_space<vmem>>, vector<1x16xi32>,
        %swap3A_1027 = vector.shape_cast %swap3A_1026 : vector<1x16xi32> to vector<16xi32>
        %swap3A_1028 = vector.shape_cast %add3A_1023 : vector<16xi32> to vector<1x16xi32>
        tpu.vector_store %arg5[%swap3A_1024, %swap3A_1025], %swap3A_1028 {strides = array<i32>} : memref<104x128xi32, #tpu.memory_space<vmem>>, vector<1x16xi32>,
        %get3A_1029 = arith.index_cast %add3A_846 : i32 to index
        %get3A_1030 = arith.constant 96 : index
        %get3A_1031 = tpu.vector_load %arg5[%get3A_1029, %get3A_1030] {strides = array<i32>} : memref<104x128xi32, #tpu.memory_space<vmem>>, vector<1x16xi32>,
        %get3A_1032 = vector.shape_cast %get3A_1031 : vector<1x16xi32> to vector<16xi32>
        %add3A_1033 = vector.broadcast %mul3A_962 : i32 to vector<16xi32>
        %add3A_1034 = arith.addi %add3A_1033, %get3A_1032 : vector<16xi32>
        %swap3A_1035 = arith.index_cast %add3A_846 : i32 to index
        %swap3A_1036 = arith.constant 96 : index
        %swap3A_1037 = tpu.vector_load %arg5[%swap3A_1035, %swap3A_1036] {strides = array<i32>} : memref<104x128xi32, #tpu.memory_space<vmem>>, vector<1x16xi32>,
        %swap3A_1038 = vector.shape_cast %swap3A_1037 : vector<1x16xi32> to vector<16xi32>
        %swap3A_1039 = vector.shape_cast %add3A_1034 : vector<16xi32> to vector<1x16xi32>
        tpu.vector_store %arg5[%swap3A_1035, %swap3A_1036], %swap3A_1039 {strides = array<i32>} : memref<104x128xi32, #tpu.memory_space<vmem>>, vector<1x16xi32>,
        %get3A_1040 = arith.index_cast %add3A_846 : i32 to index
        %get3A_1041 = arith.constant 112 : index
        %get3A_1042 = tpu.vector_load %arg5[%get3A_1040, %get3A_1041] {strides = array<i32>} : memref<104x128xi32, #tpu.memory_space<vmem>>, vector<1x16xi32>,
        %get3A_1043 = vector.shape_cast %get3A_1042 : vector<1x16xi32> to vector<16xi32>
        %add3A_1044 = vector.broadcast %mul3A_962 : i32 to vector<16xi32>
        %add3A_1045 = arith.addi %add3A_1044, %get3A_1043 : vector<16xi32>
        %swap3A_1046 = arith.index_cast %add3A_846 : i32 to index
        %swap3A_1047 = arith.constant 112 : index
        %swap3A_1048 = tpu.vector_load %arg5[%swap3A_1046, %swap3A_1047] {strides = array<i32>} : memref<104x128xi32, #tpu.memory_space<vmem>>, vector<1x16xi32>,
        %swap3A_1049 = vector.shape_cast %swap3A_1048 : vector<1x16xi32> to vector<16xi32>
        %swap3A_1050 = vector.shape_cast %add3A_1045 : vector<16xi32> to vector<1x16xi32>
        tpu.vector_store %arg5[%swap3A_1046, %swap3A_1047], %swap3A_1050 {strides = array<i32>} : memref<104x128xi32, #tpu.memory_space<vmem>>, vector<1x16xi32>,
        %add3A_1051 = arith.addi %mul3A_2, %sub3A_844 : i32
        %mul3A_1052 = arith.constant 128 : i32
        %mul3A_1053 = arith.muli %add3A_1051, %mul3A_1052 : i32
        %dma_wait3A_1054 = arith.constant 3 : i32
        %dma_wait3A_1055 = arith.constant 0 : i32
        %dma_wait3A_1056 = arith.constant 0 : i32
        %dma_wait3A_1057 = tpu.memref_slice %arg6[%dma_wait3A_1054, %dma_wait3A_1055, %dma_wait3A_1056] : memref<6x128x128xf32, #tpu.memory_space<vmem>> -> memref<1x128x128xf32, #tpu.memory_space<vmem>>
        %dma_wait3A_1058 = tpu.memref_squeeze %dma_wait3A_1057 : memref<1x128x128xf32, #tpu.memory_space<vmem>> -> memref<128x128xf32, #tpu.memory_space<vmem>>
        %dma_wait3A_1059 = arith.constant 0 : i32
        %dma_wait3A_1060 = tpu.memref_slice %arg4[%mul3A_1053, %dma_wait3A_1059] : memref<425984x128xf32, #tpu.memory_space<hbm>> -> memref<128x128xf32, #tpu.memory_space<hbm>>
        %dma_wait3A_1061 = arith.constant 0 : i32
        %dma_wait3A_1062 = tpu.memref_slice %arg4[%mul3A_1053, %dma_wait3A_1061] : memref<425984x128xf32, #tpu.memory_space<hbm>> -> memref<128x128xf32, #tpu.memory_space<hbm>>
        %dma_wait3A_1063 = arith.constant 0 : i32
        %dma_wait3A_1064 = arith.constant 0 : i32
        %dma_wait3A_1065 = tpu.memref_slice %arg6[%dma_wait3A_1054, %dma_wait3A_1063, %dma_wait3A_1064] : memref<6x128x128xf32, #tpu.memory_space<vmem>> -> memref<1x128x128xf32, #tpu.memory_space<vmem>>
        %dma_wait3A_1066 = tpu.memref_squeeze %dma_wait3A_1065 : memref<1x128x128xf32, #tpu.memory_space<vmem>> -> memref<128x128xf32, #tpu.memory_space<vmem>>
        tpu.wait_dma2 semaphore(%arg16 : memref<!tpu.dma_semaphore, #tpu.memory_space<semaphore_mem>>) src(%dma_wait3A_1066 : memref<128x128xf32, #tpu.memory_space<vmem>>) dst(%dma_wait3A_1062 : memref<128x128xf32, #tpu.memory_space<hbm>>)
        %dma_start3A_1067 = arith.constant 3 : i32
        %dma_start3A_1068 = arith.constant 0 : i32
        %dma_start3A_1069 = arith.constant 0 : i32
        %dma_start3A_1070 = tpu.memref_slice %arg6[%dma_start3A_1067, %dma_start3A_1068, %dma_start3A_1069] : memref<6x128x128xf32, #tpu.memory_space<vmem>> -> memref<1x128x128xf32, #tpu.memory_space<vmem>>
        %dma_start3A_1071 = tpu.memref_squeeze %dma_start3A_1070 : memref<1x128x128xf32, #tpu.memory_space<vmem>> -> memref<128x128xf32, #tpu.memory_space<vmem>>
        %dma_start3A_1072 = arith.constant 0 : i32
        %dma_start3A_1073 = tpu.memref_slice %arg5[%add3A_846, %dma_start3A_1072] : memref<104x128xi32, #tpu.memory_space<vmem>> -> memref<1x128xi32, #tpu.memory_space<vmem>>
        %dma_start3A_1074 = tpu.memref_squeeze %dma_start3A_1073 : memref<1x128xi32, #tpu.memory_space<vmem>> -> memref<128xi32, #tpu.memory_space<vmem>>
        %dma_start3A_1075 = arith.constant 0 : i32
        %dma_start3A_1076 = arith.constant 0 : i32
        %dma_start3A_1077 = tpu.memref_slice %arg2[%dma_start3A_1075, %dma_start3A_1076] : memref<26000x128xf32, #tpu.memory_space<hbm>> -> memref<26000x128xf32, #tpu.memory_space<hbm>>
        tpu.enqueue_indirect_dma source(%dma_start3A_1077 : memref<26000x128xf32, #tpu.memory_space<hbm>>) target(%dma_start3A_1071 : memref<128x128xf32, #tpu.memory_space<vmem>>) offsets(%dma_start3A_1074 : memref<128xi32, #tpu.memory_space<vmem>>) semaphore(%arg10 : memref<!tpu.dma_semaphore, #tpu.memory_space<semaphore_mem>>)
      } else {
      }
      %mul3A_853 = arith.constant 6 : i32
      %mul3A_854 = arith.muli %scan3A_837, %mul3A_853 : i32
      %add3A_855 = arith.constant 1 : i32
      %add3A_856 = arith.addi %mul3A_854, %add3A_855 : i32
      %lt3A_857 = arith.constant 104 : i32
      %lt3A_858 = arith.cmpi slt, %add3A_856, %lt3A_857 : i32
      %convert_element_type3A_859 = arith.extui %lt3A_858 : i1 to i32
      %cond3A_860 = arith.constant 0 : i32
      %cond3A_861 = arith.cmpi ne, %convert_element_type3A_859, %cond3A_860 : i32
      scf.if %cond3A_861 {
        %dma_wait3A_958 = arith.constant 1 : i32
        %dma_wait3A_959 = arith.constant 0 : i32
        %dma_wait3A_960 = arith.constant 0 : i32
        %dma_wait3A_961 = tpu.memref_slice %arg6[%dma_wait3A_958, %dma_wait3A_959, %dma_wait3A_960] : memref<6x128x128xf32, #tpu.memory_space<vmem>> -> memref<1x128x128xf32, #tpu.memory_space<vmem>>
        %dma_wait3A_962 = tpu.memref_squeeze %dma_wait3A_961 : memref<1x128x128xf32, #tpu.memory_space<vmem>> -> memref<128x128xf32, #tpu.memory_space<vmem>>
        %dma_wait3A_963 = arith.constant 0 : i32
        %dma_wait3A_964 = tpu.memref_slice %arg5[%add3A_856, %dma_wait3A_963] : memref<104x128xi32, #tpu.memory_space<vmem>> -> memref<1x128xi32, #tpu.memory_space<vmem>>
        %dma_wait3A_965 = tpu.memref_squeeze %dma_wait3A_964 : memref<1x128xi32, #tpu.memory_space<vmem>> -> memref<128xi32, #tpu.memory_space<vmem>>
        %dma_wait3A_966 = arith.constant 0 : i32
        %dma_wait3A_967 = arith.constant 0 : i32
        %dma_wait3A_968 = tpu.memref_slice %arg2[%dma_wait3A_966, %dma_wait3A_967] : memref<26000x128xf32, #tpu.memory_space<hbm>> -> memref<26000x128xf32, #tpu.memory_space<hbm>>
        tpu.wait_indirect_dma semaphore(%arg8 : memref<!tpu.dma_semaphore, #tpu.memory_space<semaphore_mem>>) src(%dma_wait3A_968 : memref<26000x128xf32, #tpu.memory_space<hbm>>) dst(%dma_wait3A_962 : memref<128x128xf32, #tpu.memory_space<vmem>>)
        %add3A_969 = arith.addi %mul3A_2, %add3A_856 : i32
        %mul3A_970 = arith.constant 128 : i32
        %mul3A_971 = arith.muli %add3A_969, %mul3A_970 : i32
        %dma_start3A_972 = arith.constant 1 : i32
        %dma_start3A_973 = arith.constant 0 : i32
        %dma_start3A_974 = arith.constant 0 : i32
        %dma_start3A_975 = tpu.memref_slice %arg6[%dma_start3A_972, %dma_start3A_973, %dma_start3A_974] : memref<6x128x128xf32, #tpu.memory_space<vmem>> -> memref<1x128x128xf32, #tpu.memory_space<vmem>>
        %dma_start3A_976 = tpu.memref_squeeze %dma_start3A_975 : memref<1x128x128xf32, #tpu.memory_space<vmem>> -> memref<128x128xf32, #tpu.memory_space<vmem>>
        %dma_start3A_977 = arith.constant 0 : i32
        %dma_start3A_978 = tpu.memref_slice %arg4[%mul3A_971, %dma_start3A_977] : memref<425984x128xf32, #tpu.memory_space<hbm>> -> memref<128x128xf32, #tpu.memory_space<hbm>>
        %dma_start3A_979 = arith.constant 0 : i32
        %dma_start3A_980 = tpu.memref_slice %arg4[%mul3A_971, %dma_start3A_979] : memref<425984x128xf32, #tpu.memory_space<hbm>> -> memref<128x128xf32, #tpu.memory_space<hbm>>
        %dma_start3A_981 = arith.constant 0 : i32
        %dma_start3A_982 = arith.constant 0 : i32
        %dma_start3A_983 = tpu.memref_slice %arg6[%dma_start3A_972, %dma_start3A_981, %dma_start3A_982] : memref<6x128x128xf32, #tpu.memory_space<vmem>> -> memref<1x128x128xf32, #tpu.memory_space<vmem>>
        %dma_start3A_984 = tpu.memref_squeeze %dma_start3A_983 : memref<1x128x128xf32, #tpu.memory_space<vmem>> -> memref<128x128xf32, #tpu.memory_space<vmem>>
        tpu.enqueue_dma source(%dma_start3A_984 : memref<128x128xf32, #tpu.memory_space<vmem>>) target(%dma_start3A_980 : memref<128x128xf32, #tpu.memory_space<hbm>>) target_semaphore(%arg14 : memref<!tpu.dma_semaphore, #tpu.memory_space<semaphore_mem>>)
      } else {
      }
      %sub3A_862 = arith.constant 3 : i32
      %sub3A_863 = arith.subi %add3A_856, %sub3A_862 : i32
      %add3A_864 = arith.constant 6 : i32
      %add3A_865 = arith.addi %sub3A_863, %add3A_864 : i32
      %ge3A_866 = arith.constant 0 : i32
      %ge3A_867 = arith.cmpi sge, %sub3A_863, %ge3A_866 : i32
      %lt3A_868 = arith.constant 104 : i32
      %lt3A_869 = arith.cmpi slt, %add3A_865, %lt3A_868 : i32
      %and3A_870 = arith.andi %ge3A_867, %lt3A_869 : i1
      %convert_element_type3A_871 = arith.extui %and3A_870 : i1 to i32
      %cond3A_872 = arith.constant 0 : i32
      %cond3A_873 = arith.cmpi ne, %convert_element_type3A_871, %cond3A_872 : i32
      scf.if %cond3A_873 {
        %add3A_958 = arith.addi %mul3A_2, %add3A_865 : i32
        %div3A_959 = arith.constant 128 : i32
        %div3A_960 = arith.divsi %add3A_958, %div3A_959 : i32
        %mul3A_961 = arith.constant 1000 : i32
        %mul3A_962 = arith.muli %div3A_960, %mul3A_961 : i32
        %get3A_963 = arith.index_cast %add3A_865 : i32 to index
        %get3A_964 = arith.constant 0 : index
        %get3A_965 = tpu.vector_load %arg5[%get3A_963, %get3A_964] {strides = array<i32>} : memref<104x128xi32, #tpu.memory_space<vmem>>, vector<1x16xi32>,
        %get3A_966 = vector.shape_cast %get3A_965 : vector<1x16xi32> to vector<16xi32>
        %add3A_967 = vector.broadcast %mul3A_962 : i32 to vector<16xi32>
        %add3A_968 = arith.addi %add3A_967, %get3A_966 : vector<16xi32>
        %swap3A_969 = arith.index_cast %add3A_865 : i32 to index
        %swap3A_970 = arith.constant 0 : index
        %swap3A_971 = tpu.vector_load %arg5[%swap3A_969, %swap3A_970] {strides = array<i32>} : memref<104x128xi32, #tpu.memory_space<vmem>>, vector<1x16xi32>,
        %swap3A_972 = vector.shape_cast %swap3A_971 : vector<1x16xi32> to vector<16xi32>
        %swap3A_973 = vector.shape_cast %add3A_968 : vector<16xi32> to vector<1x16xi32>
        tpu.vector_store %arg5[%swap3A_969, %swap3A_970], %swap3A_973 {strides = array<i32>} : memref<104x128xi32, #tpu.memory_space<vmem>>, vector<1x16xi32>,
        %get3A_974 = arith.index_cast %add3A_865 : i32 to index
        %get3A_975 = arith.constant 16 : index
        %get3A_976 = tpu.vector_load %arg5[%get3A_974, %get3A_975] {strides = array<i32>} : memref<104x128xi32, #tpu.memory_space<vmem>>, vector<1x16xi32>,
        %get3A_977 = vector.shape_cast %get3A_976 : vector<1x16xi32> to vector<16xi32>
        %add3A_978 = vector.broadcast %mul3A_962 : i32 to vector<16xi32>
        %add3A_979 = arith.addi %add3A_978, %get3A_977 : vector<16xi32>
        %swap3A_980 = arith.index_cast %add3A_865 : i32 to index
        %swap3A_981 = arith.constant 16 : index
        %swap3A_982 = tpu.vector_load %arg5[%swap3A_980, %swap3A_981] {strides = array<i32>} : memref<104x128xi32, #tpu.memory_space<vmem>>, vector<1x16xi32>,
        %swap3A_983 = vector.shape_cast %swap3A_982 : vector<1x16xi32> to vector<16xi32>
        %swap3A_984 = vector.shape_cast %add3A_979 : vector<16xi32> to vector<1x16xi32>
        tpu.vector_store %arg5[%swap3A_980, %swap3A_981], %swap3A_984 {strides = array<i32>} : memref<104x128xi32, #tpu.memory_space<vmem>>, vector<1x16xi32>,
        %get3A_985 = arith.index_cast %add3A_865 : i32 to index
        %get3A_986 = arith.constant 32 : index
        %get3A_987 = tpu.vector_load %arg5[%get3A_985, %get3A_986] {strides = array<i32>} : memref<104x128xi32, #tpu.memory_space<vmem>>, vector<1x16xi32>,
        %get3A_988 = vector.shape_cast %get3A_987 : vector<1x16xi32> to vector<16xi32>
        %add3A_989 = vector.broadcast %mul3A_962 : i32 to vector<16xi32>
        %add3A_990 = arith.addi %add3A_989, %get3A_988 : vector<16xi32>
        %swap3A_991 = arith.index_cast %add3A_865 : i32 to index
        %swap3A_992 = arith.constant 32 : index
        %swap3A_993 = tpu.vector_load %arg5[%swap3A_991, %swap3A_992] {strides = array<i32>} : memref<104x128xi32, #tpu.memory_space<vmem>>, vector<1x16xi32>,
        %swap3A_994 = vector.shape_cast %swap3A_993 : vector<1x16xi32> to vector<16xi32>
        %swap3A_995 = vector.shape_cast %add3A_990 : vector<16xi32> to vector<1x16xi32>
        tpu.vector_store %arg5[%swap3A_991, %swap3A_992], %swap3A_995 {strides = array<i32>} : memref<104x128xi32, #tpu.memory_space<vmem>>, vector<1x16xi32>,
        %get3A_996 = arith.index_cast %add3A_865 : i32 to index
        %get3A_997 = arith.constant 48 : index
        %get3A_998 = tpu.vector_load %arg5[%get3A_996, %get3A_997] {strides = array<i32>} : memref<104x128xi32, #tpu.memory_space<vmem>>, vector<1x16xi32>,
        %get3A_999 = vector.shape_cast %get3A_998 : vector<1x16xi32> to vector<16xi32>
        %add3A_1000 = vector.broadcast %mul3A_962 : i32 to vector<16xi32>
        %add3A_1001 = arith.addi %add3A_1000, %get3A_999 : vector<16xi32>
        %swap3A_1002 = arith.index_cast %add3A_865 : i32 to index
        %swap3A_1003 = arith.constant 48 : index
        %swap3A_1004 = tpu.vector_load %arg5[%swap3A_1002, %swap3A_1003] {strides = array<i32>} : memref<104x128xi32, #tpu.memory_space<vmem>>, vector<1x16xi32>,
        %swap3A_1005 = vector.shape_cast %swap3A_1004 : vector<1x16xi32> to vector<16xi32>
        %swap3A_1006 = vector.shape_cast %add3A_1001 : vector<16xi32> to vector<1x16xi32>
        tpu.vector_store %arg5[%swap3A_1002, %swap3A_1003], %swap3A_1006 {strides = array<i32>} : memref<104x128xi32, #tpu.memory_space<vmem>>, vector<1x16xi32>,
        %get3A_1007 = arith.index_cast %add3A_865 : i32 to index
        %get3A_1008 = arith.constant 64 : index
        %get3A_1009 = tpu.vector_load %arg5[%get3A_1007, %get3A_1008] {strides = array<i32>} : memref<104x128xi32, #tpu.memory_space<vmem>>, vector<1x16xi32>,
        %get3A_1010 = vector.shape_cast %get3A_1009 : vector<1x16xi32> to vector<16xi32>
        %add3A_1011 = vector.broadcast %mul3A_962 : i32 to vector<16xi32>
        %add3A_1012 = arith.addi %add3A_1011, %get3A_1010 : vector<16xi32>
        %swap3A_1013 = arith.index_cast %add3A_865 : i32 to index
        %swap3A_1014 = arith.constant 64 : index
        %swap3A_1015 = tpu.vector_load %arg5[%swap3A_1013, %swap3A_1014] {strides = array<i32>} : memref<104x128xi32, #tpu.memory_space<vmem>>, vector<1x16xi32>,
        %swap3A_1016 = vector.shape_cast %swap3A_1015 : vector<1x16xi32> to vector<16xi32>
        %swap3A_1017 = vector.shape_cast %add3A_1012 : vector<16xi32> to vector<1x16xi32>
        tpu.vector_store %arg5[%swap3A_1013, %swap3A_1014], %swap3A_1017 {strides = array<i32>} : memref<104x128xi32, #tpu.memory_space<vmem>>, vector<1x16xi32>,
        %get3A_1018 = arith.index_cast %add3A_865 : i32 to index
        %get3A_1019 = arith.constant 80 : index
        %get3A_1020 = tpu.vector_load %arg5[%get3A_1018, %get3A_1019] {strides = array<i32>} : memref<104x128xi32, #tpu.memory_space<vmem>>, vector<1x16xi32>,
        %get3A_1021 = vector.shape_cast %get3A_1020 : vector<1x16xi32> to vector<16xi32>
        %add3A_1022 = vector.broadcast %mul3A_962 : i32 to vector<16xi32>
        %add3A_1023 = arith.addi %add3A_1022, %get3A_1021 : vector<16xi32>
        %swap3A_1024 = arith.index_cast %add3A_865 : i32 to index
        %swap3A_1025 = arith.constant 80 : index
        %swap3A_1026 = tpu.vector_load %arg5[%swap3A_1024, %swap3A_1025] {strides = array<i32>} : memref<104x128xi32, #tpu.memory_space<vmem>>, vector<1x16xi32>,
        %swap3A_1027 = vector.shape_cast %swap3A_1026 : vector<1x16xi32> to vector<16xi32>
        %swap3A_1028 = vector.shape_cast %add3A_1023 : vector<16xi32> to vector<1x16xi32>
        tpu.vector_store %arg5[%swap3A_1024, %swap3A_1025], %swap3A_1028 {strides = array<i32>} : memref<104x128xi32, #tpu.memory_space<vmem>>, vector<1x16xi32>,
        %get3A_1029 = arith.index_cast %add3A_865 : i32 to index
        %get3A_1030 = arith.constant 96 : index
        %get3A_1031 = tpu.vector_load %arg5[%get3A_1029, %get3A_1030] {strides = array<i32>} : memref<104x128xi32, #tpu.memory_space<vmem>>, vector<1x16xi32>,
        %get3A_1032 = vector.shape_cast %get3A_1031 : vector<1x16xi32> to vector<16xi32>
        %add3A_1033 = vector.broadcast %mul3A_962 : i32 to vector<16xi32>
        %add3A_1034 = arith.addi %add3A_1033, %get3A_1032 : vector<16xi32>
        %swap3A_1035 = arith.index_cast %add3A_865 : i32 to index
        %swap3A_1036 = arith.constant 96 : index
        %swap3A_1037 = tpu.vector_load %arg5[%swap3A_1035, %swap3A_1036] {strides = array<i32>} : memref<104x128xi32, #tpu.memory_space<vmem>>, vector<1x16xi32>,
        %swap3A_1038 = vector.shape_cast %swap3A_1037 : vector<1x16xi32> to vector<16xi32>
        %swap3A_1039 = vector.shape_cast %add3A_1034 : vector<16xi32> to vector<1x16xi32>
        tpu.vector_store %arg5[%swap3A_1035, %swap3A_1036], %swap3A_1039 {strides = array<i32>} : memref<104x128xi32, #tpu.memory_space<vmem>>, vector<1x16xi32>,
        %get3A_1040 = arith.index_cast %add3A_865 : i32 to index
        %get3A_1041 = arith.constant 112 : index
        %get3A_1042 = tpu.vector_load %arg5[%get3A_1040, %get3A_1041] {strides = array<i32>} : memref<104x128xi32, #tpu.memory_space<vmem>>, vector<1x16xi32>,
        %get3A_1043 = vector.shape_cast %get3A_1042 : vector<1x16xi32> to vector<16xi32>
        %add3A_1044 = vector.broadcast %mul3A_962 : i32 to vector<16xi32>
        %add3A_1045 = arith.addi %add3A_1044, %get3A_1043 : vector<16xi32>
        %swap3A_1046 = arith.index_cast %add3A_865 : i32 to index
        %swap3A_1047 = arith.constant 112 : index
        %swap3A_1048 = tpu.vector_load %arg5[%swap3A_1046, %swap3A_1047] {strides = array<i32>} : memref<104x128xi32, #tpu.memory_space<vmem>>, vector<1x16xi32>,
        %swap3A_1049 = vector.shape_cast %swap3A_1048 : vector<1x16xi32> to vector<16xi32>
        %swap3A_1050 = vector.shape_cast %add3A_1045 : vector<16xi32> to vector<1x16xi32>
        tpu.vector_store %arg5[%swap3A_1046, %swap3A_1047], %swap3A_1050 {strides = array<i32>} : memref<104x128xi32, #tpu.memory_space<vmem>>, vector<1x16xi32>,
        %add3A_1051 = arith.addi %mul3A_2, %sub3A_863 : i32
        %mul3A_1052 = arith.constant 128 : i32
        %mul3A_1053 = arith.muli %add3A_1051, %mul3A_1052 : i32
        %dma_wait3A_1054 = arith.constant 4 : i32
        %dma_wait3A_1055 = arith.constant 0 : i32
        %dma_wait3A_1056 = arith.constant 0 : i32
        %dma_wait3A_1057 = tpu.memref_slice %arg6[%dma_wait3A_1054, %dma_wait3A_1055, %dma_wait3A_1056] : memref<6x128x128xf32, #tpu.memory_space<vmem>> -> memref<1x128x128xf32, #tpu.memory_space<vmem>>
        %dma_wait3A_1058 = tpu.memref_squeeze %dma_wait3A_1057 : memref<1x128x128xf32, #tpu.memory_space<vmem>> -> memref<128x128xf32, #tpu.memory_space<vmem>>
        %dma_wait3A_1059 = arith.constant 0 : i32
        %dma_wait3A_1060 = tpu.memref_slice %arg4[%mul3A_1053, %dma_wait3A_1059] : memref<425984x128xf32, #tpu.memory_space<hbm>> -> memref<128x128xf32, #tpu.memory_space<hbm>>
        %dma_wait3A_1061 = arith.constant 0 : i32
        %dma_wait3A_1062 = tpu.memref_slice %arg4[%mul3A_1053, %dma_wait3A_1061] : memref<425984x128xf32, #tpu.memory_space<hbm>> -> memref<128x128xf32, #tpu.memory_space<hbm>>
        %dma_wait3A_1063 = arith.constant 0 : i32
        %dma_wait3A_1064 = arith.constant 0 : i32
        %dma_wait3A_1065 = tpu.memref_slice %arg6[%dma_wait3A_1054, %dma_wait3A_1063, %dma_wait3A_1064] : memref<6x128x128xf32, #tpu.memory_space<vmem>> -> memref<1x128x128xf32, #tpu.memory_space<vmem>>
        %dma_wait3A_1066 = tpu.memref_squeeze %dma_wait3A_1065 : memref<1x128x128xf32, #tpu.memory_space<vmem>> -> memref<128x128xf32, #tpu.memory_space<vmem>>
        tpu.wait_dma2 semaphore(%arg17 : memref<!tpu.dma_semaphore, #tpu.memory_space<semaphore_mem>>) src(%dma_wait3A_1066 : memref<128x128xf32, #tpu.memory_space<vmem>>) dst(%dma_wait3A_1062 : memref<128x128xf32, #tpu.memory_space<hbm>>)
        %dma_start3A_1067 = arith.constant 4 : i32
        %dma_start3A_1068 = arith.constant 0 : i32
        %dma_start3A_1069 = arith.constant 0 : i32
        %dma_start3A_1070 = tpu.memref_slice %arg6[%dma_start3A_1067, %dma_start3A_1068, %dma_start3A_1069] : memref<6x128x128xf32, #tpu.memory_space<vmem>> -> memref<1x128x128xf32, #tpu.memory_space<vmem>>
        %dma_start3A_1071 = tpu.memref_squeeze %dma_start3A_1070 : memref<1x128x128xf32, #tpu.memory_space<vmem>> -> memref<128x128xf32, #tpu.memory_space<vmem>>
        %dma_start3A_1072 = arith.constant 0 : i32
        %dma_start3A_1073 = tpu.memref_slice %arg5[%add3A_865, %dma_start3A_1072] : memref<104x128xi32, #tpu.memory_space<vmem>> -> memref<1x128xi32, #tpu.memory_space<vmem>>
        %dma_start3A_1074 = tpu.memref_squeeze %dma_start3A_1073 : memref<1x128xi32, #tpu.memory_space<vmem>> -> memref<128xi32, #tpu.memory_space<vmem>>
        %dma_start3A_1075 = arith.constant 0 : i32
        %dma_start3A_1076 = arith.constant 0 : i32
        %dma_start3A_1077 = tpu.memref_slice %arg2[%dma_start3A_1075, %dma_start3A_1076] : memref<26000x128xf32, #tpu.memory_space<hbm>> -> memref<26000x128xf32, #tpu.memory_space<hbm>>
        tpu.enqueue_indirect_dma source(%dma_start3A_1077 : memref<26000x128xf32, #tpu.memory_space<hbm>>) target(%dma_start3A_1071 : memref<128x128xf32, #tpu.memory_space<vmem>>) offsets(%dma_start3A_1074 : memref<128xi32, #tpu.memory_space<vmem>>) semaphore(%arg11 : memref<!tpu.dma_semaphore, #tpu.memory_space<semaphore_mem>>)
      } else {
      }
      %mul3A_874 = arith.constant 6 : i32
      %mul3A_875 = arith.muli %scan3A_837, %mul3A_874 : i32
      %add3A_876 = arith.constant 2 : i32
      %add3A_877 = arith.addi %mul3A_875, %add3A_876 : i32
      %lt3A_878 = arith.constant 104 : i32
      %lt3A_879 = arith.cmpi slt, %add3A_877, %lt3A_878 : i32
      %convert_element_type3A_880 = arith.extui %lt3A_879 : i1 to i32
      %cond3A_881 = arith.constant 0 : i32
      %cond3A_882 = arith.cmpi ne, %convert_element_type3A_880, %cond3A_881 : i32
      scf.if %cond3A_882 {
        %dma_wait3A_958 = arith.constant 2 : i32
        %dma_wait3A_959 = arith.constant 0 : i32
        %dma_wait3A_960 = arith.constant 0 : i32
        %dma_wait3A_961 = tpu.memref_slice %arg6[%dma_wait3A_958, %dma_wait3A_959, %dma_wait3A_960] : memref<6x128x128xf32, #tpu.memory_space<vmem>> -> memref<1x128x128xf32, #tpu.memory_space<vmem>>
        %dma_wait3A_962 = tpu.memref_squeeze %dma_wait3A_961 : memref<1x128x128xf32, #tpu.memory_space<vmem>> -> memref<128x128xf32, #tpu.memory_space<vmem>>
        %dma_wait3A_963 = arith.constant 0 : i32
        %dma_wait3A_964 = tpu.memref_slice %arg5[%add3A_877, %dma_wait3A_963] : memref<104x128xi32, #tpu.memory_space<vmem>> -> memref<1x128xi32, #tpu.memory_space<vmem>>
        %dma_wait3A_965 = tpu.memref_squeeze %dma_wait3A_964 : memref<1x128xi32, #tpu.memory_space<vmem>> -> memref<128xi32, #tpu.memory_space<vmem>>
        %dma_wait3A_966 = arith.constant 0 : i32
        %dma_wait3A_967 = arith.constant 0 : i32
        %dma_wait3A_968 = tpu.memref_slice %arg2[%dma_wait3A_966, %dma_wait3A_967] : memref<26000x128xf32, #tpu.memory_space<hbm>> -> memref<26000x128xf32, #tpu.memory_space<hbm>>
        tpu.wait_indirect_dma semaphore(%arg9 : memref<!tpu.dma_semaphore, #tpu.memory_space<semaphore_mem>>) src(%dma_wait3A_968 : memref<26000x128xf32, #tpu.memory_space<hbm>>) dst(%dma_wait3A_962 : memref<128x128xf32, #tpu.memory_space<vmem>>)
        %add3A_969 = arith.addi %mul3A_2, %add3A_877 : i32
        %mul3A_970 = arith.constant 128 : i32
        %mul3A_971 = arith.muli %add3A_969, %mul3A_970 : i32
        %dma_start3A_972 = arith.constant 2 : i32
        %dma_start3A_973 = arith.constant 0 : i32
        %dma_start3A_974 = arith.constant 0 : i32
        %dma_start3A_975 = tpu.memref_slice %arg6[%dma_start3A_972, %dma_start3A_973, %dma_start3A_974] : memref<6x128x128xf32, #tpu.memory_space<vmem>> -> memref<1x128x128xf32, #tpu.memory_space<vmem>>
        %dma_start3A_976 = tpu.memref_squeeze %dma_start3A_975 : memref<1x128x128xf32, #tpu.memory_space<vmem>> -> memref<128x128xf32, #tpu.memory_space<vmem>>
        %dma_start3A_977 = arith.constant 0 : i32
        %dma_start3A_978 = tpu.memref_slice %arg4[%mul3A_971, %dma_start3A_977] : memref<425984x128xf32, #tpu.memory_space<hbm>> -> memref<128x128xf32, #tpu.memory_space<hbm>>
        %dma_start3A_979 = arith.constant 0 : i32
        %dma_start3A_980 = tpu.memref_slice %arg4[%mul3A_971, %dma_start3A_979] : memref<425984x128xf32, #tpu.memory_space<hbm>> -> memref<128x128xf32, #tpu.memory_space<hbm>>
        %dma_start3A_981 = arith.constant 0 : i32
        %dma_start3A_982 = arith.constant 0 : i32
        %dma_start3A_983 = tpu.memref_slice %arg6[%dma_start3A_972, %dma_start3A_981, %dma_start3A_982] : memref<6x128x128xf32, #tpu.memory_space<vmem>> -> memref<1x128x128xf32, #tpu.memory_space<vmem>>
        %dma_start3A_984 = tpu.memref_squeeze %dma_start3A_983 : memref<1x128x128xf32, #tpu.memory_space<vmem>> -> memref<128x128xf32, #tpu.memory_space<vmem>>
        tpu.enqueue_dma source(%dma_start3A_984 : memref<128x128xf32, #tpu.memory_space<vmem>>) target(%dma_start3A_980 : memref<128x128xf32, #tpu.memory_space<hbm>>) target_semaphore(%arg15 : memref<!tpu.dma_semaphore, #tpu.memory_space<semaphore_mem>>)
      } else {
      }
      %sub3A_883 = arith.constant 3 : i32
      %sub3A_884 = arith.subi %add3A_877, %sub3A_883 : i32
      %add3A_885 = arith.constant 6 : i32
      %add3A_886 = arith.addi %sub3A_884, %add3A_885 : i32
      %ge3A_887 = arith.constant 0 : i32
      %ge3A_888 = arith.cmpi sge, %sub3A_884, %ge3A_887 : i32
      %lt3A_889 = arith.constant 104 : i32
      %lt3A_890 = arith.cmpi slt, %add3A_886, %lt3A_889 : i32
      %and3A_891 = arith.andi %ge3A_888, %lt3A_890 : i1
      %convert_element_type3A_892 = arith.extui %and3A_891 : i1 to i32
      %cond3A_893 = arith.constant 0 : i32
      %cond3A_894 = arith.cmpi ne, %convert_element_type3A_892, %cond3A_893 : i32
      scf.if %cond3A_894 {
        %add3A_958 = arith.addi %mul3A_2, %add3A_886 : i32
        %div3A_959 = arith.constant 128 : i32
        %div3A_960 = arith.divsi %add3A_958, %div3A_959 : i32
        %mul3A_961 = arith.constant 1000 : i32
        %mul3A_962 = arith.muli %div3A_960, %mul3A_961 : i32
        %get3A_963 = arith.index_cast %add3A_886 : i32 to index
        %get3A_964 = arith.constant 0 : index
        %get3A_965 = tpu.vector_load %arg5[%get3A_963, %get3A_964] {strides = array<i32>} : memref<104x128xi32, #tpu.memory_space<vmem>>, vector<1x16xi32>,
        %get3A_966 = vector.shape_cast %get3A_965 : vector<1x16xi32> to vector<16xi32>
        %add3A_967 = vector.broadcast %mul3A_962 : i32 to vector<16xi32>
        %add3A_968 = arith.addi %add3A_967, %get3A_966 : vector<16xi32>
        %swap3A_969 = arith.index_cast %add3A_886 : i32 to index
        %swap3A_970 = arith.constant 0 : index
        %swap3A_971 = tpu.vector_load %arg5[%swap3A_969, %swap3A_970] {strides = array<i32>} : memref<104x128xi32, #tpu.memory_space<vmem>>, vector<1x16xi32>,
        %swap3A_972 = vector.shape_cast %swap3A_971 : vector<1x16xi32> to vector<16xi32>
        %swap3A_973 = vector.shape_cast %add3A_968 : vector<16xi32> to vector<1x16xi32>
        tpu.vector_store %arg5[%swap3A_969, %swap3A_970], %swap3A_973 {strides = array<i32>} : memref<104x128xi32, #tpu.memory_space<vmem>>, vector<1x16xi32>,
        %get3A_974 = arith.index_cast %add3A_886 : i32 to index
        %get3A_975 = arith.constant 16 : index
        %get3A_976 = tpu.vector_load %arg5[%get3A_974, %get3A_975] {strides = array<i32>} : memref<104x128xi32, #tpu.memory_space<vmem>>, vector<1x16xi32>,
        %get3A_977 = vector.shape_cast %get3A_976 : vector<1x16xi32> to vector<16xi32>
        %add3A_978 = vector.broadcast %mul3A_962 : i32 to vector<16xi32>
        %add3A_979 = arith.addi %add3A_978, %get3A_977 : vector<16xi32>
        %swap3A_980 = arith.index_cast %add3A_886 : i32 to index
        %swap3A_981 = arith.constant 16 : index
        %swap3A_982 = tpu.vector_load %arg5[%swap3A_980, %swap3A_981] {strides = array<i32>} : memref<104x128xi32, #tpu.memory_space<vmem>>, vector<1x16xi32>,
        %swap3A_983 = vector.shape_cast %swap3A_982 : vector<1x16xi32> to vector<16xi32>
        %swap3A_984 = vector.shape_cast %add3A_979 : vector<16xi32> to vector<1x16xi32>
        tpu.vector_store %arg5[%swap3A_980, %swap3A_981], %swap3A_984 {strides = array<i32>} : memref<104x128xi32, #tpu.memory_space<vmem>>, vector<1x16xi32>,
        %get3A_985 = arith.index_cast %add3A_886 : i32 to index
        %get3A_986 = arith.constant 32 : index
        %get3A_987 = tpu.vector_load %arg5[%get3A_985, %get3A_986] {strides = array<i32>} : memref<104x128xi32, #tpu.memory_space<vmem>>, vector<1x16xi32>,
        %get3A_988 = vector.shape_cast %get3A_987 : vector<1x16xi32> to vector<16xi32>
        %add3A_989 = vector.broadcast %mul3A_962 : i32 to vector<16xi32>
        %add3A_990 = arith.addi %add3A_989, %get3A_988 : vector<16xi32>
        %swap3A_991 = arith.index_cast %add3A_886 : i32 to index
        %swap3A_992 = arith.constant 32 : index
        %swap3A_993 = tpu.vector_load %arg5[%swap3A_991, %swap3A_992] {strides = array<i32>} : memref<104x128xi32, #tpu.memory_space<vmem>>, vector<1x16xi32>,
        %swap3A_994 = vector.shape_cast %swap3A_993 : vector<1x16xi32> to vector<16xi32>
        %swap3A_995 = vector.shape_cast %add3A_990 : vector<16xi32> to vector<1x16xi32>
        tpu.vector_store %arg5[%swap3A_991, %swap3A_992], %swap3A_995 {strides = array<i32>} : memref<104x128xi32, #tpu.memory_space<vmem>>, vector<1x16xi32>,
        %get3A_996 = arith.index_cast %add3A_886 : i32 to index
        %get3A_997 = arith.constant 48 : index
        %get3A_998 = tpu.vector_load %arg5[%get3A_996, %get3A_997] {strides = array<i32>} : memref<104x128xi32, #tpu.memory_space<vmem>>, vector<1x16xi32>,
        %get3A_999 = vector.shape_cast %get3A_998 : vector<1x16xi32> to vector<16xi32>
        %add3A_1000 = vector.broadcast %mul3A_962 : i32 to vector<16xi32>
        %add3A_1001 = arith.addi %add3A_1000, %get3A_999 : vector<16xi32>
        %swap3A_1002 = arith.index_cast %add3A_886 : i32 to index
        %swap3A_1003 = arith.constant 48 : index
        %swap3A_1004 = tpu.vector_load %arg5[%swap3A_1002, %swap3A_1003] {strides = array<i32>} : memref<104x128xi32, #tpu.memory_space<vmem>>, vector<1x16xi32>,
        %swap3A_1005 = vector.shape_cast %swap3A_1004 : vector<1x16xi32> to vector<16xi32>
        %swap3A_1006 = vector.shape_cast %add3A_1001 : vector<16xi32> to vector<1x16xi32>
        tpu.vector_store %arg5[%swap3A_1002, %swap3A_1003], %swap3A_1006 {strides = array<i32>} : memref<104x128xi32, #tpu.memory_space<vmem>>, vector<1x16xi32>,
        %get3A_1007 = arith.index_cast %add3A_886 : i32 to index
        %get3A_1008 = arith.constant 64 : index
        %get3A_1009 = tpu.vector_load %arg5[%get3A_1007, %get3A_1008] {strides = array<i32>} : memref<104x128xi32, #tpu.memory_space<vmem>>, vector<1x16xi32>,
        %get3A_1010 = vector.shape_cast %get3A_1009 : vector<1x16xi32> to vector<16xi32>
        %add3A_1011 = vector.broadcast %mul3A_962 : i32 to vector<16xi32>
        %add3A_1012 = arith.addi %add3A_1011, %get3A_1010 : vector<16xi32>
        %swap3A_1013 = arith.index_cast %add3A_886 : i32 to index
        %swap3A_1014 = arith.constant 64 : index
        %swap3A_1015 = tpu.vector_load %arg5[%swap3A_1013, %swap3A_1014] {strides = array<i32>} : memref<104x128xi32, #tpu.memory_space<vmem>>, vector<1x16xi32>,
        %swap3A_1016 = vector.shape_cast %swap3A_1015 : vector<1x16xi32> to vector<16xi32>
        %swap3A_1017 = vector.shape_cast %add3A_1012 : vector<16xi32> to vector<1x16xi32>
        tpu.vector_store %arg5[%swap3A_1013, %swap3A_1014], %swap3A_1017 {strides = array<i32>} : memref<104x128xi32, #tpu.memory_space<vmem>>, vector<1x16xi32>,
        %get3A_1018 = arith.index_cast %add3A_886 : i32 to index
        %get3A_1019 = arith.constant 80 : index
        %get3A_1020 = tpu.vector_load %arg5[%get3A_1018, %get3A_1019] {strides = array<i32>} : memref<104x128xi32, #tpu.memory_space<vmem>>, vector<1x16xi32>,
        %get3A_1021 = vector.shape_cast %get3A_1020 : vector<1x16xi32> to vector<16xi32>
        %add3A_1022 = vector.broadcast %mul3A_962 : i32 to vector<16xi32>
        %add3A_1023 = arith.addi %add3A_1022, %get3A_1021 : vector<16xi32>
        %swap3A_1024 = arith.index_cast %add3A_886 : i32 to index
        %swap3A_1025 = arith.constant 80 : index
        %swap3A_1026 = tpu.vector_load %arg5[%swap3A_1024, %swap3A_1025] {strides = array<i32>} : memref<104x128xi32, #tpu.memory_space<vmem>>, vector<1x16xi32>,
        %swap3A_1027 = vector.shape_cast %swap3A_1026 : vector<1x16xi32> to vector<16xi32>
        %swap3A_1028 = vector.shape_cast %add3A_1023 : vector<16xi32> to vector<1x16xi32>
        tpu.vector_store %arg5[%swap3A_1024, %swap3A_1025], %swap3A_1028 {strides = array<i32>} : memref<104x128xi32, #tpu.memory_space<vmem>>, vector<1x16xi32>,
        %get3A_1029 = arith.index_cast %add3A_886 : i32 to index
        %get3A_1030 = arith.constant 96 : index
        %get3A_1031 = tpu.vector_load %arg5[%get3A_1029, %get3A_1030] {strides = array<i32>} : memref<104x128xi32, #tpu.memory_space<vmem>>, vector<1x16xi32>,
        %get3A_1032 = vector.shape_cast %get3A_1031 : vector<1x16xi32> to vector<16xi32>
        %add3A_1033 = vector.broadcast %mul3A_962 : i32 to vector<16xi32>
        %add3A_1034 = arith.addi %add3A_1033, %get3A_1032 : vector<16xi32>
        %swap3A_1035 = arith.index_cast %add3A_886 : i32 to index
        %swap3A_1036 = arith.constant 96 : index
        %swap3A_1037 = tpu.vector_load %arg5[%swap3A_1035, %swap3A_1036] {strides = array<i32>} : memref<104x128xi32, #tpu.memory_space<vmem>>, vector<1x16xi32>,
        %swap3A_1038 = vector.shape_cast %swap3A_1037 : vector<1x16xi32> to vector<16xi32>
        %swap3A_1039 = vector.shape_cast %add3A_1034 : vector<16xi32> to vector<1x16xi32>
        tpu.vector_store %arg5[%swap3A_1035, %swap3A_1036], %swap3A_1039 {strides = array<i32>} : memref<104x128xi32, #tpu.memory_space<vmem>>, vector<1x16xi32>,
        %get3A_1040 = arith.index_cast %add3A_886 : i32 to index
        %get3A_1041 = arith.constant 112 : index
        %get3A_1042 = tpu.vector_load %arg5[%get3A_1040, %get3A_1041] {strides = array<i32>} : memref<104x128xi32, #tpu.memory_space<vmem>>, vector<1x16xi32>,
        %get3A_1043 = vector.shape_cast %get3A_1042 : vector<1x16xi32> to vector<16xi32>
        %add3A_1044 = vector.broadcast %mul3A_962 : i32 to vector<16xi32>
        %add3A_1045 = arith.addi %add3A_1044, %get3A_1043 : vector<16xi32>
        %swap3A_1046 = arith.index_cast %add3A_886 : i32 to index
        %swap3A_1047 = arith.constant 112 : index
        %swap3A_1048 = tpu.vector_load %arg5[%swap3A_1046, %swap3A_1047] {strides = array<i32>} : memref<104x128xi32, #tpu.memory_space<vmem>>, vector<1x16xi32>,
        %swap3A_1049 = vector.shape_cast %swap3A_1048 : vector<1x16xi32> to vector<16xi32>
        %swap3A_1050 = vector.shape_cast %add3A_1045 : vector<16xi32> to vector<1x16xi32>
        tpu.vector_store %arg5[%swap3A_1046, %swap3A_1047], %swap3A_1050 {strides = array<i32>} : memref<104x128xi32, #tpu.memory_space<vmem>>, vector<1x16xi32>,
        %add3A_1051 = arith.addi %mul3A_2, %sub3A_884 : i32
        %mul3A_1052 = arith.constant 128 : i32
        %mul3A_1053 = arith.muli %add3A_1051, %mul3A_1052 : i32
        %dma_wait3A_1054 = arith.constant 5 : i32
        %dma_wait3A_1055 = arith.constant 0 : i32
        %dma_wait3A_1056 = arith.constant 0 : i32
        %dma_wait3A_1057 = tpu.memref_slice %arg6[%dma_wait3A_1054, %dma_wait3A_1055, %dma_wait3A_1056] : memref<6x128x128xf32, #tpu.memory_space<vmem>> -> memref<1x128x128xf32, #tpu.memory_space<vmem>>
        %dma_wait3A_1058 = tpu.memref_squeeze %dma_wait3A_1057 : memref<1x128x128xf32, #tpu.memory_space<vmem>> -> memref<128x128xf32, #tpu.memory_space<vmem>>
        %dma_wait3A_1059 = arith.constant 0 : i32
        %dma_wait3A_1060 = tpu.memref_slice %arg4[%mul3A_1053, %dma_wait3A_1059] : memref<425984x128xf32, #tpu.memory_space<hbm>> -> memref<128x128xf32, #tpu.memory_space<hbm>>
        %dma_wait3A_1061 = arith.constant 0 : i32
        %dma_wait3A_1062 = tpu.memref_slice %arg4[%mul3A_1053, %dma_wait3A_1061] : memref<425984x128xf32, #tpu.memory_space<hbm>> -> memref<128x128xf32, #tpu.memory_space<hbm>>
        %dma_wait3A_1063 = arith.constant 0 : i32
        %dma_wait3A_1064 = arith.constant 0 : i32
        %dma_wait3A_1065 = tpu.memref_slice %arg6[%dma_wait3A_1054, %dma_wait3A_1063, %dma_wait3A_1064] : memref<6x128x128xf32, #tpu.memory_space<vmem>> -> memref<1x128x128xf32, #tpu.memory_space<vmem>>
        %dma_wait3A_1066 = tpu.memref_squeeze %dma_wait3A_1065 : memref<1x128x128xf32, #tpu.memory_space<vmem>> -> memref<128x128xf32, #tpu.memory_space<vmem>>
        tpu.wait_dma2 semaphore(%arg18 : memref<!tpu.dma_semaphore, #tpu.memory_space<semaphore_mem>>) src(%dma_wait3A_1066 : memref<128x128xf32, #tpu.memory_space<vmem>>) dst(%dma_wait3A_1062 : memref<128x128xf32, #tpu.memory_space<hbm>>)
        %dma_start3A_1067 = arith.constant 5 : i32
        %dma_start3A_1068 = arith.constant 0 : i32
        %dma_start3A_1069 = arith.constant 0 : i32
        %dma_start3A_1070 = tpu.memref_slice %arg6[%dma_start3A_1067, %dma_start3A_1068, %dma_start3A_1069] : memref<6x128x128xf32, #tpu.memory_space<vmem>> -> memref<1x128x128xf32, #tpu.memory_space<vmem>>
        %dma_start3A_1071 = tpu.memref_squeeze %dma_start3A_1070 : memref<1x128x128xf32, #tpu.memory_space<vmem>> -> memref<128x128xf32, #tpu.memory_space<vmem>>
        %dma_start3A_1072 = arith.constant 0 : i32
        %dma_start3A_1073 = tpu.memref_slice %arg5[%add3A_886, %dma_start3A_1072] : memref<104x128xi32, #tpu.memory_space<vmem>> -> memref<1x128xi32, #tpu.memory_space<vmem>>
        %dma_start3A_1074 = tpu.memref_squeeze %dma_start3A_1073 : memref<1x128xi32, #tpu.memory_space<vmem>> -> memref<128xi32, #tpu.memory_space<vmem>>
        %dma_start3A_1075 = arith.constant 0 : i32
        %dma_start3A_1076 = arith.constant 0 : i32
        %dma_start3A_1077 = tpu.memref_slice %arg2[%dma_start3A_1075, %dma_start3A_1076] : memref<26000x128xf32, #tpu.memory_space<hbm>> -> memref<26000x128xf32, #tpu.memory_space<hbm>>
        tpu.enqueue_indirect_dma source(%dma_start3A_1077 : memref<26000x128xf32, #tpu.memory_space<hbm>>) target(%dma_start3A_1071 : memref<128x128xf32, #tpu.memory_space<vmem>>) offsets(%dma_start3A_1074 : memref<128xi32, #tpu.memory_space<vmem>>) semaphore(%arg12 : memref<!tpu.dma_semaphore, #tpu.memory_space<semaphore_mem>>)
      } else {
      }
      %mul3A_895 = arith.constant 6 : i32
      %mul3A_896 = arith.muli %scan3A_837, %mul3A_895 : i32
      %add3A_897 = arith.constant 3 : i32
      %add3A_898 = arith.addi %mul3A_896, %add3A_897 : i32
      %lt3A_899 = arith.constant 104 : i32
      %lt3A_900 = arith.cmpi slt, %add3A_898, %lt3A_899 : i32
      %convert_element_type3A_901 = arith.extui %lt3A_900 : i1 to i32
      %cond3A_902 = arith.constant 0 : i32
      %cond3A_903 = arith.cmpi ne, %convert_element_type3A_901, %cond3A_902 : i32
      scf.if %cond3A_903 {
        %dma_wait3A_958 = arith.constant 3 : i32
        %dma_wait3A_959 = arith.constant 0 : i32
        %dma_wait3A_960 = arith.constant 0 : i32
        %dma_wait3A_961 = tpu.memref_slice %arg6[%dma_wait3A_958, %dma_wait3A_959, %dma_wait3A_960] : memref<6x128x128xf32, #tpu.memory_space<vmem>> -> memref<1x128x128xf32, #tpu.memory_space<vmem>>
        %dma_wait3A_962 = tpu.memref_squeeze %dma_wait3A_961 : memref<1x128x128xf32, #tpu.memory_space<vmem>> -> memref<128x128xf32, #tpu.memory_space<vmem>>
        %dma_wait3A_963 = arith.constant 0 : i32
        %dma_wait3A_964 = tpu.memref_slice %arg5[%add3A_898, %dma_wait3A_963] : memref<104x128xi32, #tpu.memory_space<vmem>> -> memref<1x128xi32, #tpu.memory_space<vmem>>
        %dma_wait3A_965 = tpu.memref_squeeze %dma_wait3A_964 : memref<1x128xi32, #tpu.memory_space<vmem>> -> memref<128xi32, #tpu.memory_space<vmem>>
        %dma_wait3A_966 = arith.constant 0 : i32
        %dma_wait3A_967 = arith.constant 0 : i32
        %dma_wait3A_968 = tpu.memref_slice %arg2[%dma_wait3A_966, %dma_wait3A_967] : memref<26000x128xf32, #tpu.memory_space<hbm>> -> memref<26000x128xf32, #tpu.memory_space<hbm>>
        tpu.wait_indirect_dma semaphore(%arg10 : memref<!tpu.dma_semaphore, #tpu.memory_space<semaphore_mem>>) src(%dma_wait3A_968 : memref<26000x128xf32, #tpu.memory_space<hbm>>) dst(%dma_wait3A_962 : memref<128x128xf32, #tpu.memory_space<vmem>>)
        %add3A_969 = arith.addi %mul3A_2, %add3A_898 : i32
        %mul3A_970 = arith.constant 128 : i32
        %mul3A_971 = arith.muli %add3A_969, %mul3A_970 : i32
        %dma_start3A_972 = arith.constant 3 : i32
        %dma_start3A_973 = arith.constant 0 : i32
        %dma_start3A_974 = arith.constant 0 : i32
        %dma_start3A_975 = tpu.memref_slice %arg6[%dma_start3A_972, %dma_start3A_973, %dma_start3A_974] : memref<6x128x128xf32, #tpu.memory_space<vmem>> -> memref<1x128x128xf32, #tpu.memory_space<vmem>>
        %dma_start3A_976 = tpu.memref_squeeze %dma_start3A_975 : memref<1x128x128xf32, #tpu.memory_space<vmem>> -> memref<128x128xf32, #tpu.memory_space<vmem>>
        %dma_start3A_977 = arith.constant 0 : i32
        %dma_start3A_978 = tpu.memref_slice %arg4[%mul3A_971, %dma_start3A_977] : memref<425984x128xf32, #tpu.memory_space<hbm>> -> memref<128x128xf32, #tpu.memory_space<hbm>>
        %dma_start3A_979 = arith.constant 0 : i32
        %dma_start3A_980 = tpu.memref_slice %arg4[%mul3A_971, %dma_start3A_979] : memref<425984x128xf32, #tpu.memory_space<hbm>> -> memref<128x128xf32, #tpu.memory_space<hbm>>
        %dma_start3A_981 = arith.constant 0 : i32
        %dma_start3A_982 = arith.constant 0 : i32
        %dma_start3A_983 = tpu.memref_slice %arg6[%dma_start3A_972, %dma_start3A_981, %dma_start3A_982] : memref<6x128x128xf32, #tpu.memory_space<vmem>> -> memref<1x128x128xf32, #tpu.memory_space<vmem>>
        %dma_start3A_984 = tpu.memref_squeeze %dma_start3A_983 : memref<1x128x128xf32, #tpu.memory_space<vmem>> -> memref<128x128xf32, #tpu.memory_space<vmem>>
        tpu.enqueue_dma source(%dma_start3A_984 : memref<128x128xf32, #tpu.memory_space<vmem>>) target(%dma_start3A_980 : memref<128x128xf32, #tpu.memory_space<hbm>>) target_semaphore(%arg16 : memref<!tpu.dma_semaphore, #tpu.memory_space<semaphore_mem>>)
      } else {
      }
      %sub3A_904 = arith.constant 3 : i32
      %sub3A_905 = arith.subi %add3A_898, %sub3A_904 : i32
      %add3A_906 = arith.constant 6 : i32
      %add3A_907 = arith.addi %sub3A_905, %add3A_906 : i32
      %ge3A_908 = arith.constant 0 : i32
      %ge3A_909 = arith.cmpi sge, %sub3A_905, %ge3A_908 : i32
      %lt3A_910 = arith.constant 104 : i32
      %lt3A_911 = arith.cmpi slt, %add3A_907, %lt3A_910 : i32
      %and3A_912 = arith.andi %ge3A_909, %lt3A_911 : i1
      %convert_element_type3A_913 = arith.extui %and3A_912 : i1 to i32
      %cond3A_914 = arith.constant 0 : i32
      %cond3A_915 = arith.cmpi ne, %convert_element_type3A_913, %cond3A_914 : i32
      scf.if %cond3A_915 {
        %add3A_958 = arith.addi %mul3A_2, %add3A_907 : i32
        %div3A_959 = arith.constant 128 : i32
        %div3A_960 = arith.divsi %add3A_958, %div3A_959 : i32
        %mul3A_961 = arith.constant 1000 : i32
        %mul3A_962 = arith.muli %div3A_960, %mul3A_961 : i32
        %get3A_963 = arith.index_cast %add3A_907 : i32 to index
        %get3A_964 = arith.constant 0 : index
        %get3A_965 = tpu.vector_load %arg5[%get3A_963, %get3A_964] {strides = array<i32>} : memref<104x128xi32, #tpu.memory_space<vmem>>, vector<1x16xi32>,
        %get3A_966 = vector.shape_cast %get3A_965 : vector<1x16xi32> to vector<16xi32>
        %add3A_967 = vector.broadcast %mul3A_962 : i32 to vector<16xi32>
        %add3A_968 = arith.addi %add3A_967, %get3A_966 : vector<16xi32>
        %swap3A_969 = arith.index_cast %add3A_907 : i32 to index
        %swap3A_970 = arith.constant 0 : index
        %swap3A_971 = tpu.vector_load %arg5[%swap3A_969, %swap3A_970] {strides = array<i32>} : memref<104x128xi32, #tpu.memory_space<vmem>>, vector<1x16xi32>,
        %swap3A_972 = vector.shape_cast %swap3A_971 : vector<1x16xi32> to vector<16xi32>
        %swap3A_973 = vector.shape_cast %add3A_968 : vector<16xi32> to vector<1x16xi32>
        tpu.vector_store %arg5[%swap3A_969, %swap3A_970], %swap3A_973 {strides = array<i32>} : memref<104x128xi32, #tpu.memory_space<vmem>>, vector<1x16xi32>,
        %get3A_974 = arith.index_cast %add3A_907 : i32 to index
        %get3A_975 = arith.constant 16 : index
        %get3A_976 = tpu.vector_load %arg5[%get3A_974, %get3A_975] {strides = array<i32>} : memref<104x128xi32, #tpu.memory_space<vmem>>, vector<1x16xi32>,
        %get3A_977 = vector.shape_cast %get3A_976 : vector<1x16xi32> to vector<16xi32>
        %add3A_978 = vector.broadcast %mul3A_962 : i32 to vector<16xi32>
        %add3A_979 = arith.addi %add3A_978, %get3A_977 : vector<16xi32>
        %swap3A_980 = arith.index_cast %add3A_907 : i32 to index
        %swap3A_981 = arith.constant 16 : index
        %swap3A_982 = tpu.vector_load %arg5[%swap3A_980, %swap3A_981] {strides = array<i32>} : memref<104x128xi32, #tpu.memory_space<vmem>>, vector<1x16xi32>,
        %swap3A_983 = vector.shape_cast %swap3A_982 : vector<1x16xi32> to vector<16xi32>
        %swap3A_984 = vector.shape_cast %add3A_979 : vector<16xi32> to vector<1x16xi32>
        tpu.vector_store %arg5[%swap3A_980, %swap3A_981], %swap3A_984 {strides = array<i32>} : memref<104x128xi32, #tpu.memory_space<vmem>>, vector<1x16xi32>,
        %get3A_985 = arith.index_cast %add3A_907 : i32 to index
        %get3A_986 = arith.constant 32 : index
        %get3A_987 = tpu.vector_load %arg5[%get3A_985, %get3A_986] {strides = array<i32>} : memref<104x128xi32, #tpu.memory_space<vmem>>, vector<1x16xi32>,
        %get3A_988 = vector.shape_cast %get3A_987 : vector<1x16xi32> to vector<16xi32>
        %add3A_989 = vector.broadcast %mul3A_962 : i32 to vector<16xi32>
        %add3A_990 = arith.addi %add3A_989, %get3A_988 : vector<16xi32>
        %swap3A_991 = arith.index_cast %add3A_907 : i32 to index
        %swap3A_992 = arith.constant 32 : index
        %swap3A_993 = tpu.vector_load %arg5[%swap3A_991, %swap3A_992] {strides = array<i32>} : memref<104x128xi32, #tpu.memory_space<vmem>>, vector<1x16xi32>,
        %swap3A_994 = vector.shape_cast %swap3A_993 : vector<1x16xi32> to vector<16xi32>
        %swap3A_995 = vector.shape_cast %add3A_990 : vector<16xi32> to vector<1x16xi32>
        tpu.vector_store %arg5[%swap3A_991, %swap3A_992], %swap3A_995 {strides = array<i32>} : memref<104x128xi32, #tpu.memory_space<vmem>>, vector<1x16xi32>,
        %get3A_996 = arith.index_cast %add3A_907 : i32 to index
        %get3A_997 = arith.constant 48 : index
        %get3A_998 = tpu.vector_load %arg5[%get3A_996, %get3A_997] {strides = array<i32>} : memref<104x128xi32, #tpu.memory_space<vmem>>, vector<1x16xi32>,
        %get3A_999 = vector.shape_cast %get3A_998 : vector<1x16xi32> to vector<16xi32>
        %add3A_1000 = vector.broadcast %mul3A_962 : i32 to vector<16xi32>
        %add3A_1001 = arith.addi %add3A_1000, %get3A_999 : vector<16xi32>
        %swap3A_1002 = arith.index_cast %add3A_907 : i32 to index
        %swap3A_1003 = arith.constant 48 : index
        %swap3A_1004 = tpu.vector_load %arg5[%swap3A_1002, %swap3A_1003] {strides = array<i32>} : memref<104x128xi32, #tpu.memory_space<vmem>>, vector<1x16xi32>,
        %swap3A_1005 = vector.shape_cast %swap3A_1004 : vector<1x16xi32> to vector<16xi32>
        %swap3A_1006 = vector.shape_cast %add3A_1001 : vector<16xi32> to vector<1x16xi32>
        tpu.vector_store %arg5[%swap3A_1002, %swap3A_1003], %swap3A_1006 {strides = array<i32>} : memref<104x128xi32, #tpu.memory_space<vmem>>, vector<1x16xi32>,
        %get3A_1007 = arith.index_cast %add3A_907 : i32 to index
        %get3A_1008 = arith.constant 64 : index
        %get3A_1009 = tpu.vector_load %arg5[%get3A_1007, %get3A_1008] {strides = array<i32>} : memref<104x128xi32, #tpu.memory_space<vmem>>, vector<1x16xi32>,
        %get3A_1010 = vector.shape_cast %get3A_1009 : vector<1x16xi32> to vector<16xi32>
        %add3A_1011 = vector.broadcast %mul3A_962 : i32 to vector<16xi32>
        %add3A_1012 = arith.addi %add3A_1011, %get3A_1010 : vector<16xi32>
        %swap3A_1013 = arith.index_cast %add3A_907 : i32 to index
        %swap3A_1014 = arith.constant 64 : index
        %swap3A_1015 = tpu.vector_load %arg5[%swap3A_1013, %swap3A_1014] {strides = array<i32>} : memref<104x128xi32, #tpu.memory_space<vmem>>, vector<1x16xi32>,
        %swap3A_1016 = vector.shape_cast %swap3A_1015 : vector<1x16xi32> to vector<16xi32>
        %swap3A_1017 = vector.shape_cast %add3A_1012 : vector<16xi32> to vector<1x16xi32>
        tpu.vector_store %arg5[%swap3A_1013, %swap3A_1014], %swap3A_1017 {strides = array<i32>} : memref<104x128xi32, #tpu.memory_space<vmem>>, vector<1x16xi32>,
        %get3A_1018 = arith.index_cast %add3A_907 : i32 to index
        %get3A_1019 = arith.constant 80 : index
        %get3A_1020 = tpu.vector_load %arg5[%get3A_1018, %get3A_1019] {strides = array<i32>} : memref<104x128xi32, #tpu.memory_space<vmem>>, vector<1x16xi32>,
        %get3A_1021 = vector.shape_cast %get3A_1020 : vector<1x16xi32> to vector<16xi32>
        %add3A_1022 = vector.broadcast %mul3A_962 : i32 to vector<16xi32>
        %add3A_1023 = arith.addi %add3A_1022, %get3A_1021 : vector<16xi32>
        %swap3A_1024 = arith.index_cast %add3A_907 : i32 to index
        %swap3A_1025 = arith.constant 80 : index
        %swap3A_1026 = tpu.vector_load %arg5[%swap3A_1024, %swap3A_1025] {strides = array<i32>} : memref<104x128xi32, #tpu.memory_space<vmem>>, vector<1x16xi32>,
        %swap3A_1027 = vector.shape_cast %swap3A_1026 : vector<1x16xi32> to vector<16xi32>
        %swap3A_1028 = vector.shape_cast %add3A_1023 : vector<16xi32> to vector<1x16xi32>
        tpu.vector_store %arg5[%swap3A_1024, %swap3A_1025], %swap3A_1028 {strides = array<i32>} : memref<104x128xi32, #tpu.memory_space<vmem>>, vector<1x16xi32>,
        %get3A_1029 = arith.index_cast %add3A_907 : i32 to index
        %get3A_1030 = arith.constant 96 : index
        %get3A_1031 = tpu.vector_load %arg5[%get3A_1029, %get3A_1030] {strides = array<i32>} : memref<104x128xi32, #tpu.memory_space<vmem>>, vector<1x16xi32>,
        %get3A_1032 = vector.shape_cast %get3A_1031 : vector<1x16xi32> to vector<16xi32>
        %add3A_1033 = vector.broadcast %mul3A_962 : i32 to vector<16xi32>
        %add3A_1034 = arith.addi %add3A_1033, %get3A_1032 : vector<16xi32>
        %swap3A_1035 = arith.index_cast %add3A_907 : i32 to index
        %swap3A_1036 = arith.constant 96 : index
        %swap3A_1037 = tpu.vector_load %arg5[%swap3A_1035, %swap3A_1036] {strides = array<i32>} : memref<104x128xi32, #tpu.memory_space<vmem>>, vector<1x16xi32>,
        %swap3A_1038 = vector.shape_cast %swap3A_1037 : vector<1x16xi32> to vector<16xi32>
        %swap3A_1039 = vector.shape_cast %add3A_1034 : vector<16xi32> to vector<1x16xi32>
        tpu.vector_store %arg5[%swap3A_1035, %swap3A_1036], %swap3A_1039 {strides = array<i32>} : memref<104x128xi32, #tpu.memory_space<vmem>>, vector<1x16xi32>,
        %get3A_1040 = arith.index_cast %add3A_907 : i32 to index
        %get3A_1041 = arith.constant 112 : index
        %get3A_1042 = tpu.vector_load %arg5[%get3A_1040, %get3A_1041] {strides = array<i32>} : memref<104x128xi32, #tpu.memory_space<vmem>>, vector<1x16xi32>,
        %get3A_1043 = vector.shape_cast %get3A_1042 : vector<1x16xi32> to vector<16xi32>
        %add3A_1044 = vector.broadcast %mul3A_962 : i32 to vector<16xi32>
        %add3A_1045 = arith.addi %add3A_1044, %get3A_1043 : vector<16xi32>
        %swap3A_1046 = arith.index_cast %add3A_907 : i32 to index
        %swap3A_1047 = arith.constant 112 : index
        %swap3A_1048 = tpu.vector_load %arg5[%swap3A_1046, %swap3A_1047] {strides = array<i32>} : memref<104x128xi32, #tpu.memory_space<vmem>>, vector<1x16xi32>,
        %swap3A_1049 = vector.shape_cast %swap3A_1048 : vector<1x16xi32> to vector<16xi32>
        %swap3A_1050 = vector.shape_cast %add3A_1045 : vector<16xi32> to vector<1x16xi32>
        tpu.vector_store %arg5[%swap3A_1046, %swap3A_1047], %swap3A_1050 {strides = array<i32>} : memref<104x128xi32, #tpu.memory_space<vmem>>, vector<1x16xi32>,
        %add3A_1051 = arith.addi %mul3A_2, %sub3A_905 : i32
        %mul3A_1052 = arith.constant 128 : i32
        %mul3A_1053 = arith.muli %add3A_1051, %mul3A_1052 : i32
        %dma_wait3A_1054 = arith.constant 0 : i32
        %dma_wait3A_1055 = arith.constant 0 : i32
        %dma_wait3A_1056 = arith.constant 0 : i32
        %dma_wait3A_1057 = tpu.memref_slice %arg6[%dma_wait3A_1054, %dma_wait3A_1055, %dma_wait3A_1056] : memref<6x128x128xf32, #tpu.memory_space<vmem>> -> memref<1x128x128xf32, #tpu.memory_space<vmem>>
        %dma_wait3A_1058 = tpu.memref_squeeze %dma_wait3A_1057 : memref<1x128x128xf32, #tpu.memory_space<vmem>> -> memref<128x128xf32, #tpu.memory_space<vmem>>
        %dma_wait3A_1059 = arith.constant 0 : i32
        %dma_wait3A_1060 = tpu.memref_slice %arg4[%mul3A_1053, %dma_wait3A_1059] : memref<425984x128xf32, #tpu.memory_space<hbm>> -> memref<128x128xf32, #tpu.memory_space<hbm>>
        %dma_wait3A_1061 = arith.constant 0 : i32
        %dma_wait3A_1062 = tpu.memref_slice %arg4[%mul3A_1053, %dma_wait3A_1061] : memref<425984x128xf32, #tpu.memory_space<hbm>> -> memref<128x128xf32, #tpu.memory_space<hbm>>
        %dma_wait3A_1063 = arith.constant 0 : i32
        %dma_wait3A_1064 = arith.constant 0 : i32
        %dma_wait3A_1065 = tpu.memref_slice %arg6[%dma_wait3A_1054, %dma_wait3A_1063, %dma_wait3A_1064] : memref<6x128x128xf32, #tpu.memory_space<vmem>> -> memref<1x128x128xf32, #tpu.memory_space<vmem>>
        %dma_wait3A_1066 = tpu.memref_squeeze %dma_wait3A_1065 : memref<1x128x128xf32, #tpu.memory_space<vmem>> -> memref<128x128xf32, #tpu.memory_space<vmem>>
        tpu.wait_dma2 semaphore(%arg13 : memref<!tpu.dma_semaphore, #tpu.memory_space<semaphore_mem>>) src(%dma_wait3A_1066 : memref<128x128xf32, #tpu.memory_space<vmem>>) dst(%dma_wait3A_1062 : memref<128x128xf32, #tpu.memory_space<hbm>>)
        %dma_start3A_1067 = arith.constant 0 : i32
        %dma_start3A_1068 = arith.constant 0 : i32
        %dma_start3A_1069 = arith.constant 0 : i32
        %dma_start3A_1070 = tpu.memref_slice %arg6[%dma_start3A_1067, %dma_start3A_1068, %dma_start3A_1069] : memref<6x128x128xf32, #tpu.memory_space<vmem>> -> memref<1x128x128xf32, #tpu.memory_space<vmem>>
        %dma_start3A_1071 = tpu.memref_squeeze %dma_start3A_1070 : memref<1x128x128xf32, #tpu.memory_space<vmem>> -> memref<128x128xf32, #tpu.memory_space<vmem>>
        %dma_start3A_1072 = arith.constant 0 : i32
        %dma_start3A_1073 = tpu.memref_slice %arg5[%add3A_907, %dma_start3A_1072] : memref<104x128xi32, #tpu.memory_space<vmem>> -> memref<1x128xi32, #tpu.memory_space<vmem>>
        %dma_start3A_1074 = tpu.memref_squeeze %dma_start3A_1073 : memref<1x128xi32, #tpu.memory_space<vmem>> -> memref<128xi32, #tpu.memory_space<vmem>>
        %dma_start3A_1075 = arith.constant 0 : i32
        %dma_start3A_1076 = arith.constant 0 : i32
        %dma_start3A_1077 = tpu.memref_slice %arg2[%dma_start3A_1075, %dma_start3A_1076] : memref<26000x128xf32, #tpu.memory_space<hbm>> -> memref<26000x128xf32, #tpu.memory_space<hbm>>
        tpu.enqueue_indirect_dma source(%dma_start3A_1077 : memref<26000x128xf32, #tpu.memory_space<hbm>>) target(%dma_start3A_1071 : memref<128x128xf32, #tpu.memory_space<vmem>>) offsets(%dma_start3A_1074 : memref<128xi32, #tpu.memory_space<vmem>>) semaphore(%arg7 : memref<!tpu.dma_semaphore, #tpu.memory_space<semaphore_mem>>)
      } else {
      }
      %mul3A_916 = arith.constant 6 : i32
      %mul3A_917 = arith.muli %scan3A_837, %mul3A_916 : i32
      %add3A_918 = arith.constant 4 : i32
      %add3A_919 = arith.addi %mul3A_917, %add3A_918 : i32
      %lt3A_920 = arith.constant 104 : i32
      %lt3A_921 = arith.cmpi slt, %add3A_919, %lt3A_920 : i32
      %convert_element_type3A_922 = arith.extui %lt3A_921 : i1 to i32
      %cond3A_923 = arith.constant 0 : i32
      %cond3A_924 = arith.cmpi ne, %convert_element_type3A_922, %cond3A_923 : i32
      scf.if %cond3A_924 {
        %dma_wait3A_958 = arith.constant 4 : i32
        %dma_wait3A_959 = arith.constant 0 : i32
        %dma_wait3A_960 = arith.constant 0 : i32
        %dma_wait3A_961 = tpu.memref_slice %arg6[%dma_wait3A_958, %dma_wait3A_959, %dma_wait3A_960] : memref<6x128x128xf32, #tpu.memory_space<vmem>> -> memref<1x128x128xf32, #tpu.memory_space<vmem>>
        %dma_wait3A_962 = tpu.memref_squeeze %dma_wait3A_961 : memref<1x128x128xf32, #tpu.memory_space<vmem>> -> memref<128x128xf32, #tpu.memory_space<vmem>>
        %dma_wait3A_963 = arith.constant 0 : i32
        %dma_wait3A_964 = tpu.memref_slice %arg5[%add3A_919, %dma_wait3A_963] : memref<104x128xi32, #tpu.memory_space<vmem>> -> memref<1x128xi32, #tpu.memory_space<vmem>>
        %dma_wait3A_965 = tpu.memref_squeeze %dma_wait3A_964 : memref<1x128xi32, #tpu.memory_space<vmem>> -> memref<128xi32, #tpu.memory_space<vmem>>
        %dma_wait3A_966 = arith.constant 0 : i32
        %dma_wait3A_967 = arith.constant 0 : i32
        %dma_wait3A_968 = tpu.memref_slice %arg2[%dma_wait3A_966, %dma_wait3A_967] : memref<26000x128xf32, #tpu.memory_space<hbm>> -> memref<26000x128xf32, #tpu.memory_space<hbm>>
        tpu.wait_indirect_dma semaphore(%arg11 : memref<!tpu.dma_semaphore, #tpu.memory_space<semaphore_mem>>) src(%dma_wait3A_968 : memref<26000x128xf32, #tpu.memory_space<hbm>>) dst(%dma_wait3A_962 : memref<128x128xf32, #tpu.memory_space<vmem>>)
        %add3A_969 = arith.addi %mul3A_2, %add3A_919 : i32
        %mul3A_970 = arith.constant 128 : i32
        %mul3A_971 = arith.muli %add3A_969, %mul3A_970 : i32
        %dma_start3A_972 = arith.constant 4 : i32
        %dma_start3A_973 = arith.constant 0 : i32
        %dma_start3A_974 = arith.constant 0 : i32
        %dma_start3A_975 = tpu.memref_slice %arg6[%dma_start3A_972, %dma_start3A_973, %dma_start3A_974] : memref<6x128x128xf32, #tpu.memory_space<vmem>> -> memref<1x128x128xf32, #tpu.memory_space<vmem>>
        %dma_start3A_976 = tpu.memref_squeeze %dma_start3A_975 : memref<1x128x128xf32, #tpu.memory_space<vmem>> -> memref<128x128xf32, #tpu.memory_space<vmem>>
        %dma_start3A_977 = arith.constant 0 : i32
        %dma_start3A_978 = tpu.memref_slice %arg4[%mul3A_971, %dma_start3A_977] : memref<425984x128xf32, #tpu.memory_space<hbm>> -> memref<128x128xf32, #tpu.memory_space<hbm>>
        %dma_start3A_979 = arith.constant 0 : i32
        %dma_start3A_980 = tpu.memref_slice %arg4[%mul3A_971, %dma_start3A_979] : memref<425984x128xf32, #tpu.memory_space<hbm>> -> memref<128x128xf32, #tpu.memory_space<hbm>>
        %dma_start3A_981 = arith.constant 0 : i32
        %dma_start3A_982 = arith.constant 0 : i32
        %dma_start3A_983 = tpu.memref_slice %arg6[%dma_start3A_972, %dma_start3A_981, %dma_start3A_982] : memref<6x128x128xf32, #tpu.memory_space<vmem>> -> memref<1x128x128xf32, #tpu.memory_space<vmem>>
        %dma_start3A_984 = tpu.memref_squeeze %dma_start3A_983 : memref<1x128x128xf32, #tpu.memory_space<vmem>> -> memref<128x128xf32, #tpu.memory_space<vmem>>
        tpu.enqueue_dma source(%dma_start3A_984 : memref<128x128xf32, #tpu.memory_space<vmem>>) target(%dma_start3A_980 : memref<128x128xf32, #tpu.memory_space<hbm>>) target_semaphore(%arg17 : memref<!tpu.dma_semaphore, #tpu.memory_space<semaphore_mem>>)
      } else {
      }
      %sub3A_925 = arith.constant 3 : i32
      %sub3A_926 = arith.subi %add3A_919, %sub3A_925 : i32
      %add3A_927 = arith.constant 6 : i32
      %add3A_928 = arith.addi %sub3A_926, %add3A_927 : i32
      %ge3A_929 = arith.constant 0 : i32
      %ge3A_930 = arith.cmpi sge, %sub3A_926, %ge3A_929 : i32
      %lt3A_931 = arith.constant 104 : i32
      %lt3A_932 = arith.cmpi slt, %add3A_928, %lt3A_931 : i32
      %and3A_933 = arith.andi %ge3A_930, %lt3A_932 : i1
      %convert_element_type3A_934 = arith.extui %and3A_933 : i1 to i32
      %cond3A_935 = arith.constant 0 : i32
      %cond3A_936 = arith.cmpi ne, %convert_element_type3A_934, %cond3A_935 : i32
      scf.if %cond3A_936 {
        %add3A_958 = arith.addi %mul3A_2, %add3A_928 : i32
        %div3A_959 = arith.constant 128 : i32
        %div3A_960 = arith.divsi %add3A_958, %div3A_959 : i32
        %mul3A_961 = arith.constant 1000 : i32
        %mul3A_962 = arith.muli %div3A_960, %mul3A_961 : i32
        %get3A_963 = arith.index_cast %add3A_928 : i32 to index
        %get3A_964 = arith.constant 0 : index
        %get3A_965 = tpu.vector_load %arg5[%get3A_963, %get3A_964] {strides = array<i32>} : memref<104x128xi32, #tpu.memory_space<vmem>>, vector<1x16xi32>,
        %get3A_966 = vector.shape_cast %get3A_965 : vector<1x16xi32> to vector<16xi32>
        %add3A_967 = vector.broadcast %mul3A_962 : i32 to vector<16xi32>
        %add3A_968 = arith.addi %add3A_967, %get3A_966 : vector<16xi32>
        %swap3A_969 = arith.index_cast %add3A_928 : i32 to index
        %swap3A_970 = arith.constant 0 : index
        %swap3A_971 = tpu.vector_load %arg5[%swap3A_969, %swap3A_970] {strides = array<i32>} : memref<104x128xi32, #tpu.memory_space<vmem>>, vector<1x16xi32>,
        %swap3A_972 = vector.shape_cast %swap3A_971 : vector<1x16xi32> to vector<16xi32>
        %swap3A_973 = vector.shape_cast %add3A_968 : vector<16xi32> to vector<1x16xi32>
        tpu.vector_store %arg5[%swap3A_969, %swap3A_970], %swap3A_973 {strides = array<i32>} : memref<104x128xi32, #tpu.memory_space<vmem>>, vector<1x16xi32>,
        %get3A_974 = arith.index_cast %add3A_928 : i32 to index
        %get3A_975 = arith.constant 16 : index
        %get3A_976 = tpu.vector_load %arg5[%get3A_974, %get3A_975] {strides = array<i32>} : memref<104x128xi32, #tpu.memory_space<vmem>>, vector<1x16xi32>,
        %get3A_977 = vector.shape_cast %get3A_976 : vector<1x16xi32> to vector<16xi32>
        %add3A_978 = vector.broadcast %mul3A_962 : i32 to vector<16xi32>
        %add3A_979 = arith.addi %add3A_978, %get3A_977 : vector<16xi32>
        %swap3A_980 = arith.index_cast %add3A_928 : i32 to index
        %swap3A_981 = arith.constant 16 : index
        %swap3A_982 = tpu.vector_load %arg5[%swap3A_980, %swap3A_981] {strides = array<i32>} : memref<104x128xi32, #tpu.memory_space<vmem>>, vector<1x16xi32>,
        %swap3A_983 = vector.shape_cast %swap3A_982 : vector<1x16xi32> to vector<16xi32>
        %swap3A_984 = vector.shape_cast %add3A_979 : vector<16xi32> to vector<1x16xi32>
        tpu.vector_store %arg5[%swap3A_980, %swap3A_981], %swap3A_984 {strides = array<i32>} : memref<104x128xi32, #tpu.memory_space<vmem>>, vector<1x16xi32>,
        %get3A_985 = arith.index_cast %add3A_928 : i32 to index
        %get3A_986 = arith.constant 32 : index
        %get3A_987 = tpu.vector_load %arg5[%get3A_985, %get3A_986] {strides = array<i32>} : memref<104x128xi32, #tpu.memory_space<vmem>>, vector<1x16xi32>,
        %get3A_988 = vector.shape_cast %get3A_987 : vector<1x16xi32> to vector<16xi32>
        %add3A_989 = vector.broadcast %mul3A_962 : i32 to vector<16xi32>
        %add3A_990 = arith.addi %add3A_989, %get3A_988 : vector<16xi32>
        %swap3A_991 = arith.index_cast %add3A_928 : i32 to index
        %swap3A_992 = arith.constant 32 : index
        %swap3A_993 = tpu.vector_load %arg5[%swap3A_991, %swap3A_992] {strides = array<i32>} : memref<104x128xi32, #tpu.memory_space<vmem>>, vector<1x16xi32>,
        %swap3A_994 = vector.shape_cast %swap3A_993 : vector<1x16xi32> to vector<16xi32>
        %swap3A_995 = vector.shape_cast %add3A_990 : vector<16xi32> to vector<1x16xi32>
        tpu.vector_store %arg5[%swap3A_991, %swap3A_992], %swap3A_995 {strides = array<i32>} : memref<104x128xi32, #tpu.memory_space<vmem>>, vector<1x16xi32>,
        %get3A_996 = arith.index_cast %add3A_928 : i32 to index
        %get3A_997 = arith.constant 48 : index
        %get3A_998 = tpu.vector_load %arg5[%get3A_996, %get3A_997] {strides = array<i32>} : memref<104x128xi32, #tpu.memory_space<vmem>>, vector<1x16xi32>,
        %get3A_999 = vector.shape_cast %get3A_998 : vector<1x16xi32> to vector<16xi32>
        %add3A_1000 = vector.broadcast %mul3A_962 : i32 to vector<16xi32>
        %add3A_1001 = arith.addi %add3A_1000, %get3A_999 : vector<16xi32>
        %swap3A_1002 = arith.index_cast %add3A_928 : i32 to index
        %swap3A_1003 = arith.constant 48 : index
        %swap3A_1004 = tpu.vector_load %arg5[%swap3A_1002, %swap3A_1003] {strides = array<i32>} : memref<104x128xi32, #tpu.memory_space<vmem>>, vector<1x16xi32>,
        %swap3A_1005 = vector.shape_cast %swap3A_1004 : vector<1x16xi32> to vector<16xi32>
        %swap3A_1006 = vector.shape_cast %add3A_1001 : vector<16xi32> to vector<1x16xi32>
        tpu.vector_store %arg5[%swap3A_1002, %swap3A_1003], %swap3A_1006 {strides = array<i32>} : memref<104x128xi32, #tpu.memory_space<vmem>>, vector<1x16xi32>,
        %get3A_1007 = arith.index_cast %add3A_928 : i32 to index
        %get3A_1008 = arith.constant 64 : index
        %get3A_1009 = tpu.vector_load %arg5[%get3A_1007, %get3A_1008] {strides = array<i32>} : memref<104x128xi32, #tpu.memory_space<vmem>>, vector<1x16xi32>,
        %get3A_1010 = vector.shape_cast %get3A_1009 : vector<1x16xi32> to vector<16xi32>
        %add3A_1011 = vector.broadcast %mul3A_962 : i32 to vector<16xi32>
        %add3A_1012 = arith.addi %add3A_1011, %get3A_1010 : vector<16xi32>
        %swap3A_1013 = arith.index_cast %add3A_928 : i32 to index
        %swap3A_1014 = arith.constant 64 : index
        %swap3A_1015 = tpu.vector_load %arg5[%swap3A_1013, %swap3A_1014] {strides = array<i32>} : memref<104x128xi32, #tpu.memory_space<vmem>>, vector<1x16xi32>,
        %swap3A_1016 = vector.shape_cast %swap3A_1015 : vector<1x16xi32> to vector<16xi32>
        %swap3A_1017 = vector.shape_cast %add3A_1012 : vector<16xi32> to vector<1x16xi32>
        tpu.vector_store %arg5[%swap3A_1013, %swap3A_1014], %swap3A_1017 {strides = array<i32>} : memref<104x128xi32, #tpu.memory_space<vmem>>, vector<1x16xi32>,
        %get3A_1018 = arith.index_cast %add3A_928 : i32 to index
        %get3A_1019 = arith.constant 80 : index
        %get3A_1020 = tpu.vector_load %arg5[%get3A_1018, %get3A_1019] {strides = array<i32>} : memref<104x128xi32, #tpu.memory_space<vmem>>, vector<1x16xi32>,
        %get3A_1021 = vector.shape_cast %get3A_1020 : vector<1x16xi32> to vector<16xi32>
        %add3A_1022 = vector.broadcast %mul3A_962 : i32 to vector<16xi32>
        %add3A_1023 = arith.addi %add3A_1022, %get3A_1021 : vector<16xi32>
        %swap3A_1024 = arith.index_cast %add3A_928 : i32 to index
        %swap3A_1025 = arith.constant 80 : index
        %swap3A_1026 = tpu.vector_load %arg5[%swap3A_1024, %swap3A_1025] {strides = array<i32>} : memref<104x128xi32, #tpu.memory_space<vmem>>, vector<1x16xi32>,
        %swap3A_1027 = vector.shape_cast %swap3A_1026 : vector<1x16xi32> to vector<16xi32>
        %swap3A_1028 = vector.shape_cast %add3A_1023 : vector<16xi32> to vector<1x16xi32>
        tpu.vector_store %arg5[%swap3A_1024, %swap3A_1025], %swap3A_1028 {strides = array<i32>} : memref<104x128xi32, #tpu.memory_space<vmem>>, vector<1x16xi32>,
        %get3A_1029 = arith.index_cast %add3A_928 : i32 to index
        %get3A_1030 = arith.constant 96 : index
        %get3A_1031 = tpu.vector_load %arg5[%get3A_1029, %get3A_1030] {strides = array<i32>} : memref<104x128xi32, #tpu.memory_space<vmem>>, vector<1x16xi32>,
        %get3A_1032 = vector.shape_cast %get3A_1031 : vector<1x16xi32> to vector<16xi32>
        %add3A_1033 = vector.broadcast %mul3A_962 : i32 to vector<16xi32>
        %add3A_1034 = arith.addi %add3A_1033, %get3A_1032 : vector<16xi32>
        %swap3A_1035 = arith.index_cast %add3A_928 : i32 to index
        %swap3A_1036 = arith.constant 96 : index
        %swap3A_1037 = tpu.vector_load %arg5[%swap3A_1035, %swap3A_1036] {strides = array<i32>} : memref<104x128xi32, #tpu.memory_space<vmem>>, vector<1x16xi32>,
        %swap3A_1038 = vector.shape_cast %swap3A_1037 : vector<1x16xi32> to vector<16xi32>
        %swap3A_1039 = vector.shape_cast %add3A_1034 : vector<16xi32> to vector<1x16xi32>
        tpu.vector_store %arg5[%swap3A_1035, %swap3A_1036], %swap3A_1039 {strides = array<i32>} : memref<104x128xi32, #tpu.memory_space<vmem>>, vector<1x16xi32>,
        %get3A_1040 = arith.index_cast %add3A_928 : i32 to index
        %get3A_1041 = arith.constant 112 : index
        %get3A_1042 = tpu.vector_load %arg5[%get3A_1040, %get3A_1041] {strides = array<i32>} : memref<104x128xi32, #tpu.memory_space<vmem>>, vector<1x16xi32>,
        %get3A_1043 = vector.shape_cast %get3A_1042 : vector<1x16xi32> to vector<16xi32>
        %add3A_1044 = vector.broadcast %mul3A_962 : i32 to vector<16xi32>
        %add3A_1045 = arith.addi %add3A_1044, %get3A_1043 : vector<16xi32>
        %swap3A_1046 = arith.index_cast %add3A_928 : i32 to index
        %swap3A_1047 = arith.constant 112 : index
        %swap3A_1048 = tpu.vector_load %arg5[%swap3A_1046, %swap3A_1047] {strides = array<i32>} : memref<104x128xi32, #tpu.memory_space<vmem>>, vector<1x16xi32>,
        %swap3A_1049 = vector.shape_cast %swap3A_1048 : vector<1x16xi32> to vector<16xi32>
        %swap3A_1050 = vector.shape_cast %add3A_1045 : vector<16xi32> to vector<1x16xi32>
        tpu.vector_store %arg5[%swap3A_1046, %swap3A_1047], %swap3A_1050 {strides = array<i32>} : memref<104x128xi32, #tpu.memory_space<vmem>>, vector<1x16xi32>,
        %add3A_1051 = arith.addi %mul3A_2, %sub3A_926 : i32
        %mul3A_1052 = arith.constant 128 : i32
        %mul3A_1053 = arith.muli %add3A_1051, %mul3A_1052 : i32
        %dma_wait3A_1054 = arith.constant 1 : i32
        %dma_wait3A_1055 = arith.constant 0 : i32
        %dma_wait3A_1056 = arith.constant 0 : i32
        %dma_wait3A_1057 = tpu.memref_slice %arg6[%dma_wait3A_1054, %dma_wait3A_1055, %dma_wait3A_1056] : memref<6x128x128xf32, #tpu.memory_space<vmem>> -> memref<1x128x128xf32, #tpu.memory_space<vmem>>
        %dma_wait3A_1058 = tpu.memref_squeeze %dma_wait3A_1057 : memref<1x128x128xf32, #tpu.memory_space<vmem>> -> memref<128x128xf32, #tpu.memory_space<vmem>>
        %dma_wait3A_1059 = arith.constant 0 : i32
        %dma_wait3A_1060 = tpu.memref_slice %arg4[%mul3A_1053, %dma_wait3A_1059] : memref<425984x128xf32, #tpu.memory_space<hbm>> -> memref<128x128xf32, #tpu.memory_space<hbm>>
        %dma_wait3A_1061 = arith.constant 0 : i32
        %dma_wait3A_1062 = tpu.memref_slice %arg4[%mul3A_1053, %dma_wait3A_1061] : memref<425984x128xf32, #tpu.memory_space<hbm>> -> memref<128x128xf32, #tpu.memory_space<hbm>>
        %dma_wait3A_1063 = arith.constant 0 : i32
        %dma_wait3A_1064 = arith.constant 0 : i32
        %dma_wait3A_1065 = tpu.memref_slice %arg6[%dma_wait3A_1054, %dma_wait3A_1063, %dma_wait3A_1064] : memref<6x128x128xf32, #tpu.memory_space<vmem>> -> memref<1x128x128xf32, #tpu.memory_space<vmem>>
        %dma_wait3A_1066 = tpu.memref_squeeze %dma_wait3A_1065 : memref<1x128x128xf32, #tpu.memory_space<vmem>> -> memref<128x128xf32, #tpu.memory_space<vmem>>
        tpu.wait_dma2 semaphore(%arg14 : memref<!tpu.dma_semaphore, #tpu.memory_space<semaphore_mem>>) src(%dma_wait3A_1066 : memref<128x128xf32, #tpu.memory_space<vmem>>) dst(%dma_wait3A_1062 : memref<128x128xf32, #tpu.memory_space<hbm>>)
        %dma_start3A_1067 = arith.constant 1 : i32
        %dma_start3A_1068 = arith.constant 0 : i32
        %dma_start3A_1069 = arith.constant 0 : i32
        %dma_start3A_1070 = tpu.memref_slice %arg6[%dma_start3A_1067, %dma_start3A_1068, %dma_start3A_1069] : memref<6x128x128xf32, #tpu.memory_space<vmem>> -> memref<1x128x128xf32, #tpu.memory_space<vmem>>
        %dma_start3A_1071 = tpu.memref_squeeze %dma_start3A_1070 : memref<1x128x128xf32, #tpu.memory_space<vmem>> -> memref<128x128xf32, #tpu.memory_space<vmem>>
        %dma_start3A_1072 = arith.constant 0 : i32
        %dma_start3A_1073 = tpu.memref_slice %arg5[%add3A_928, %dma_start3A_1072] : memref<104x128xi32, #tpu.memory_space<vmem>> -> memref<1x128xi32, #tpu.memory_space<vmem>>
        %dma_start3A_1074 = tpu.memref_squeeze %dma_start3A_1073 : memref<1x128xi32, #tpu.memory_space<vmem>> -> memref<128xi32, #tpu.memory_space<vmem>>
        %dma_start3A_1075 = arith.constant 0 : i32
        %dma_start3A_1076 = arith.constant 0 : i32
        %dma_start3A_1077 = tpu.memref_slice %arg2[%dma_start3A_1075, %dma_start3A_1076] : memref<26000x128xf32, #tpu.memory_space<hbm>> -> memref<26000x128xf32, #tpu.memory_space<hbm>>
        tpu.enqueue_indirect_dma source(%dma_start3A_1077 : memref<26000x128xf32, #tpu.memory_space<hbm>>) target(%dma_start3A_1071 : memref<128x128xf32, #tpu.memory_space<vmem>>) offsets(%dma_start3A_1074 : memref<128xi32, #tpu.memory_space<vmem>>) semaphore(%arg8 : memref<!tpu.dma_semaphore, #tpu.memory_space<semaphore_mem>>)
      } else {
      }
      %mul3A_937 = arith.constant 6 : i32
      %mul3A_938 = arith.muli %scan3A_837, %mul3A_937 : i32
      %add3A_939 = arith.constant 5 : i32
      %add3A_940 = arith.addi %mul3A_938, %add3A_939 : i32
      %lt3A_941 = arith.constant 104 : i32
      %lt3A_942 = arith.cmpi slt, %add3A_940, %lt3A_941 : i32
      %convert_element_type3A_943 = arith.extui %lt3A_942 : i1 to i32
      %cond3A_944 = arith.constant 0 : i32
      %cond3A_945 = arith.cmpi ne, %convert_element_type3A_943, %cond3A_944 : i32
      scf.if %cond3A_945 {
        %dma_wait3A_958 = arith.constant 5 : i32
        %dma_wait3A_959 = arith.constant 0 : i32
        %dma_wait3A_960 = arith.constant 0 : i32
        %dma_wait3A_961 = tpu.memref_slice %arg6[%dma_wait3A_958, %dma_wait3A_959, %dma_wait3A_960] : memref<6x128x128xf32, #tpu.memory_space<vmem>> -> memref<1x128x128xf32, #tpu.memory_space<vmem>>
        %dma_wait3A_962 = tpu.memref_squeeze %dma_wait3A_961 : memref<1x128x128xf32, #tpu.memory_space<vmem>> -> memref<128x128xf32, #tpu.memory_space<vmem>>
        %dma_wait3A_963 = arith.constant 0 : i32
        %dma_wait3A_964 = tpu.memref_slice %arg5[%add3A_940, %dma_wait3A_963] : memref<104x128xi32, #tpu.memory_space<vmem>> -> memref<1x128xi32, #tpu.memory_space<vmem>>
        %dma_wait3A_965 = tpu.memref_squeeze %dma_wait3A_964 : memref<1x128xi32, #tpu.memory_space<vmem>> -> memref<128xi32, #tpu.memory_space<vmem>>
        %dma_wait3A_966 = arith.constant 0 : i32
        %dma_wait3A_967 = arith.constant 0 : i32
        %dma_wait3A_968 = tpu.memref_slice %arg2[%dma_wait3A_966, %dma_wait3A_967] : memref<26000x128xf32, #tpu.memory_space<hbm>> -> memref<26000x128xf32, #tpu.memory_space<hbm>>
        tpu.wait_indirect_dma semaphore(%arg12 : memref<!tpu.dma_semaphore, #tpu.memory_space<semaphore_mem>>) src(%dma_wait3A_968 : memref<26000x128xf32, #tpu.memory_space<hbm>>) dst(%dma_wait3A_962 : memref<128x128xf32, #tpu.memory_space<vmem>>)
        %add3A_969 = arith.addi %mul3A_2, %add3A_940 : i32
        %mul3A_970 = arith.constant 128 : i32
        %mul3A_971 = arith.muli %add3A_969, %mul3A_970 : i32
        %dma_start3A_972 = arith.constant 5 : i32
        %dma_start3A_973 = arith.constant 0 : i32
        %dma_start3A_974 = arith.constant 0 : i32
        %dma_start3A_975 = tpu.memref_slice %arg6[%dma_start3A_972, %dma_start3A_973, %dma_start3A_974] : memref<6x128x128xf32, #tpu.memory_space<vmem>> -> memref<1x128x128xf32, #tpu.memory_space<vmem>>
        %dma_start3A_976 = tpu.memref_squeeze %dma_start3A_975 : memref<1x128x128xf32, #tpu.memory_space<vmem>> -> memref<128x128xf32, #tpu.memory_space<vmem>>
        %dma_start3A_977 = arith.constant 0 : i32
        %dma_start3A_978 = tpu.memref_slice %arg4[%mul3A_971, %dma_start3A_977] : memref<425984x128xf32, #tpu.memory_space<hbm>> -> memref<128x128xf32, #tpu.memory_space<hbm>>
        %dma_start3A_979 = arith.constant 0 : i32
        %dma_start3A_980 = tpu.memref_slice %arg4[%mul3A_971, %dma_start3A_979] : memref<425984x128xf32, #tpu.memory_space<hbm>> -> memref<128x128xf32, #tpu.memory_space<hbm>>
        %dma_start3A_981 = arith.constant 0 : i32
        %dma_start3A_982 = arith.constant 0 : i32
        %dma_start3A_983 = tpu.memref_slice %arg6[%dma_start3A_972, %dma_start3A_981, %dma_start3A_982] : memref<6x128x128xf32, #tpu.memory_space<vmem>> -> memref<1x128x128xf32, #tpu.memory_space<vmem>>
        %dma_start3A_984 = tpu.memref_squeeze %dma_start3A_983 : memref<1x128x128xf32, #tpu.memory_space<vmem>> -> memref<128x128xf32, #tpu.memory_space<vmem>>
        tpu.enqueue_dma source(%dma_start3A_984 : memref<128x128xf32, #tpu.memory_space<vmem>>) target(%dma_start3A_980 : memref<128x128xf32, #tpu.memory_space<hbm>>) target_semaphore(%arg18 : memref<!tpu.dma_semaphore, #tpu.memory_space<semaphore_mem>>)
      } else {
      }
      %sub3A_946 = arith.constant 3 : i32
      %sub3A_947 = arith.subi %add3A_940, %sub3A_946 : i32
      %add3A_948 = arith.constant 6 : i32
      %add3A_949 = arith.addi %sub3A_947, %add3A_948 : i32
      %ge3A_950 = arith.constant 0 : i32
      %ge3A_951 = arith.cmpi sge, %sub3A_947, %ge3A_950 : i32
      %lt3A_952 = arith.constant 104 : i32
      %lt3A_953 = arith.cmpi slt, %add3A_949, %lt3A_952 : i32
      %and3A_954 = arith.andi %ge3A_951, %lt3A_953 : i1
      %convert_element_type3A_955 = arith.extui %and3A_954 : i1 to i32
      %cond3A_956 = arith.constant 0 : i32
      %cond3A_957 = arith.cmpi ne, %convert_element_type3A_955, %cond3A_956 : i32
      scf.if %cond3A_957 {
        %add3A_958 = arith.addi %mul3A_2, %add3A_949 : i32
        %div3A_959 = arith.constant 128 : i32
        %div3A_960 = arith.divsi %add3A_958, %div3A_959 : i32
        %mul3A_961 = arith.constant 1000 : i32
        %mul3A_962 = arith.muli %div3A_960, %mul3A_961 : i32
        %get3A_963 = arith.index_cast %add3A_949 : i32 to index
        %get3A_964 = arith.constant 0 : index
        %get3A_965 = tpu.vector_load %arg5[%get3A_963, %get3A_964] {strides = array<i32>} : memref<104x128xi32, #tpu.memory_space<vmem>>, vector<1x16xi32>,
        %get3A_966 = vector.shape_cast %get3A_965 : vector<1x16xi32> to vector<16xi32>
        %add3A_967 = vector.broadcast %mul3A_962 : i32 to vector<16xi32>
        %add3A_968 = arith.addi %add3A_967, %get3A_966 : vector<16xi32>
        %swap3A_969 = arith.index_cast %add3A_949 : i32 to index
        %swap3A_970 = arith.constant 0 : index
        %swap3A_971 = tpu.vector_load %arg5[%swap3A_969, %swap3A_970] {strides = array<i32>} : memref<104x128xi32, #tpu.memory_space<vmem>>, vector<1x16xi32>,
        %swap3A_972 = vector.shape_cast %swap3A_971 : vector<1x16xi32> to vector<16xi32>
        %swap3A_973 = vector.shape_cast %add3A_968 : vector<16xi32> to vector<1x16xi32>
        tpu.vector_store %arg5[%swap3A_969, %swap3A_970], %swap3A_973 {strides = array<i32>} : memref<104x128xi32, #tpu.memory_space<vmem>>, vector<1x16xi32>,
        %get3A_974 = arith.index_cast %add3A_949 : i32 to index
        %get3A_975 = arith.constant 16 : index
        %get3A_976 = tpu.vector_load %arg5[%get3A_974, %get3A_975] {strides = array<i32>} : memref<104x128xi32, #tpu.memory_space<vmem>>, vector<1x16xi32>,
        %get3A_977 = vector.shape_cast %get3A_976 : vector<1x16xi32> to vector<16xi32>
        %add3A_978 = vector.broadcast %mul3A_962 : i32 to vector<16xi32>
        %add3A_979 = arith.addi %add3A_978, %get3A_977 : vector<16xi32>
        %swap3A_980 = arith.index_cast %add3A_949 : i32 to index
        %swap3A_981 = arith.constant 16 : index
        %swap3A_982 = tpu.vector_load %arg5[%swap3A_980, %swap3A_981] {strides = array<i32>} : memref<104x128xi32, #tpu.memory_space<vmem>>, vector<1x16xi32>,
        %swap3A_983 = vector.shape_cast %swap3A_982 : vector<1x16xi32> to vector<16xi32>
        %swap3A_984 = vector.shape_cast %add3A_979 : vector<16xi32> to vector<1x16xi32>
        tpu.vector_store %arg5[%swap3A_980, %swap3A_981], %swap3A_984 {strides = array<i32>} : memref<104x128xi32, #tpu.memory_space<vmem>>, vector<1x16xi32>,
        %get3A_985 = arith.index_cast %add3A_949 : i32 to index
        %get3A_986 = arith.constant 32 : index
        %get3A_987 = tpu.vector_load %arg5[%get3A_985, %get3A_986] {strides = array<i32>} : memref<104x128xi32, #tpu.memory_space<vmem>>, vector<1x16xi32>,
        %get3A_988 = vector.shape_cast %get3A_987 : vector<1x16xi32> to vector<16xi32>
        %add3A_989 = vector.broadcast %mul3A_962 : i32 to vector<16xi32>
        %add3A_990 = arith.addi %add3A_989, %get3A_988 : vector<16xi32>
        %swap3A_991 = arith.index_cast %add3A_949 : i32 to index
        %swap3A_992 = arith.constant 32 : index
        %swap3A_993 = tpu.vector_load %arg5[%swap3A_991, %swap3A_992] {strides = array<i32>} : memref<104x128xi32, #tpu.memory_space<vmem>>, vector<1x16xi32>,
        %swap3A_994 = vector.shape_cast %swap3A_993 : vector<1x16xi32> to vector<16xi32>
        %swap3A_995 = vector.shape_cast %add3A_990 : vector<16xi32> to vector<1x16xi32>
        tpu.vector_store %arg5[%swap3A_991, %swap3A_992], %swap3A_995 {strides = array<i32>} : memref<104x128xi32, #tpu.memory_space<vmem>>, vector<1x16xi32>,
        %get3A_996 = arith.index_cast %add3A_949 : i32 to index
        %get3A_997 = arith.constant 48 : index
        %get3A_998 = tpu.vector_load %arg5[%get3A_996, %get3A_997] {strides = array<i32>} : memref<104x128xi32, #tpu.memory_space<vmem>>, vector<1x16xi32>,
        %get3A_999 = vector.shape_cast %get3A_998 : vector<1x16xi32> to vector<16xi32>
        %add3A_1000 = vector.broadcast %mul3A_962 : i32 to vector<16xi32>
        %add3A_1001 = arith.addi %add3A_1000, %get3A_999 : vector<16xi32>
        %swap3A_1002 = arith.index_cast %add3A_949 : i32 to index
        %swap3A_1003 = arith.constant 48 : index
        %swap3A_1004 = tpu.vector_load %arg5[%swap3A_1002, %swap3A_1003] {strides = array<i32>} : memref<104x128xi32, #tpu.memory_space<vmem>>, vector<1x16xi32>,
        %swap3A_1005 = vector.shape_cast %swap3A_1004 : vector<1x16xi32> to vector<16xi32>
        %swap3A_1006 = vector.shape_cast %add3A_1001 : vector<16xi32> to vector<1x16xi32>
        tpu.vector_store %arg5[%swap3A_1002, %swap3A_1003], %swap3A_1006 {strides = array<i32>} : memref<104x128xi32, #tpu.memory_space<vmem>>, vector<1x16xi32>,
        %get3A_1007 = arith.index_cast %add3A_949 : i32 to index
        %get3A_1008 = arith.constant 64 : index
        %get3A_1009 = tpu.vector_load %arg5[%get3A_1007, %get3A_1008] {strides = array<i32>} : memref<104x128xi32, #tpu.memory_space<vmem>>, vector<1x16xi32>,
        %get3A_1010 = vector.shape_cast %get3A_1009 : vector<1x16xi32> to vector<16xi32>
        %add3A_1011 = vector.broadcast %mul3A_962 : i32 to vector<16xi32>
        %add3A_1012 = arith.addi %add3A_1011, %get3A_1010 : vector<16xi32>
        %swap3A_1013 = arith.index_cast %add3A_949 : i32 to index
        %swap3A_1014 = arith.constant 64 : index
        %swap3A_1015 = tpu.vector_load %arg5[%swap3A_1013, %swap3A_1014] {strides = array<i32>} : memref<104x128xi32, #tpu.memory_space<vmem>>, vector<1x16xi32>,
        %swap3A_1016 = vector.shape_cast %swap3A_1015 : vector<1x16xi32> to vector<16xi32>
        %swap3A_1017 = vector.shape_cast %add3A_1012 : vector<16xi32> to vector<1x16xi32>
        tpu.vector_store %arg5[%swap3A_1013, %swap3A_1014], %swap3A_1017 {strides = array<i32>} : memref<104x128xi32, #tpu.memory_space<vmem>>, vector<1x16xi32>,
        %get3A_1018 = arith.index_cast %add3A_949 : i32 to index
        %get3A_1019 = arith.constant 80 : index
        %get3A_1020 = tpu.vector_load %arg5[%get3A_1018, %get3A_1019] {strides = array<i32>} : memref<104x128xi32, #tpu.memory_space<vmem>>, vector<1x16xi32>,
        %get3A_1021 = vector.shape_cast %get3A_1020 : vector<1x16xi32> to vector<16xi32>
        %add3A_1022 = vector.broadcast %mul3A_962 : i32 to vector<16xi32>
        %add3A_1023 = arith.addi %add3A_1022, %get3A_1021 : vector<16xi32>
        %swap3A_1024 = arith.index_cast %add3A_949 : i32 to index
        %swap3A_1025 = arith.constant 80 : index
        %swap3A_1026 = tpu.vector_load %arg5[%swap3A_1024, %swap3A_1025] {strides = array<i32>} : memref<104x128xi32, #tpu.memory_space<vmem>>, vector<1x16xi32>,
        %swap3A_1027 = vector.shape_cast %swap3A_1026 : vector<1x16xi32> to vector<16xi32>
        %swap3A_1028 = vector.shape_cast %add3A_1023 : vector<16xi32> to vector<1x16xi32>
        tpu.vector_store %arg5[%swap3A_1024, %swap3A_1025], %swap3A_1028 {strides = array<i32>} : memref<104x128xi32, #tpu.memory_space<vmem>>, vector<1x16xi32>,
        %get3A_1029 = arith.index_cast %add3A_949 : i32 to index
        %get3A_1030 = arith.constant 96 : index
        %get3A_1031 = tpu.vector_load %arg5[%get3A_1029, %get3A_1030] {strides = array<i32>} : memref<104x128xi32, #tpu.memory_space<vmem>>, vector<1x16xi32>,
        %get3A_1032 = vector.shape_cast %get3A_1031 : vector<1x16xi32> to vector<16xi32>
        %add3A_1033 = vector.broadcast %mul3A_962 : i32 to vector<16xi32>
        %add3A_1034 = arith.addi %add3A_1033, %get3A_1032 : vector<16xi32>
        %swap3A_1035 = arith.index_cast %add3A_949 : i32 to index
        %swap3A_1036 = arith.constant 96 : index
        %swap3A_1037 = tpu.vector_load %arg5[%swap3A_1035, %swap3A_1036] {strides = array<i32>} : memref<104x128xi32, #tpu.memory_space<vmem>>, vector<1x16xi32>,
        %swap3A_1038 = vector.shape_cast %swap3A_1037 : vector<1x16xi32> to vector<16xi32>
        %swap3A_1039 = vector.shape_cast %add3A_1034 : vector<16xi32> to vector<1x16xi32>
        tpu.vector_store %arg5[%swap3A_1035, %swap3A_1036], %swap3A_1039 {strides = array<i32>} : memref<104x128xi32, #tpu.memory_space<vmem>>, vector<1x16xi32>,
        %get3A_1040 = arith.index_cast %add3A_949 : i32 to index
        %get3A_1041 = arith.constant 112 : index
        %get3A_1042 = tpu.vector_load %arg5[%get3A_1040, %get3A_1041] {strides = array<i32>} : memref<104x128xi32, #tpu.memory_space<vmem>>, vector<1x16xi32>,
        %get3A_1043 = vector.shape_cast %get3A_1042 : vector<1x16xi32> to vector<16xi32>
        %add3A_1044 = vector.broadcast %mul3A_962 : i32 to vector<16xi32>
        %add3A_1045 = arith.addi %add3A_1044, %get3A_1043 : vector<16xi32>
        %swap3A_1046 = arith.index_cast %add3A_949 : i32 to index
        %swap3A_1047 = arith.constant 112 : index
        %swap3A_1048 = tpu.vector_load %arg5[%swap3A_1046, %swap3A_1047] {strides = array<i32>} : memref<104x128xi32, #tpu.memory_space<vmem>>, vector<1x16xi32>,
        %swap3A_1049 = vector.shape_cast %swap3A_1048 : vector<1x16xi32> to vector<16xi32>
        %swap3A_1050 = vector.shape_cast %add3A_1045 : vector<16xi32> to vector<1x16xi32>
        tpu.vector_store %arg5[%swap3A_1046, %swap3A_1047], %swap3A_1050 {strides = array<i32>} : memref<104x128xi32, #tpu.memory_space<vmem>>, vector<1x16xi32>,
        %add3A_1051 = arith.addi %mul3A_2, %sub3A_947 : i32
        %mul3A_1052 = arith.constant 128 : i32
        %mul3A_1053 = arith.muli %add3A_1051, %mul3A_1052 : i32
        %dma_wait3A_1054 = arith.constant 2 : i32
        %dma_wait3A_1055 = arith.constant 0 : i32
        %dma_wait3A_1056 = arith.constant 0 : i32
        %dma_wait3A_1057 = tpu.memref_slice %arg6[%dma_wait3A_1054, %dma_wait3A_1055, %dma_wait3A_1056] : memref<6x128x128xf32, #tpu.memory_space<vmem>> -> memref<1x128x128xf32, #tpu.memory_space<vmem>>
        %dma_wait3A_1058 = tpu.memref_squeeze %dma_wait3A_1057 : memref<1x128x128xf32, #tpu.memory_space<vmem>> -> memref<128x128xf32, #tpu.memory_space<vmem>>
        %dma_wait3A_1059 = arith.constant 0 : i32
        %dma_wait3A_1060 = tpu.memref_slice %arg4[%mul3A_1053, %dma_wait3A_1059] : memref<425984x128xf32, #tpu.memory_space<hbm>> -> memref<128x128xf32, #tpu.memory_space<hbm>>
        %dma_wait3A_1061 = arith.constant 0 : i32
        %dma_wait3A_1062 = tpu.memref_slice %arg4[%mul3A_1053, %dma_wait3A_1061] : memref<425984x128xf32, #tpu.memory_space<hbm>> -> memref<128x128xf32, #tpu.memory_space<hbm>>
        %dma_wait3A_1063 = arith.constant 0 : i32
        %dma_wait3A_1064 = arith.constant 0 : i32
        %dma_wait3A_1065 = tpu.memref_slice %arg6[%dma_wait3A_1054, %dma_wait3A_1063, %dma_wait3A_1064] : memref<6x128x128xf32, #tpu.memory_space<vmem>> -> memref<1x128x128xf32, #tpu.memory_space<vmem>>
        %dma_wait3A_1066 = tpu.memref_squeeze %dma_wait3A_1065 : memref<1x128x128xf32, #tpu.memory_space<vmem>> -> memref<128x128xf32, #tpu.memory_space<vmem>>
        tpu.wait_dma2 semaphore(%arg15 : memref<!tpu.dma_semaphore, #tpu.memory_space<semaphore_mem>>) src(%dma_wait3A_1066 : memref<128x128xf32, #tpu.memory_space<vmem>>) dst(%dma_wait3A_1062 : memref<128x128xf32, #tpu.memory_space<hbm>>)
        %dma_start3A_1067 = arith.constant 2 : i32
        %dma_start3A_1068 = arith.constant 0 : i32
        %dma_start3A_1069 = arith.constant 0 : i32
        %dma_start3A_1070 = tpu.memref_slice %arg6[%dma_start3A_1067, %dma_start3A_1068, %dma_start3A_1069] : memref<6x128x128xf32, #tpu.memory_space<vmem>> -> memref<1x128x128xf32, #tpu.memory_space<vmem>>
        %dma_start3A_1071 = tpu.memref_squeeze %dma_start3A_1070 : memref<1x128x128xf32, #tpu.memory_space<vmem>> -> memref<128x128xf32, #tpu.memory_space<vmem>>
        %dma_start3A_1072 = arith.constant 0 : i32
        %dma_start3A_1073 = tpu.memref_slice %arg5[%add3A_949, %dma_start3A_1072] : memref<104x128xi32, #tpu.memory_space<vmem>> -> memref<1x128xi32, #tpu.memory_space<vmem>>
        %dma_start3A_1074 = tpu.memref_squeeze %dma_start3A_1073 : memref<1x128xi32, #tpu.memory_space<vmem>> -> memref<128xi32, #tpu.memory_space<vmem>>
        %dma_start3A_1075 = arith.constant 0 : i32
        %dma_start3A_1076 = arith.constant 0 : i32
        %dma_start3A_1077 = tpu.memref_slice %arg2[%dma_start3A_1075, %dma_start3A_1076] : memref<26000x128xf32, #tpu.memory_space<hbm>> -> memref<26000x128xf32, #tpu.memory_space<hbm>>
        tpu.enqueue_indirect_dma source(%dma_start3A_1077 : memref<26000x128xf32, #tpu.memory_space<hbm>>) target(%dma_start3A_1071 : memref<128x128xf32, #tpu.memory_space<vmem>>) offsets(%dma_start3A_1074 : memref<128xi32, #tpu.memory_space<vmem>>) semaphore(%arg9 : memref<!tpu.dma_semaphore, #tpu.memory_space<semaphore_mem>>)
      } else {
      }
    }
    %scan3A_735 = arith.constant 18 : i32
    %add3A_736 = arith.constant 98 : i32
    %add3A_737 = arith.addi %mul3A_2, %add3A_736 : i32
    %mul3A_738 = arith.constant 128 : i32
    %mul3A_739 = arith.muli %add3A_737, %mul3A_738 : i32
    %dma_wait3A = arith.constant 2 : i32
    %dma_wait3A_740 = arith.constant 0 : i32
    %dma_wait3A_741 = arith.constant 0 : i32
    %dma_wait3A_742 = tpu.memref_slice %arg6[%dma_wait3A, %dma_wait3A_740, %dma_wait3A_741] : memref<6x128x128xf32, #tpu.memory_space<vmem>> -> memref<1x128x128xf32, #tpu.memory_space<vmem>>
    %dma_wait3A_743 = tpu.memref_squeeze %dma_wait3A_742 : memref<1x128x128xf32, #tpu.memory_space<vmem>> -> memref<128x128xf32, #tpu.memory_space<vmem>>
    %dma_wait3A_744 = arith.constant 0 : i32
    %dma_wait3A_745 = tpu.memref_slice %arg4[%mul3A_739, %dma_wait3A_744] : memref<425984x128xf32, #tpu.memory_space<hbm>> -> memref<128x128xf32, #tpu.memory_space<hbm>>
    %dma_wait3A_746 = arith.constant 0 : i32
    %dma_wait3A_747 = tpu.memref_slice %arg4[%mul3A_739, %dma_wait3A_746] : memref<425984x128xf32, #tpu.memory_space<hbm>> -> memref<128x128xf32, #tpu.memory_space<hbm>>
    %dma_wait3A_748 = arith.constant 0 : i32
    %dma_wait3A_749 = arith.constant 0 : i32
    %dma_wait3A_750 = tpu.memref_slice %arg6[%dma_wait3A, %dma_wait3A_748, %dma_wait3A_749] : memref<6x128x128xf32, #tpu.memory_space<vmem>> -> memref<1x128x128xf32, #tpu.memory_space<vmem>>
    %dma_wait3A_751 = tpu.memref_squeeze %dma_wait3A_750 : memref<1x128x128xf32, #tpu.memory_space<vmem>> -> memref<128x128xf32, #tpu.memory_space<vmem>>
    tpu.wait_dma2 semaphore(%arg15 : memref<!tpu.dma_semaphore, #tpu.memory_space<semaphore_mem>>) src(%dma_wait3A_751 : memref<128x128xf32, #tpu.memory_space<vmem>>) dst(%dma_wait3A_747 : memref<128x128xf32, #tpu.memory_space<hbm>>)
    %add3A_752 = arith.constant 99 : i32
    %add3A_753 = arith.addi %mul3A_2, %add3A_752 : i32
    %mul3A_754 = arith.constant 128 : i32
    %mul3A_755 = arith.muli %add3A_753, %mul3A_754 : i32
    %dma_wait3A_756 = arith.constant 3 : i32
    %dma_wait3A_757 = arith.constant 0 : i32
    %dma_wait3A_758 = arith.constant 0 : i32
    %dma_wait3A_759 = tpu.memref_slice %arg6[%dma_wait3A_756, %dma_wait3A_757, %dma_wait3A_758] : memref<6x128x128xf32, #tpu.memory_space<vmem>> -> memref<1x128x128xf32, #tpu.memory_space<vmem>>
    %dma_wait3A_760 = tpu.memref_squeeze %dma_wait3A_759 : memref<1x128x128xf32, #tpu.memory_space<vmem>> -> memref<128x128xf32, #tpu.memory_space<vmem>>
    %dma_wait3A_761 = arith.constant 0 : i32
    %dma_wait3A_762 = tpu.memref_slice %arg4[%mul3A_755, %dma_wait3A_761] : memref<425984x128xf32, #tpu.memory_space<hbm>> -> memref<128x128xf32, #tpu.memory_space<hbm>>
    %dma_wait3A_763 = arith.constant 0 : i32
    %dma_wait3A_764 = tpu.memref_slice %arg4[%mul3A_755, %dma_wait3A_763] : memref<425984x128xf32, #tpu.memory_space<hbm>> -> memref<128x128xf32, #tpu.memory_space<hbm>>
    %dma_wait3A_765 = arith.constant 0 : i32
    %dma_wait3A_766 = arith.constant 0 : i32
    %dma_wait3A_767 = tpu.memref_slice %arg6[%dma_wait3A_756, %dma_wait3A_765, %dma_wait3A_766] : memref<6x128x128xf32, #tpu.memory_space<vmem>> -> memref<1x128x128xf32, #tpu.memory_space<vmem>>
    %dma_wait3A_768 = tpu.memref_squeeze %dma_wait3A_767 : memref<1x128x128xf32, #tpu.memory_space<vmem>> -> memref<128x128xf32, #tpu.memory_space<vmem>>
    tpu.wait_dma2 semaphore(%arg16 : memref<!tpu.dma_semaphore, #tpu.memory_space<semaphore_mem>>) src(%dma_wait3A_768 : memref<128x128xf32, #tpu.memory_space<vmem>>) dst(%dma_wait3A_764 : memref<128x128xf32, #tpu.memory_space<hbm>>)
    %add3A_769 = arith.constant 100 : i32
    %add3A_770 = arith.addi %mul3A_2, %add3A_769 : i32
    %mul3A_771 = arith.constant 128 : i32
    %mul3A_772 = arith.muli %add3A_770, %mul3A_771 : i32
    %dma_wait3A_773 = arith.constant 4 : i32
    %dma_wait3A_774 = arith.constant 0 : i32
    %dma_wait3A_775 = arith.constant 0 : i32
    %dma_wait3A_776 = tpu.memref_slice %arg6[%dma_wait3A_773, %dma_wait3A_774, %dma_wait3A_775] : memref<6x128x128xf32, #tpu.memory_space<vmem>> -> memref<1x128x128xf32, #tpu.memory_space<vmem>>
    %dma_wait3A_777 = tpu.memref_squeeze %dma_wait3A_776 : memref<1x128x128xf32, #tpu.memory_space<vmem>> -> memref<128x128xf32, #tpu.memory_space<vmem>>
    %dma_wait3A_778 = arith.constant 0 : i32
    %dma_wait3A_779 = tpu.memref_slice %arg4[%mul3A_772, %dma_wait3A_778] : memref<425984x128xf32, #tpu.memory_space<hbm>> -> memref<128x128xf32, #tpu.memory_space<hbm>>
    %dma_wait3A_780 = arith.constant 0 : i32
    %dma_wait3A_781 = tpu.memref_slice %arg4[%mul3A_772, %dma_wait3A_780] : memref<425984x128xf32, #tpu.memory_space<hbm>> -> memref<128x128xf32, #tpu.memory_space<hbm>>
    %dma_wait3A_782 = arith.constant 0 : i32
    %dma_wait3A_783 = arith.constant 0 : i32
    %dma_wait3A_784 = tpu.memref_slice %arg6[%dma_wait3A_773, %dma_wait3A_782, %dma_wait3A_783] : memref<6x128x128xf32, #tpu.memory_space<vmem>> -> memref<1x128x128xf32, #tpu.memory_space<vmem>>
    %dma_wait3A_785 = tpu.memref_squeeze %dma_wait3A_784 : memref<1x128x128xf32, #tpu.memory_space<vmem>> -> memref<128x128xf32, #tpu.memory_space<vmem>>
    tpu.wait_dma2 semaphore(%arg17 : memref<!tpu.dma_semaphore, #tpu.memory_space<semaphore_mem>>) src(%dma_wait3A_785 : memref<128x128xf32, #tpu.memory_space<vmem>>) dst(%dma_wait3A_781 : memref<128x128xf32, #tpu.memory_space<hbm>>)
    %add3A_786 = arith.constant 101 : i32
    %add3A_787 = arith.addi %mul3A_2, %add3A_786 : i32
    %mul3A_788 = arith.constant 128 : i32
    %mul3A_789 = arith.muli %add3A_787, %mul3A_788 : i32
    %dma_wait3A_790 = arith.constant 5 : i32
    %dma_wait3A_791 = arith.constant 0 : i32
    %dma_wait3A_792 = arith.constant 0 : i32
    %dma_wait3A_793 = tpu.memref_slice %arg6[%dma_wait3A_790, %dma_wait3A_791, %dma_wait3A_792] : memref<6x128x128xf32, #tpu.memory_space<vmem>> -> memref<1x128x128xf32, #tpu.memory_space<vmem>>
    %dma_wait3A_794 = tpu.memref_squeeze %dma_wait3A_793 : memref<1x128x128xf32, #tpu.memory_space<vmem>> -> memref<128x128xf32, #tpu.memory_space<vmem>>
    %dma_wait3A_795 = arith.constant 0 : i32
    %dma_wait3A_796 = tpu.memref_slice %arg4[%mul3A_789, %dma_wait3A_795] : memref<425984x128xf32, #tpu.memory_space<hbm>> -> memref<128x128xf32, #tpu.memory_space<hbm>>
    %dma_wait3A_797 = arith.constant 0 : i32
    %dma_wait3A_798 = tpu.memref_slice %arg4[%mul3A_789, %dma_wait3A_797] : memref<425984x128xf32, #tpu.memory_space<hbm>> -> memref<128x128xf32, #tpu.memory_space<hbm>>
    %dma_wait3A_799 = arith.constant 0 : i32
    %dma_wait3A_800 = arith.constant 0 : i32
    %dma_wait3A_801 = tpu.memref_slice %arg6[%dma_wait3A_790, %dma_wait3A_799, %dma_wait3A_800] : memref<6x128x128xf32, #tpu.memory_space<vmem>> -> memref<1x128x128xf32, #tpu.memory_space<vmem>>
    %dma_wait3A_802 = tpu.memref_squeeze %dma_wait3A_801 : memref<1x128x128xf32, #tpu.memory_space<vmem>> -> memref<128x128xf32, #tpu.memory_space<vmem>>
    tpu.wait_dma2 semaphore(%arg18 : memref<!tpu.dma_semaphore, #tpu.memory_space<semaphore_mem>>) src(%dma_wait3A_802 : memref<128x128xf32, #tpu.memory_space<vmem>>) dst(%dma_wait3A_798 : memref<128x128xf32, #tpu.memory_space<hbm>>)
    %add3A_803 = arith.constant 102 : i32
    %add3A_804 = arith.addi %mul3A_2, %add3A_803 : i32
    %mul3A_805 = arith.constant 128 : i32
    %mul3A_806 = arith.muli %add3A_804, %mul3A_805 : i32
    %dma_wait3A_807 = arith.constant 0 : i32
    %dma_wait3A_808 = arith.constant 0 : i32
    %dma_wait3A_809 = arith.constant 0 : i32
    %dma_wait3A_810 = tpu.memref_slice %arg6[%dma_wait3A_807, %dma_wait3A_808, %dma_wait3A_809] : memref<6x128x128xf32, #tpu.memory_space<vmem>> -> memref<1x128x128xf32, #tpu.memory_space<vmem>>
    %dma_wait3A_811 = tpu.memref_squeeze %dma_wait3A_810 : memref<1x128x128xf32, #tpu.memory_space<vmem>> -> memref<128x128xf32, #tpu.memory_space<vmem>>
    %dma_wait3A_812 = arith.constant 0 : i32
    %dma_wait3A_813 = tpu.memref_slice %arg4[%mul3A_806, %dma_wait3A_812] : memref<425984x128xf32, #tpu.memory_space<hbm>> -> memref<128x128xf32, #tpu.memory_space<hbm>>
    %dma_wait3A_814 = arith.constant 0 : i32
    %dma_wait3A_815 = tpu.memref_slice %arg4[%mul3A_806, %dma_wait3A_814] : memref<425984x128xf32, #tpu.memory_space<hbm>> -> memref<128x128xf32, #tpu.memory_space<hbm>>
    %dma_wait3A_816 = arith.constant 0 : i32
    %dma_wait3A_817 = arith.constant 0 : i32
    %dma_wait3A_818 = tpu.memref_slice %arg6[%dma_wait3A_807, %dma_wait3A_816, %dma_wait3A_817] : memref<6x128x128xf32, #tpu.memory_space<vmem>> -> memref<1x128x128xf32, #tpu.memory_space<vmem>>
    %dma_wait3A_819 = tpu.memref_squeeze %dma_wait3A_818 : memref<1x128x128xf32, #tpu.memory_space<vmem>> -> memref<128x128xf32, #tpu.memory_space<vmem>>
    tpu.wait_dma2 semaphore(%arg13 : memref<!tpu.dma_semaphore, #tpu.memory_space<semaphore_mem>>) src(%dma_wait3A_819 : memref<128x128xf32, #tpu.memory_space<vmem>>) dst(%dma_wait3A_815 : memref<128x128xf32, #tpu.memory_space<hbm>>)
    %add3A_820 = arith.constant 103 : i32
    %add3A_821 = arith.addi %mul3A_2, %add3A_820 : i32
    %mul3A_822 = arith.constant 128 : i32
    %mul3A_823 = arith.muli %add3A_821, %mul3A_822 : i32
    %dma_wait3A_824 = arith.constant 1 : i32
    %dma_wait3A_825 = arith.constant 0 : i32
    %dma_wait3A_826 = arith.constant 0 : i32
    %dma_wait3A_827 = tpu.memref_slice %arg6[%dma_wait3A_824, %dma_wait3A_825, %dma_wait3A_826] : memref<6x128x128xf32, #tpu.memory_space<vmem>> -> memref<1x128x128xf32, #tpu.memory_space<vmem>>
    %dma_wait3A_828 = tpu.memref_squeeze %dma_wait3A_827 : memref<1x128x128xf32, #tpu.memory_space<vmem>> -> memref<128x128xf32, #tpu.memory_space<vmem>>
    %dma_wait3A_829 = arith.constant 0 : i32
    %dma_wait3A_830 = tpu.memref_slice %arg4[%mul3A_823, %dma_wait3A_829] : memref<425984x128xf32, #tpu.memory_space<hbm>> -> memref<128x128xf32, #tpu.memory_space<hbm>>
    %dma_wait3A_831 = arith.constant 0 : i32
    %dma_wait3A_832 = tpu.memref_slice %arg4[%mul3A_823, %dma_wait3A_831] : memref<425984x128xf32, #tpu.memory_space<hbm>> -> memref<128x128xf32, #tpu.memory_space<hbm>>
    %dma_wait3A_833 = arith.constant 0 : i32
    %dma_wait3A_834 = arith.constant 0 : i32
    %dma_wait3A_835 = tpu.memref_slice %arg6[%dma_wait3A_824, %dma_wait3A_833, %dma_wait3A_834] : memref<6x128x128xf32, #tpu.memory_space<vmem>> -> memref<1x128x128xf32, #tpu.memory_space<vmem>>
    %dma_wait3A_836 = tpu.memref_squeeze %dma_wait3A_835 : memref<1x128x128xf32, #tpu.memory_space<vmem>> -> memref<128x128xf32, #tpu.memory_space<vmem>>
    tpu.wait_dma2 semaphore(%arg14 : memref<!tpu.dma_semaphore, #tpu.memory_space<semaphore_mem>>) src(%dma_wait3A_836 : memref<128x128xf32, #tpu.memory_space<vmem>>) dst(%dma_wait3A_832 : memref<128x128xf32, #tpu.memory_space<hbm>>)
    return
  }
}

module attributes {stable_mosaic.version = 14 : i64} {
  func.func @body(%arg0: i32, %arg1: memref<1024x100xf32, #tpu.memory_space<vmem>>, %arg2: memref<100x128xf32, #tpu.memory_space<vmem>>, %arg3: memref<1x128xf32, #tpu.memory_space<vmem>>, %arg4: memref<128x128xf32, #tpu.memory_space<vmem>>, %arg5: memref<1x128xf32, #tpu.memory_space<vmem>>, %arg6: memref<1024x128xf32, #tpu.memory_space<vmem>>) attributes {dimension_semantics = [#tpu.dimension_semantics<arbitrary>], iteration_bounds = array<i64: 16>, scalar_prefetch = 0 : i64, scratch_operands = 0 : i64, tpu.core_type = #tpu.core_type<tc>, window_params = [{transform_indices = @transform_0, window_bounds = array<i64: 1024, 100>}, {pipeline_mode = #tpu.pipeline_mode<synchronous>, transform_indices = @transform_1, window_bounds = array<i64: 100, 128>}, {pipeline_mode = #tpu.pipeline_mode<synchronous>, transform_indices = @transform_2, window_bounds = array<i64: 1, 128>}, {pipeline_mode = #tpu.pipeline_mode<synchronous>, transform_indices = @transform_3, window_bounds = array<i64: 128, 128>}, {pipeline_mode = #tpu.pipeline_mode<synchronous>, transform_indices = @transform_4, window_bounds = array<i64: 1, 128>}, {transform_indices = @transform_5, window_bounds = array<i64: 1024, 128>}]} {
    %get3A = arith.constant 0 : index
    %get3A_0 = arith.constant 0 : index
    %get3A_1 = vector.load %arg1[%get3A, %get3A_0] : memref<1024x100xf32, #tpu.memory_space<vmem>>, vector<1024x100xf32>
    %get3A_2 = arith.constant 0 : index
    %get3A_3 = arith.constant 0 : index
    %get3A_4 = vector.load %arg2[%get3A_2, %get3A_3] : memref<100x128xf32, #tpu.memory_space<vmem>>, vector<100x128xf32>
    %dot_general3A = arith.constant dense<0.000000e+00> : vector<1024x128xf32>
    %dot_general3A_5 = tpu.matmul %get3A_1, %get3A_4, %dot_general3A {dimension_numbers = #tpu.dot_dimension_numbers<[1], [0], [0], [1], [0, 0, 1, 1], [], []>, transpose_lhs_hint = false} : vector<1024x100xf32>, vector<100x128xf32>, vector<1024x128xf32> -> vector<1024x128xf32>
    %get3A_6 = arith.constant 0 : index
    %get3A_7 = arith.constant 0 : index
    %get3A_8 = vector.load %arg3[%get3A_6, %get3A_7] : memref<1x128xf32, #tpu.memory_space<vmem>>, vector<1x128xf32>
    %add3A = vector.broadcast %get3A_8 : vector<1x128xf32> to vector<1024x128xf32>
    %add3A_9 = arith.addf %dot_general3A_5, %add3A : vector<1024x128xf32>
    %max3A = arith.constant 0.000000e+00 : f32
    %max3A_10 = vector.broadcast %max3A : f32 to vector<1024x128xf32>
    %max3A_11 = arith.maximumf %add3A_9, %max3A_10 : vector<1024x128xf32>
    %get3A_12 = arith.constant 0 : index
    %get3A_13 = arith.constant 0 : index
    %get3A_14 = vector.load %arg4[%get3A_12, %get3A_13] : memref<128x128xf32, #tpu.memory_space<vmem>>, vector<128x128xf32>
    %dot_general3A_15 = arith.constant dense<0.000000e+00> : vector<1024x128xf32>
    %dot_general3A_16 = tpu.matmul %max3A_11, %get3A_14, %dot_general3A_15 {dimension_numbers = #tpu.dot_dimension_numbers<[1], [0], [0], [1], [0, 0, 1, 1], [], []>, transpose_lhs_hint = false} : vector<1024x128xf32>, vector<128x128xf32>, vector<1024x128xf32> -> vector<1024x128xf32>
    %get3A_17 = arith.constant 0 : index
    %get3A_18 = arith.constant 0 : index
    %get3A_19 = vector.load %arg5[%get3A_17, %get3A_18] : memref<1x128xf32, #tpu.memory_space<vmem>>, vector<1x128xf32>
    %add3A_20 = vector.broadcast %get3A_19 : vector<1x128xf32> to vector<1024x128xf32>
    %add3A_21 = arith.addf %dot_general3A_16, %add3A_20 : vector<1024x128xf32>
    %swap3A = arith.constant 0 : index
    %swap3A_22 = arith.constant 0 : index
    %swap3A_23 = vector.load %arg6[%swap3A, %swap3A_22] : memref<1024x128xf32, #tpu.memory_space<vmem>>, vector<1024x128xf32>
    tpu.vector_store %arg6[%swap3A, %swap3A_22], %add3A_21 {strides = array<i32>} : memref<1024x128xf32, #tpu.memory_space<vmem>>, vector<1024x128xf32>,
    return
  }
  func.func @transform_0(%arg0: i32) -> (i32, i32) {
    %c0_i32 = arith.constant 0 : i32
    %c0_i32_0 = arith.constant 0 : i32
    return %arg0, %c0_i32 : i32, i32
  }
  func.func @transform_1(%arg0: i32) -> (i32, i32) {
    %c0_i32 = arith.constant 0 : i32
    %c0_i32_0 = arith.constant 0 : i32
    %c0_i32_1 = arith.constant 0 : i32
    return %c0_i32, %c0_i32_0 : i32, i32
  }
  func.func @transform_2(%arg0: i32) -> (i32, i32) {
    %c0_i32 = arith.constant 0 : i32
    %c0_i32_0 = arith.constant 0 : i32
    %c0_i32_1 = arith.constant 0 : i32
    return %c0_i32, %c0_i32_0 : i32, i32
  }
  func.func @transform_3(%arg0: i32) -> (i32, i32) {
    %c0_i32 = arith.constant 0 : i32
    %c0_i32_0 = arith.constant 0 : i32
    %c0_i32_1 = arith.constant 0 : i32
    return %c0_i32, %c0_i32_0 : i32, i32
  }
  func.func @transform_4(%arg0: i32) -> (i32, i32) {
    %c0_i32 = arith.constant 0 : i32
    %c0_i32_0 = arith.constant 0 : i32
    %c0_i32_1 = arith.constant 0 : i32
    return %c0_i32, %c0_i32_0 : i32, i32
  }
  func.func @transform_5(%arg0: i32) -> (i32, i32) {
    %c0_i32 = arith.constant 0 : i32
    %c0_i32_0 = arith.constant 0 : i32
    return %arg0, %c0_i32 : i32, i32
  }
}

</mosaic_0001>

<sc_bundles>
// kernel: kernel.4.cloned.1.call-start
scs
__scs_entry_jumppad:
0x0: {  	(pc) =	sbr.rel $0x88, $3  }
0x1: {  	(tag) =	ssettag $0x0;
	lr =	simm.s32 $0x1  }
0x2: {  	[smem:$0x3F9A] =	sst lr;
	_ =	strace $0xD0000000  }
0x3: {  	_ = 	snop  }
0x4: {  	_ = 	snop  }
0x5: {  	_ = 	snop  }
0x6: {  	_ = 	snop  }
0x7: {  	_ = 	snop  }
__scs_overlays_trampoline_lowered:
0x8: {  	[smem:$0x3FA9] =	sst s0  }
0x9: {  	[smem:$0x3FAA] =	sst s1  }
0xa: {  	[smem:$0x3FAB] =	sst s2  }
0xb: {  	[smem:$0x3FAC] =	sst s3  }
0xc: {  	[smem:$0x3FAD] =	sst s4  }
0xd: {  	[smem:$0x3FAE] =	sst s5  }
0xe: {  	[smem:$0x3FAF] =	sst s6  }
0xf: {  	[smem:$0x3FB0] =	sst s7  }
0x10: {  	[smem:$0x3FB1] =	sst s8  }
0x11: {  	[smem:$0x3FB2] =	sst s9;
	s0 =	simm.s32 @!p0 $0x0  }
0x12: {  	s1 =	sld [smem:$0x3F98];
	s0 =	simm.s32 @p0 $0x1  }
0x13: {  	[smem:$0x3FB3] =	sst s0;
	s0 =	simm.s32 @!p1 $0x0  }
0x14: {  	s2 =	sld [smem:$0x3F97];
	s0 =	simm.s32 @p1 $0x1  }
0x15: {  	[smem:$0x3FB4] =	sst s0;
	s0 =	simm.s32 @!p2 $0x0  }
0x16: {  	s3 =	sld [smem:$0x3FDB];
	s0 =	simm.s32 @p2 $0x1  }
0x17: {  	s4 =	simm.s32 $0x1BF5;
	[smem:$0x3FB6] =	sst s0  }
0x18: {  	s0 =	sld [smem:$0x3F99];
	_ =	swait.ge [sflag:s4], $0x0  }
0x19: {  	s7 =	sld [smem:$0x3F9A]  }
0x1a: {  	s8 =	sadd.s32 $0xFFFFE003, lr  }
0x1b: {  	s9 =	sadd.s32 $0xFFFFFEF7, lr;
	s5 =	simm.s32 $0xFFFFFFFF;
	p2 =	slt.u32 s8, $0xFFFFF086  }
0x1c: {  	p1 =	slt.u32 s9, $0xF7A;
	s5 =	simm.s32 @!p2 $0x0  }
0x1d: {  	s5 =	simm.s32 @p1 $0x1;
	p0 =	seq.s32 s7, s2  }
0x1e: {  	s7 =	smul.u32 @!p0 $0xF7A, s2;
	p2 =	seq.s32 @!p0 s5, $0x0  }
0x1f: {  	s9 =	smul.u32 $0xF7A, s1;
	s8 =	simm.s32 @!p0 $0x1BF5;
	p2 =	por !p2, p0  }
0x20: {  	[sflag:s8] =	ssyncset.s32 @!p0 $0xFFFFF086;
	s6 =	sadd.s32 @!p0 s3, s7;
	s7 =	simm.s32 @!p0 $0x108  }
0x21: {  	s3 =	sadd.s32 s3, s9;
	s6 =	sadd.s32 @!p0 $0x88, s6;
	s7 =	simm.s32 @p2 $0x1082  }
0x22: {  	[simem:s7], [sflag:s8] =	dma.local @!p0 [hbm:s6], $0xF7A  }
0x23: {  	s9 =	sor.u32 $0xD0000000, s2;
	s6 =	simm.s32 $0x108;
	_ =	swait.ge @!p0 [sflag:s8], $0x0  }
0x24: {  	s3 =	sadd.s32 $0x88, s3;
	s6 =	simm.s32 @!p1 $0x1082;
	[sflag:s4] =	ssyncset.s32 $0xFFFFF086  }
0x25: {  	[simem:s6], [sflag:s4] =	dma.local [hbm:s3], $0xF7A  }
0x26: {  	[smem:$0x3F9A] =	sst s1;
	(tag) =	ssettag s2;
	_ =	strace s9  }
0x27: {  	s1 =	sld [smem:$0x3FAA]  }
0x28: {  	s2 =	sld [smem:$0x3FAB]  }
0x29: {  	s4 =	sld [smem:$0x3FAD]  }
0x2a: {  	p0 =	seq.s32 s5, $0x0;
	s5 =	sld [smem:$0x3FAE]  }
0x2b: {  	s6 =	sld [smem:$0x3FAF]  }
0x2c: {  	s7 =	sld [smem:$0x3FB0]  }
0x2d: {  	s3 =	simm.s32 $0x108;
	s8 =	sld [smem:$0x3FB1]  }
0x2e: {  	s3 =	simm.s32 @!p0 $0x1082;
	s9 =	sld [smem:$0x3FB2]  }
0x2f: {  	lr =	sadd.s32 s0, s3;
	s0 =	sld [smem:$0x3FA9]  }
0x30: {  	s3 =	sld [smem:$0x3FAC]  }
0x31: {  	[smem:$0x3FB5] =	sst s10  }
0x32: {  	s10 =	sld [smem:$0x3FB3];
	_ =	sdelay $0x3  }
0x33: {  	p0 =	seq.s32 s10, $0x1;
	s10 =	sld [smem:$0x3FB5];
	_ =	sdelay $0x3  }
0x34: {  	[smem:$0x3FB5] =	sst s10  }
0x35: {  	s10 =	sld [smem:$0x3FB4];
	_ =	sdelay $0x3  }
0x36: {  	p1 =	seq.s32 s10, $0x1;
	s10 =	sld [smem:$0x3FB5];
	_ =	sdelay $0x3  }
0x37: {  	[smem:$0x3FB5] =	sst s10  }
0x38: {  	s10 =	sld [smem:$0x3FB6]  }
0x39: {  	_ = 	snop;
	(pc) =	sbr.ind lr, $3  }
0x3a: {  	_ = 	snop  }
0x3b: {  	_ = 	snop  }
0x3c: {  	p2 =	seq.s32 s10, $0x1;
	s10 =	sld [smem:$0x3FB5]  }
0x3d: {  	_ =	shalt  }
0x3e: {  	_ =	shalt  }
0x3f: {  	_ =	shalt  }
0x40: {  	_ =	shalt  }
0x41: {  	_ =	shalt  }
0x42: {  	_ =	shalt  }
0x43: {  	_ =	shalt  }
0x44: {  	_ =	shalt  }
0x45: {  	_ =	shalt  }
0x46: {  	_ =	shalt  }
0x47: {  	_ =	shalt  }
0x48: {  	_ =	shalt  }
0x49: {  	_ =	shalt  }
0x4a: {  	_ =	shalt  }
0x4b: {  	_ =	shalt  }
0x4c: {  	_ =	shalt  }
0x4d: {  	_ =	shalt  }
0x4e: {  	_ =	shalt  }
0x4f: {  	_ =	shalt  }
0x50: {  	_ =	shalt  }
0x51: {  	_ =	shalt  }
0x52: {  	_ =	shalt  }
0x53: {  	_ =	shalt  }
0x54: {  	_ =	shalt  }
0x55: {  	_ =	shalt  }
0x56: {  	_ =	shalt  }
0x57: {  	_ =	shalt  }
0x58: {  	_ =	shalt  }
0x59: {  	_ =	shalt  }
0x5a: {  	_ =	shalt  }
0x5b: {  	_ =	shalt  }
0x5c: {  	_ =	shalt  }
0x5d: {  	_ =	shalt  }
0x5e: {  	_ =	shalt  }
0x5f: {  	_ =	shalt  }
0x60: {  	_ =	shalt  }
0x61: {  	_ =	shalt  }
0x62: {  	_ =	shalt  }
0x63: {  	_ =	shalt  }
0x64: {  	_ =	shalt  }
0x65: {  	_ =	shalt  }
0x66: {  	_ =	shalt  }
0x67: {  	_ =	shalt  }
0x68: {  	_ =	shalt  }
0x69: {  	_ =	shalt  }
0x6a: {  	_ =	shalt  }
0x6b: {  	_ =	shalt  }
0x6c: {  	_ =	shalt  }
0x6d: {  	_ =	shalt  }
0x6e: {  	_ =	shalt  }
0x6f: {  	_ =	shalt  }
0x70: {  	_ =	shalt  }
0x71: {  	_ =	shalt  }
0x72: {  	_ =	shalt  }
0x73: {  	_ =	shalt  }
0x74: {  	_ =	shalt  }
0x75: {  	_ =	shalt  }
0x76: {  	_ =	shalt  }
0x77: {  	_ =	shalt  }
0x78: {  	_ =	shalt  }
0x79: {  	_ =	shalt  }
0x7a: {  	_ =	shalt  }
0x7b: {  	_ =	shalt  }
0x7c: {  	_ =	shalt  }
0x7d: {  	_ =	shalt  }
0x7e: {  	_ =	shalt  }
0x7f: {  	_ =	shalt  }
0x80: {  	_ =	shalt  }
0x81: {  	_ =	shalt  }
0x82: {  	_ =	shalt  }
0x83: {  	_ =	shalt  }
0x84: {  	_ =	shalt  }
0x85: {  	_ =	shalt  }
0x86: {  	_ =	shalt  }
0x87: {  	_ =	shalt  }
.Lfunc_end0:
.L_simem_size_0:
called_computation_lowered:
.L_overlay_start_0:
0x88: {  	s2 =	sld [smem:$0x3FD9]  }
0x89: {  	s3 =	sld [smem:$0x3FFE];
	_ =	sdelay $0x1  }
0x8a: {  	s1 =	srdreg.scid  }
0x8b: {  	s0 =	sand.u32 $0x1, s1  }
0x8c: {  	s14 =	sshll.u32 s0, $0xA;
	s2 =	sadd.s32 s3, s2  }
0x8d: {  	s2 =	sadd.s32 s2, s14  }
0x8e: {  	[smem:$0x3FC1] =	sst s2  }
0x8f: {  	_ = 	snop  }
0x90: {  	s2 =	sld [smem:$0x3FD0];
	_ =	sdelay $0x2  }
0x91: {  	s4 =	simm.s32 $0xA;
	s5 =	simm.s32 $0x10;
	s15 =	sld [smem:$0x3FC3]  }
0x92: {  	[smem:s5], [sflag:s4] =	dma.local [hbm:s2], $0x1  }
0x93: {  	_ =	swait.eq [sflag:s4], $0x1  }
0x94: {  	[sflag:s4] =	ssyncset.done $0x0  }
0x95: {  	[sflag:s4] =	ssyncadd.s32 $0xFFFFFFFF  }
0x96: {  	s16 =	sld [smem:$0x11];
	(tm) =	ssettm $0x1  }
0x97: {  	s17 =	sld [smem:$0x3FFB];
	_ =	sdelay $0x3  }
0x98: {  	_ =	strace s17  }
0x99: {  	s4 =	sld [smem:$0x3FFC];
	_ =	sdelay $0x3  }
0x9a: {  	_ =	strace s4  }
0x9b: {  	s4 =	sld [smem:$0x3FFD];
	_ =	sdelay $0x3  }
0x9c: {  	_ =	strace s4  }
0x9d: {  	_ =	strace $0x8FFFFFFF  }
0x9e: {  	s18 =	sld [smem:$0x3FDB];
	_ =	sdelay $0x1  }
0x9f: {  	s19 =	simm.s32 $_scs_section_size  }
0xa0: {  	s6 =	simm.s32 $_size__tile_overlayer_lowered;
	s7 =	simm.s32 $_tile_overlayer_lowered  }
0xa1: {  	s22 =	simm.s32 $0x1BFF;
	s21 =	sshll.u32 s7, $0x1;
	s4 =	sadd.s32 s19, s18  }
0xa2: {  	s8 =	simm.s32 $0x0;
	s20 =	sshll.u32 s6, $0x1;
	s6 =	sadd.s32 s21, s4  }
0xa3: {  	[timem:s8], [sflag:s22] =	dma.local [hbm:s6], s20  }
0xa4: {  	_ =	swait.ge [sflag:s22], s20  }
0xa5: {  	s5 =	ssub.s32 $0x0, s20;
	[sflag:s22] =	ssyncset.done $0x0  }
0xa6: {  	[sflag:s22] =	ssyncadd.s32 s5;
	_ =	sdelay $0x1  }
0xa7: {  	s23 =	simm.s32 $0x1B8B  }
0xa8: {  	_ =	swait.ge [sflag:s23], $0x1  }
0xa9: {  	[sflag:s23] =	ssyncset.done $0x0  }
0xaa: {  	s25 =	simm.s32 $0x1B8E;
	s24 =	sld [smem:$0x3FFE];
	[sflag:s23] =	ssyncadd.s32 $0xFFFFFFFF  }
0xab: {  	s26 =	simm.s32 $execute0_lowered;
	[smem:$0x3FD2] =	sst s25  }
0xac: {  	s6 =	sshll.u32 s26, $0x1;
	_ =	strace $0x80000046;
	[dreg:$0x1] =	wrdreg $0xFFFFFFFF  }
0xad: {  	s28 =	simm.s32 $_size_execute0_lowered;
	s4 =	sadd.s32 s4, s6;
	[dreg:$0x0] =	wrdreg $0x0  }
0xae: {  	s6 =	sshll.u32 s28, $0x1;
	[dreg:$0x2] =	wrdreg s4  }
0xaf: {  	[dreg:$0x3] =	wrdreg s6  }
0xb0: {  	[dreg:$0x4] =	wrdreg $0xC0  }
0xb1: {  	_ =	task [dreg:s8], $0x5FFFF  }
0xb2: {  	[dreg:$0x1] =	wrdreg $0xFFFFFFFF  }
0xb3: {  	[dreg:$0x0] =	wrdreg $0x60  }
0xb4: {  	[dreg:$0x2] =	wrdreg s15  }
0xb5: {  	[dreg:$0x3] =	wrdreg s24  }
0xb6: {  	[dreg:$0x4] =	wrdreg s16  }
0xb7: {  	[dreg:$0x5] =	wrdreg $0x9  }
0xb8: {  	_ =	task.clear_ibuf [dreg:s8], $0x6FFFF;
	_ =	strace $0x90000046  }
0xb9: {  	s29 =	simm.s32 $0x9;
	_ =	strace $0x80000048  }
0xba: {  	_ =	swait.ge [sflag:s29], $0x1  }
0xbb: {  	[sflag:s29] =	ssyncadd.s32 $0xFFFFFFFF  }
0xbc: {  	_ =	strace $0x90000048  }
0xbd: {  	_ =	sfence  }
0xbe: {  	s30 =	sld [smem:$0x0];
	_ =	sdelay $0x2  }
0xbf: {  	s31 =	sshll.u32 s1, $0xD;
	s1 =	sshrl.u32 s1, $0x2  }
0xc0: {  	s3 =	sand.u32 $0x4000, s31;
	s1 =	sadd.s32 s1, s30  }
0xc1: {  	s0 =	sor.u32 s3, s0;
	s1 =	sshll.u32 s1, $0x11  }
0xc2: {  	s0 =	sor.u32 s1, s0  }
0xc3: {  	s0 =	sadd.s32 $0x8F2B, s0  }
0xc4: {  	[sflag:s0] =	ssyncadd.remote.s32 $0x1  }
0xc5: {  	_ =	sfence.sel $0xFFFF  }
0xc6: {  	[dreg:$0x0] =	wrdreg $0xFFFFFFFF;
	(pc) =	sbr.abs _section_cstart, $3  }
0xc7: {  	[dreg:$0x1] =	wrdreg $0xFFFFFFFF  }
0xc8: {  	_ =	task.clear_ibuf [dreg:s8], $0x2FFFF;
	_ =	strace $0x9FFFFFFF  }
0xc9: {  	(tm) =	ssettm $0x7FFFFFFF  }
tec
execute0_lowered:
.L_overlay_start_1:
0x0: {  	(tag) =	ssettag $0x1  }
0x1: {  	s1 =	rddreg [dreg:$0x0]  }
0x2: {  	s0 =	srdreg.scid;
	s2 =	rddreg [dreg:$0x1]  }
0x3: {  	s12 =	stileid.u32;
	s3 =	rddreg [dreg:$0x2];
	s14 =	simm.s32 $0x80  }
0x4: {  	s15 =	simm.s32 $0x3400;
	s28 =	simm.s32 $0x3;
	s8 =	smul.u32 $0xD0, s12  }
0x5: {  	s29 =	simm.s32 $0x4;
	s0 =	sand.u32 $0x1, s0;
	s19 =	smul.u32 $0x68000, s12  }
0x6: {  	s30 =	simm.s32 $0x7;
	s4 =	sshll.u32 s12, $0x1;
	s11 =	smul.u32 $0x68, s0  }
0x7: {  	s5 =	sor.u32 s0, s4;
	s7 =	ssub.s32 $0x2, s0;
	s0 =	smul.u32 $0x34000, s0  }
0x8: {  	s31 =	simm.s32 $0x5;
	s4 =	simm.s32 $0x0;
	s6 =	smul.u32 $0x680, s5  }
0x9: {  	[smem:$0x7FF] =	sst s4;
	s5 =	smul.u32 $0x68, s5;
	s9 =	sshrl.u32 s7, $0x1  }
0xa: {  	s22 =	sadd.s32 s19, s3;
	_ =	strace $0x80000047;
	s16 =	ssub.s32 s7, s9  }
0xb: {  	s18 =	sadd.s32 s11, s8;
	s0 =	sadd.s32 s0, s22;
	s22 =	simm.s32 $0x13400  }
0xc: {  	s10 =	sshrl.u32 s5, $0x7;
	s2 =	sadd.s32 s6, s2;
	s6 =	smax.u32 s16, $0x1  }
0xd: {  	s20 =	sshll.u32 s18, $0xB;
	s7 =	sor.u32 $0x5, s5;
	[dreg:$0x8] =	wrdreg s0  }
0xe: {  	s25 =	sadd.s32 $0x8, s18;
	s16 =	simm.s32 $0x7400;
	s18 =	simm.s32 $0xB400  }
0xf: {  	s0 =	simm.s32 $0x6;
	s17 =	smul.u32 $0x3E8, s10;
	[dreg:$0x5] =	wrdreg s6  }
0x10: {  	s2 =	sadd.s32 $0xE00, s2;
	s21 =	sadd.s32 s20, s3;
	[dreg:$0x9] =	wrdreg s25  }
.Ltmp0:
0x11: {  	s20 =	simm.s32 $0xF400;
	s25 =	simm.s32 $0x1;
	(pc) =	sbr.rel .LBB2_1-.Ltmp0, $4  }
0x12: {  	s6 =	simm.s32 $0x0;
	[dreg:$0x4] =	wrdreg s2;
	s23 =	sadd.s32 $0x1000, s21  }
0x13: {  	s24 =	sadd.s32 $0x1800, s21;
	s26 =	sadd.s32 $0x2000, s21;
	[dreg:$0x6] =	wrdreg s23  }
0x14: {  	s2 =	simm.s32 $0x8;
	s21 =	simm.s32 $0xB;
	[dreg:$0x7] =	wrdreg s24  }
0x15: {  	[dreg:$0xa] =	wrdreg s26;
	s24 =	simm.s32 $0x17400;
	s26 =	simm.s32 $0x2;
	v0 =	vmov s17  }
.LBB2_6:
0x16: {  	s5 =	simm.s32 $0x9  }
0x17: {  	_ =	swait.ge [sflag:s5], $0x4000  }
0x18: {  	[sflag:s5] =	ssyncset.done $0x0  }
0x19: {  	s17 =	simm.s32 $0xA;
	[sflag:s5] =	ssyncadd.s32 $0xFFFFC000  }
0x1a: {  	_ =	swait.ge [sflag:s17], $0x4000  }
0x1b: {  	[sflag:s17] =	ssyncset.done $0x0  }
0x1c: {  	[sflag:s17] =	ssyncadd.s32 $0xFFFFC000  }
0x1d: {  	_ =	swait.ge [sflag:s21], $0x4000  }
0x1e: {  	[sflag:s21] =	ssyncset.done $0x0  }
0x1f: {  	s19 =	simm.s32 $0xC;
	[sflag:s21] =	ssyncadd.s32 $0xFFFFC000  }
0x20: {  	_ =	swait.ge [sflag:s19], $0x4000  }
0x21: {  	[sflag:s19] =	ssyncset.done $0x0  }
0x22: {  	[sflag:s19] =	ssyncadd.s32 $0xFFFFC000  }
0x23: {  	_ =	swait.ge [sflag:s30], $0x4000  }
0x24: {  	[sflag:s30] =	ssyncset.done $0x0  }
0x25: {  	[sflag:s30] =	ssyncadd.s32 $0xFFFFC000  }
0x26: {  	_ =	swait.ge [sflag:s2], $0x4000  }
0x27: {  	s6 =	rddreg [dreg:$0xb]  }
0x28: {  	s23 =	rddreg [dreg:$0x5];
	s6 =	sadd.s32 $0x1, s6  }
0x29: {  	p0 =	sne.s32 s6, s23  }
.Ltmp1:
0x2a: {  	_ = 	snop;
	(pc) =	sbr.rel @!p0 .LBB2_7-.Ltmp1, $3  }
0x2b: {  	_ =	sdelay $0x1  }
0x2c: {  	[sflag:s2] =	ssyncset.done $0x0  }
0x2d: {  	[sflag:s2] =	ssyncadd.s32 $0xFFFFC000  }
.LBB2_1:
0x2e: {  	[dreg:$0xb] =	wrdreg s6  }
0x2f: {  	s5 =	rddreg [dreg:$0x4];
	s12 =	simm.s32 $0xD  }
0x30: {  	[tilespmem:s4], [sflag:$0xD] =	stream.linear.gather [hbm4b:s5+s4], $0x3400, $0x38;
	[tilespmem:$0x1B400] =	vst v63  }
0x31: {  	_ =	swait.ge [sflag:s12], $0x3400  }
0x32: {  	[sflag:s12] =	ssyncset.done $0x0  }
0x33: {  	[sflag:s12] =	ssyncadd.s32 $0xFFFFCC00  }
0x34: {  	v1 =	vld [tilespmem:$0x0]  }
0x35: {  	v2 =	vld [tilespmem:$0x10]  }
0x36: {  	v3 =	vld [tilespmem:$0x20]  }
0x37: {  	v4 =	vld [tilespmem:$0x30]  }
0x38: {  	v5 =	vld [tilespmem:$0x40]  }
0x39: {  	v6 =	vld [tilespmem:$0x50];
	v1 =	vadd.s32 v0, v1  }
0x3a: {  	[tilespmem:$0x0] =	vst v1;
	v1 =	vadd.s32 v0, v2;
	v2 =	vld [tilespmem:$0x60]  }
0x3b: {  	[tilespmem:$0x10] =	vst v1;
	v1 =	vadd.s32 v0, v3;
	v3 =	vld [tilespmem:$0x70]  }
0x3c: {  	[tilespmem:$0x20] =	vst v1;
	v1 =	vadd.s32 v0, v4  }
0x3d: {  	[tilespmem:$0x30] =	vst v1;
	v1 =	vadd.s32 v0, v5  }
0x3e: {  	[tilespmem:$0x40] =	vst v1;
	v1 =	vadd.s32 v0, v6  }
0x3f: {  	[tilespmem:$0x50] =	vst v1;
	v1 =	vadd.s32 v0, v2  }
0x40: {  	[tilespmem:$0x60] =	vst v1;
	v1 =	vadd.s32 v0, v3  }
0x41: {  	[tilespmem:$0x70] =	vst v1  }
0x42: {  	[tilespmem:s15], [sflag:$0x1] =	stream.indirect.gather [hbm4b:s1+s14], $0x80, s4, s14, $0xb8;
	[tilespmem:$0x1B400] =	vst v63  }
0x43: {  	v1 =	vld [tilespmem:$0x80]  }
0x44: {  	v2 =	vld [tilespmem:$0x90]  }
0x45: {  	v3 =	vld [tilespmem:$0xA0]  }
0x46: {  	v49 =	vld [tilespmem:$0xB0]  }
0x47: {  	v50 =	vld [tilespmem:$0xC0]  }
0x48: {  	v51 =	vld [tilespmem:$0xD0];
	v1 =	vadd.s32 v0, v1  }
0x49: {  	[tilespmem:$0x80] =	vst v1;
	v1 =	vadd.s32 v0, v2;
	v2 =	vld [tilespmem:$0xE0]  }
0x4a: {  	[tilespmem:$0x90] =	vst v1;
	v1 =	vadd.s32 v0, v3;
	v3 =	vld [tilespmem:$0xF0]  }
0x4b: {  	[tilespmem:$0xA0] =	vst v1;
	v1 =	vadd.s32 v0, v49  }
0x4c: {  	[tilespmem:$0xB0] =	vst v1;
	v1 =	vadd.s32 v0, v50  }
0x4d: {  	[tilespmem:$0xC0] =	vst v1;
	v1 =	vadd.s32 v0, v51  }
0x4e: {  	[tilespmem:$0xD0] =	vst v1;
	v1 =	vadd.s32 v0, v2  }
0x4f: {  	[tilespmem:$0xE0] =	vst v1;
	v1 =	vadd.s32 v0, v3  }
0x50: {  	[tilespmem:$0xF0] =	vst v1  }
0x51: {  	[tilespmem:s16], [sflag:$0x2] =	stream.indirect.gather [hbm4b:s1+s14], $0x80, s14, s14, $0xb8;
	[tilespmem:$0x1B400] =	vst v63  }
0x52: {  	v1 =	vld [tilespmem:$0x100]  }
0x53: {  	v2 =	vld [tilespmem:$0x110]  }
0x54: {  	v3 =	vld [tilespmem:$0x120]  }
0x55: {  	v52 =	vld [tilespmem:$0x130]  }
0x56: {  	v53 =	vld [tilespmem:$0x140]  }
0x57: {  	v54 =	vld [tilespmem:$0x150];
	v1 =	vadd.s32 v0, v1  }
0x58: {  	[tilespmem:$0x100] =	vst v1;
	v1 =	vadd.s32 v0, v2;
	v2 =	vld [tilespmem:$0x160]  }
0x59: {  	[tilespmem:$0x110] =	vst v1;
	v1 =	vadd.s32 v0, v3;
	v3 =	vld [tilespmem:$0x170]  }
0x5a: {  	[tilespmem:$0x120] =	vst v1;
	v1 =	vadd.s32 v0, v52  }
0x5b: {  	[tilespmem:$0x130] =	vst v1;
	v1 =	vadd.s32 v0, v53  }
0x5c: {  	[tilespmem:$0x140] =	vst v1;
	v1 =	vadd.s32 v0, v54  }
0x5d: {  	[tilespmem:$0x150] =	vst v1;
	v1 =	vadd.s32 v0, v2  }
0x5e: {  	[tilespmem:$0x160] =	vst v1;
	v1 =	vadd.s32 v0, v3  }
0x5f: {  	s13 =	simm.s32 $0x100;
	[tilespmem:$0x170] =	vst v1  }
0x60: {  	[tilespmem:s18], [sflag:$0x3] =	stream.indirect.gather [hbm4b:s1+s14], $0x80, s13, s14, $0xb8;
	[tilespmem:$0x1B400] =	vst v63  }
0x61: {  	v1 =	vld [tilespmem:$0x180]  }
0x62: {  	v2 =	vld [tilespmem:$0x190]  }
0x63: {  	v3 =	vld [tilespmem:$0x1A0]  }
0x64: {  	v55 =	vld [tilespmem:$0x1B0]  }
0x65: {  	v56 =	vld [tilespmem:$0x1C0]  }
0x66: {  	v57 =	vld [tilespmem:$0x1D0];
	v1 =	vadd.s32 v0, v1  }
0x67: {  	[tilespmem:$0x180] =	vst v1;
	v1 =	vadd.s32 v0, v2;
	v2 =	vld [tilespmem:$0x1E0]  }
0x68: {  	[tilespmem:$0x190] =	vst v1;
	v1 =	vadd.s32 v0, v3;
	v3 =	vld [tilespmem:$0x1F0]  }
0x69: {  	[tilespmem:$0x1A0] =	vst v1;
	v1 =	vadd.s32 v0, v55  }
0x6a: {  	[tilespmem:$0x1B0] =	vst v1;
	v1 =	vadd.s32 v0, v56  }
0x6b: {  	[tilespmem:$0x1C0] =	vst v1;
	v1 =	vadd.s32 v0, v57  }
0x6c: {  	[tilespmem:$0x1D0] =	vst v1;
	v1 =	vadd.s32 v0, v2  }
0x6d: {  	[tilespmem:$0x1E0] =	vst v1;
	v1 =	vadd.s32 v0, v3  }
0x6e: {  	s17 =	simm.s32 $0x180;
	[tilespmem:$0x1F0] =	vst v1  }
0x6f: {  	[tilespmem:s20], [sflag:$0x4] =	stream.indirect.gather [hbm4b:s1+s14], $0x80, s17, s14, $0xb8;
	[tilespmem:$0x1B400] =	vst v63  }
0x70: {  	v1 =	vld [tilespmem:$0x200]  }
0x71: {  	v2 =	vld [tilespmem:$0x210]  }
0x72: {  	v3 =	vld [tilespmem:$0x220]  }
0x73: {  	v58 =	vld [tilespmem:$0x230]  }
0x74: {  	v59 =	vld [tilespmem:$0x240]  }
0x75: {  	v60 =	vld [tilespmem:$0x250];
	v1 =	vadd.s32 v0, v1  }
0x76: {  	[tilespmem:$0x200] =	vst v1;
	v1 =	vadd.s32 v0, v2;
	v2 =	vld [tilespmem:$0x260]  }
0x77: {  	[tilespmem:$0x210] =	vst v1;
	v1 =	vadd.s32 v0, v3;
	v3 =	vld [tilespmem:$0x270]  }
0x78: {  	[tilespmem:$0x220] =	vst v1;
	v1 =	vadd.s32 v0, v58  }
0x79: {  	[tilespmem:$0x230] =	vst v1;
	v1 =	vadd.s32 v0, v59  }
0x7a: {  	[tilespmem:$0x240] =	vst v1;
	v1 =	vadd.s32 v0, v60  }
0x7b: {  	[tilespmem:$0x250] =	vst v1;
	v1 =	vadd.s32 v0, v2  }
0x7c: {  	[tilespmem:$0x260] =	vst v1;
	v1 =	vadd.s32 v0, v3  }
0x7d: {  	s19 =	simm.s32 $0x200;
	[tilespmem:$0x270] =	vst v1  }
0x7e: {  	[tilespmem:s22], [sflag:$0x5] =	stream.indirect.gather [hbm4b:s1+s14], $0x80, s19, s14, $0xb8;
	[tilespmem:$0x1B400] =	vst v63  }
0x7f: {  	v1 =	vld [tilespmem:$0x280]  }
0x80: {  	v2 =	vld [tilespmem:$0x290]  }
0x81: {  	v3 =	vld [tilespmem:$0x2A0]  }
0x82: {  	v61 =	vld [tilespmem:$0x2B0]  }
0x83: {  	v62 =	vld [tilespmem:$0x2C0]  }
0x84: {  	v63 =	vld [tilespmem:$0x2D0];
	v1 =	vadd.s32 v0, v1  }
0x85: {  	[tilespmem:$0x280] =	vst v1;
	v1 =	vadd.s32 v0, v2;
	v2 =	vld [tilespmem:$0x2E0]  }
0x86: {  	[tilespmem:$0x290] =	vst v1;
	v1 =	vadd.s32 v0, v3;
	v3 =	vld [tilespmem:$0x2F0]  }
0x87: {  	[tilespmem:$0x2A0] =	vst v1;
	v1 =	vadd.s32 v0, v61  }
0x88: {  	s11 =	rddreg [dreg:$0x9];
	[tilespmem:$0x2B0] =	vst v1;
	v1 =	vadd.s32 v0, v62  }
.Ltmp2:
0x89: {  	s10 =	rddreg [dreg:$0x8];
	[tilespmem:$0x2C0] =	vst v1;
	v1 =	vadd.s32 v0, v63;
	(pc) =	sbr.rel .LBB2_2-.Ltmp2, $4  }
0x8a: {  	s9 =	rddreg [dreg:$0x7];
	[tilespmem:$0x2D0] =	vst v1;
	v1 =	vadd.s32 v0, v2  }
0x8b: {  	s23 =	simm.s32 $0x280;
	s8 =	rddreg [dreg:$0x6];
	[tilespmem:$0x2E0] =	vst v1;
	v1 =	vadd.s32 v0, v3  }
0x8c: {  	s6 =	simm.s32 $0x0;
	s12 =	rddreg [dreg:$0xa];
	s13 =	simm.s32 $0x0;
	[tilespmem:$0x2F0] =	vst v1  }
0x8d: {  	[tilespmem:s24], [sflag:$0x6] =	stream.indirect.gather [hbm4b:s1+s14], $0x80, s23, s14, $0xb8;
	[tilespmem:$0x1B400] =	vst v63  }
.LBB2_5:
0x8e: {  	_ =	swait.ge [sflag:s28], $0x4000  }
0x8f: {  	p0 =	seq.s32 s6, $0x0;
	[sflag:s28] =	ssyncset.done $0x0  }
0x90: {  	s19 =	sshra.s32 @!p0 s6, $0x2;
	[sflag:s28] =	ssyncadd.s32 $0xFFFFC000  }
0x91: {  	[hbm4b:s8+s4] =	stream.linear.scatter [tilespmem:s18], [sflag:$0x9], $0x4000, $0x38;
	[tilespmem:$0x1B400] =	vst v63  }
0x92: {  	v1 =	vld @!p0 [tilespmem:s19+$0x280]  }
0x93: {  	s17 =	sadd.s32 @!p0 $0xFFFFFFFD, s11;
	v2 =	vld @!p0 [tilespmem:s19+$0x290]  }
0x94: {  	s23 =	sshrl.u32 @!p0 s17, $0x7;
	v3 =	vld @!p0 [tilespmem:s19+$0x2A0]  }
0x95: {  	s23 =	smul.u32 @!p0 $0x3E8, s23;
	v4 =	vld @!p0 [tilespmem:s19+$0x2B0]  }
0x96: {  	v5 =	vld @!p0 [tilespmem:s19+$0x2C0]  }
0x97: {  	v6 =	vld @!p0 [tilespmem:s19+$0x2D0];
	v1 =	vadd.s32 @!p0 s23, v1  }
0x98: {  	[tilespmem:s19+$0x280] =	vst @!p0 v1;
	v1 =	vadd.s32 @!p0 s23, v2;
	v2 =	vld @!p0 [tilespmem:s19+$0x2E0]  }
0x99: {  	[tilespmem:s19+$0x290] =	vst @!p0 v1;
	v1 =	vadd.s32 @!p0 s23, v3;
	v3 =	vld @!p0 [tilespmem:s19+$0x2F0]  }
0x9a: {  	[tilespmem:s19+$0x2A0] =	vst @!p0 v1;
	v1 =	vadd.s32 @!p0 s23, v4  }
0x9b: {  	[tilespmem:s19+$0x2B0] =	vst @!p0 v1;
	v1 =	vadd.s32 @!p0 s23, v5  }
0x9c: {  	[tilespmem:s19+$0x2C0] =	vst @!p0 v1;
	v1 =	vadd.s32 @!p0 s23, v6  }
0x9d: {  	[tilespmem:s19+$0x2D0] =	vst @!p0 v1;
	v1 =	vadd.s32 @!p0 s23, v2  }
0x9e: {  	[tilespmem:s19+$0x2E0] =	vst @!p0 v1;
	v1 =	vadd.s32 @!p0 s23, v3  }
0x9f: {  	s23 =	simm.s32 @!p0 $0xC;
	[tilespmem:s19+$0x2F0] =	vst @!p0 v1  }
0xa0: {  	_ =	swait.ge @!p0 [sflag:s23], $0x4000  }
0xa1: {  	s5 =	simm.s32 @!p0 $0x17400;
	[sflag:s23] =	ssyncset.done @!p0 $0x0  }
0xa2: {  	s19 =	sadd.s32 @!p0 $0x280, s19;
	[sflag:s23] =	ssyncadd.s32 @!p0 $0xFFFFC000;
	s23 =	simm.s32 @!p0 $0x80  }
0xa3: {  	[tilespmem:s5], [sflag:$0x6] =	stream.indirect.gather @!p0 [hbm4b:s1+s23], $0x80, s19, s23, $0xb8;
	[tilespmem:$0x1B400] =	vst v63  }
0xa4: {  	_ =	swait.ge [sflag:s29], $0x4000  }
0xa5: {  	[sflag:s29] =	ssyncset.done $0x0  }
0xa6: {  	s19 =	sshra.s32 s6, $0x2;
	[sflag:s29] =	ssyncadd.s32 $0xFFFFC000  }
0xa7: {  	[hbm4b:s9+s4] =	stream.linear.scatter [tilespmem:s20], [sflag:$0xA], $0x4000, $0x38;
	[tilespmem:$0x1B400] =	vst v63  }
0xa8: {  	v1 =	vld [tilespmem:s19+$0x300]  }
0xa9: {  	s23 =	sadd.s32 $0xFFFFFFFE, s11;
	v2 =	vld [tilespmem:s19+$0x310]  }
0xaa: {  	s5 =	sshrl.u32 s23, $0x7;
	v3 =	vld [tilespmem:s19+$0x320]  }
0xab: {  	s5 =	smul.u32 $0x3E8, s5;
	v58 =	vld [tilespmem:s19+$0x330]  }
0xac: {  	v59 =	vld [tilespmem:s19+$0x340]  }
0xad: {  	v60 =	vld [tilespmem:s19+$0x350];
	v1 =	vadd.s32 s5, v1  }
0xae: {  	[tilespmem:s19+$0x300] =	vst v1;
	v1 =	vadd.s32 s5, v2;
	v2 =	vld [tilespmem:s19+$0x360]  }
0xaf: {  	[tilespmem:s19+$0x310] =	vst v1;
	v1 =	vadd.s32 s5, v3;
	v3 =	vld [tilespmem:s19+$0x370]  }
0xb0: {  	[tilespmem:s19+$0x320] =	vst v1;
	v1 =	vadd.s32 s5, v58  }
0xb1: {  	[tilespmem:s19+$0x330] =	vst v1;
	v1 =	vadd.s32 s5, v59  }
0xb2: {  	[tilespmem:s19+$0x340] =	vst v1;
	v1 =	vadd.s32 s5, v60  }
0xb3: {  	[tilespmem:s19+$0x350] =	vst v1;
	v1 =	vadd.s32 s5, v2  }
0xb4: {  	[tilespmem:s19+$0x360] =	vst v1;
	v1 =	vadd.s32 s5, v3  }
0xb5: {  	[tilespmem:s19+$0x370] =	vst v1  }
0xb6: {  	_ =	swait.ge [sflag:s30], $0x4000  }
0xb7: {  	[sflag:s30] =	ssyncset.done $0x0  }
0xb8: {  	s23 =	sadd.s32 $0x300, s19;
	[sflag:s30] =	ssyncadd.s32 $0xFFFFC000  }
0xb9: {  	[tilespmem:s15], [sflag:$0x1] =	stream.indirect.gather [hbm4b:s1+s14], $0x80, s23, s14, $0xb8;
	[tilespmem:$0x1B400] =	vst v63  }
0xba: {  	_ =	swait.ge [sflag:s31], $0x4000  }
0xbb: {  	[sflag:s31] =	ssyncset.done $0x0  }
0xbc: {  	[sflag:s31] =	ssyncadd.s32 $0xFFFFC000  }
0xbd: {  	[hbm4b:s12+s4] =	stream.linear.scatter [tilespmem:s22], [sflag:$0xB], $0x4000, $0x38;
	[tilespmem:$0x1B400] =	vst v63  }
0xbe: {  	v1 =	vld [tilespmem:s19+$0x380]  }
0xbf: {  	s23 =	sadd.s32 $0xFFFFFFFF, s11;
	v2 =	vld [tilespmem:s19+$0x390]  }
0xc0: {  	s5 =	sshrl.u32 s23, $0x7;
	v3 =	vld [tilespmem:s19+$0x3A0]  }
0xc1: {  	s5 =	smul.u32 $0x3E8, s5;
	v61 =	vld [tilespmem:s19+$0x3B0]  }
0xc2: {  	v62 =	vld [tilespmem:s19+$0x3C0]  }
0xc3: {  	v63 =	vld [tilespmem:s19+$0x3D0];
	v1 =	vadd.s32 s5, v1  }
0xc4: {  	[tilespmem:s19+$0x380] =	vst v1;
	v1 =	vadd.s32 s5, v2;
	v2 =	vld [tilespmem:s19+$0x3E0]  }
0xc5: {  	[tilespmem:s19+$0x390] =	vst v1;
	v1 =	vadd.s32 s5, v3;
	v3 =	vld [tilespmem:s19+$0x3F0]  }
0xc6: {  	[tilespmem:s19+$0x3A0] =	vst v1;
	v1 =	vadd.s32 s5, v61  }
0xc7: {  	[tilespmem:s19+$0x3B0] =	vst v1;
	v1 =	vadd.s32 s5, v62  }
0xc8: {  	[tilespmem:s19+$0x3C0] =	vst v1;
	v1 =	vadd.s32 s5, v63  }
0xc9: {  	[tilespmem:s19+$0x3D0] =	vst v1;
	v1 =	vadd.s32 s5, v2  }
0xca: {  	[tilespmem:s19+$0x3E0] =	vst v1;
	v1 =	vadd.s32 s5, v3  }
0xcb: {  	[tilespmem:s19+$0x3F0] =	vst v1  }
0xcc: {  	_ =	swait.ge [sflag:s2], $0x4000  }
0xcd: {  	[sflag:s2] =	ssyncset.done $0x0  }
0xce: {  	s17 =	smov.u32 @p0 s7;
	s19 =	sadd.s32 $0x380, s19;
	[sflag:s2] =	ssyncadd.s32 $0xFFFFC000  }
0xcf: {  	[tilespmem:s16], [sflag:$0x2] =	stream.indirect.gather [hbm4b:s1+s14], $0x80, s19, s14, $0xb8;
	[tilespmem:$0x1B400] =	vst v63  }
0xd0: {  	s23 =	sshll.u32 s17, $0xB;
	_ =	swait.ge [sflag:s0], $0x4000  }
0xd1: {  	s5 =	sand.u32 $0x1FFFF800, s23;
	[sflag:s0] =	ssyncset.done $0x0  }
0xd2: {  	p0 =	sgt.u32 s13, $0xF;
	s5 =	sadd.s32 s3, s5;
	[sflag:s0] =	ssyncadd.s32 $0xFFFFC000  }
0xd3: {  	[hbm4b:s5+s4] =	stream.linear.scatter [tilespmem:s24], [sflag:$0xC], $0x4000, $0x38;
	[tilespmem:$0x1B400] =	vst v63  }
0xd4: {  	s5 =	sshra.s32 @!p0 s6, $0x2  }
0xd5: {  	v1 =	vld @!p0 [tilespmem:s5+$0x400]  }
0xd6: {  	v2 =	vld @!p0 [tilespmem:s5+$0x410]  }
0xd7: {  	s17 =	sshrl.u32 @!p0 s11, $0x7;
	v3 =	vld @!p0 [tilespmem:s5+$0x420]  }
0xd8: {  	s17 =	smul.u32 @!p0 $0x3E8, s17;
	v4 =	vld @!p0 [tilespmem:s5+$0x430]  }
0xd9: {  	v5 =	vld @!p0 [tilespmem:s5+$0x440]  }
0xda: {  	v6 =	vld @!p0 [tilespmem:s5+$0x450];
	v1 =	vadd.s32 @!p0 s17, v1  }
0xdb: {  	[tilespmem:s5+$0x400] =	vst @!p0 v1;
	v1 =	vadd.s32 @!p0 s17, v2;
	v2 =	vld @!p0 [tilespmem:s5+$0x460]  }
0xdc: {  	[tilespmem:s5+$0x410] =	vst @!p0 v1;
	v1 =	vadd.s32 @!p0 s17, v3;
	v3 =	vld @!p0 [tilespmem:s5+$0x470]  }
0xdd: {  	[tilespmem:s5+$0x420] =	vst @!p0 v1;
	v1 =	vadd.s32 @!p0 s17, v4  }
0xde: {  	[tilespmem:s5+$0x430] =	vst @!p0 v1;
	v1 =	vadd.s32 @!p0 s17, v5  }
0xdf: {  	[tilespmem:s5+$0x440] =	vst @!p0 v1;
	v1 =	vadd.s32 @!p0 s17, v6  }
0xe0: {  	[tilespmem:s5+$0x450] =	vst @!p0 v1;
	v1 =	vadd.s32 @!p0 s17, v2  }
0xe1: {  	[tilespmem:s5+$0x460] =	vst @!p0 v1;
	v1 =	vadd.s32 @!p0 s17, v3  }
0xe2: {  	s17 =	simm.s32 @!p0 $0x9;
	[tilespmem:s5+$0x470] =	vst @!p0 v1  }
0xe3: {  	_ =	swait.ge @!p0 [sflag:s17], $0x4000  }
0xe4: {  	s19 =	simm.s32 @!p0 $0xB400;
	s6 =	sadd.s32 $0xC00, s6;
	[sflag:s17] =	ssyncset.done @!p0 $0x0  }
0xe5: {  	s5 =	sadd.s32 @!p0 $0x400, s5;
	[sflag:s17] =	ssyncadd.s32 @!p0 $0xFFFFC000;
	s17 =	simm.s32 @!p0 $0x80  }
0xe6: {  	[tilespmem:s19], [sflag:$0x3] =	stream.indirect.gather @!p0 [hbm4b:s1+s17], $0x80, s5, s17, $0xb8;
	[tilespmem:$0x1B400] =	vst v63  }
0xe7: {  	p0 =	sne.s32 s6, $0xD800  }
.Ltmp3:
0xe8: {  	_ = 	snop;
	(pc) =	sbr.rel @!p0 .LBB2_6-.Ltmp3, $3  }
0xe9: {  	_ =	sdelay $0x1  }
0xea: {  	s10 =	sadd.s32 $0x3000, s10;
	s8 =	sadd.s32 $0x3000, s8;
	s13 =	sadd.s32 $0x1, s13  }
0xeb: {  	s9 =	sadd.s32 $0x3000, s9;
	s11 =	sadd.s32 $0x6, s11;
	s12 =	sadd.s32 $0x3000, s12  }
.LBB2_2:
0xec: {  	_ =	swait.ge [sflag:s25], $0x4000;
	p0 =	seq.s32 s13, $0x0  }
0xed: {  	[sflag:s25] =	ssyncset.done $0x0;
	p1 =	seq.s32 @!p0 s13, $0x11  }
0xee: {  	[sflag:s25] =	ssyncadd.s32 $0xFFFFC000;
	p1 =	por p1, p0  }
0xef: {  	[hbm4b:s10+s4] =	stream.linear.scatter [tilespmem:s15], [sflag:$0x7], $0x4000, $0x38;
	[tilespmem:$0x1B400] =	vst v63  }
0xf0: {  	s17 =	sshra.s32 @!p1 s6, $0x2  }
0xf1: {  	v1 =	vld @!p1 [tilespmem:s17+$0x180]  }
0xf2: {  	s19 =	sadd.s32 @!p1 $0xFFFFFFFB, s11;
	v2 =	vld @!p1 [tilespmem:s17+$0x190]  }
0xf3: {  	s19 =	sshrl.u32 @!p1 s19, $0x7;
	v3 =	vld @!p1 [tilespmem:s17+$0x1A0]  }
0xf4: {  	v4 =	vld @!p1 [tilespmem:s17+$0x1B0];
	s19 =	smul.u32 @!p1 $0x3E8, s19  }
0xf5: {  	v5 =	vld @!p1 [tilespmem:s17+$0x1C0]  }
0xf6: {  	v6 =	vld @!p1 [tilespmem:s17+$0x1D0];
	v1 =	vadd.s32 @!p1 s19, v1  }
0xf7: {  	[tilespmem:s17+$0x180] =	vst @!p1 v1;
	v1 =	vadd.s32 @!p1 s19, v2;
	v2 =	vld @!p1 [tilespmem:s17+$0x1E0]  }
0xf8: {  	[tilespmem:s17+$0x190] =	vst @!p1 v1;
	v1 =	vadd.s32 @!p1 s19, v3;
	v3 =	vld @!p1 [tilespmem:s17+$0x1F0]  }
0xf9: {  	[tilespmem:s17+$0x1A0] =	vst @!p1 v1;
	v1 =	vadd.s32 @!p1 s19, v4  }
0xfa: {  	[tilespmem:s17+$0x1B0] =	vst @!p1 v1;
	v1 =	vadd.s32 @!p1 s19, v5  }
0xfb: {  	[tilespmem:s17+$0x1C0] =	vst @!p1 v1;
	v1 =	vadd.s32 @!p1 s19, v6  }
0xfc: {  	[tilespmem:s17+$0x1D0] =	vst @!p1 v1;
	v1 =	vadd.s32 @!p1 s19, v2  }
0xfd: {  	[tilespmem:s17+$0x1E0] =	vst @!p1 v1;
	v1 =	vadd.s32 @!p1 s19, v3  }
0xfe: {  	s19 =	simm.s32 @!p1 $0xA;
	[tilespmem:s17+$0x1F0] =	vst @!p1 v1  }
0xff: {  	_ =	swait.ge @!p1 [sflag:s19], $0x4000  }
0x100: {  	s23 =	simm.s32 @!p1 $0xF400;
	[sflag:s19] =	ssyncset.done @!p1 $0x0  }
0x101: {  	s17 =	sadd.s32 @!p1 $0x180, s17;
	[sflag:s19] =	ssyncadd.s32 @!p1 $0xFFFFC000;
	s19 =	simm.s32 @!p1 $0x80  }
0x102: {  	[tilespmem:s23], [sflag:$0x4] =	stream.indirect.gather @!p1 [hbm4b:s1+s19], $0x80, s17, s19, $0xb8;
	[tilespmem:$0x1B400] =	vst v63  }
.Ltmp4:
0x103: {  	_ = 	snop;
	(pc) =	sbr.rel @p0 .LBB2_5-.Ltmp4, $4  }
0x104: {  	_ =	swait.ge [sflag:s26], $0x4000  }
0x105: {  	[sflag:s26] =	ssyncset.done $0x0  }
0x106: {  	s23 =	sadd.s32 $0xFFFFF000, s9;
	[sflag:s26] =	ssyncadd.s32 $0xFFFFC000  }
0x107: {  	[hbm4b:s23+s4] =	stream.linear.scatter [tilespmem:s16], [sflag:$0x8], $0x4000, $0x38;
	[tilespmem:$0x1B400] =	vst v63  }
0x108: {  	p0 =	seq.s32 s13, $0x11  }
.Ltmp5:
0x109: {  	_ = 	snop;
	(pc) =	sbr.rel @p0 .LBB2_6-.Ltmp5, $1  }
0x10a: {  	_ =	sdelay $0x3  }
0x10b: {  	s17 =	sshra.s32 s6, $0x2  }
0x10c: {  	v1 =	vld [tilespmem:s17+$0x200]  }
0x10d: {  	s19 =	sadd.s32 $0xFFFFFFFC, s11;
	v2 =	vld [tilespmem:s17+$0x210]  }
0x10e: {  	s19 =	sshrl.u32 s19, $0x7;
	v3 =	vld [tilespmem:s17+$0x220]  }
0x10f: {  	v4 =	vld [tilespmem:s17+$0x230];
	s19 =	smul.u32 $0x3E8, s19  }
0x110: {  	v5 =	vld [tilespmem:s17+$0x240]  }
0x111: {  	v6 =	vld [tilespmem:s17+$0x250];
	v1 =	vadd.s32 s19, v1  }
0x112: {  	[tilespmem:s17+$0x200] =	vst v1;
	v1 =	vadd.s32 s19, v2;
	v2 =	vld [tilespmem:s17+$0x260]  }
0x113: {  	[tilespmem:s17+$0x210] =	vst v1;
	v1 =	vadd.s32 s19, v3;
	v3 =	vld [tilespmem:s17+$0x270]  }
0x114: {  	[tilespmem:s17+$0x220] =	vst v1;
	v1 =	vadd.s32 s19, v4  }
0x115: {  	[tilespmem:s17+$0x230] =	vst v1;
	v1 =	vadd.s32 s19, v5  }
0x116: {  	[tilespmem:s17+$0x240] =	vst v1;
	v1 =	vadd.s32 s19, v6  }
0x117: {  	[tilespmem:s17+$0x250] =	vst v1;
	v1 =	vadd.s32 s19, v2  }
0x118: {  	[tilespmem:s17+$0x260] =	vst v1;
	v1 =	vadd.s32 s19, v3  }
.Ltmp6:
0x119: {  	[tilespmem:s17+$0x270] =	vst v1;
	(pc) =	sbr.rel .LBB2_5-.Ltmp6, $4  }
0x11a: {  	_ =	swait.ge [sflag:s21], $0x4000  }
0x11b: {  	[sflag:s21] =	ssyncset.done $0x0  }
0x11c: {  	s17 =	sadd.s32 $0x200, s17;
	[sflag:s21] =	ssyncadd.s32 $0xFFFFC000  }
0x11d: {  	[tilespmem:s22], [sflag:$0x5] =	stream.indirect.gather [hbm4b:s1+s14], $0x80, s17, s14, $0xb8;
	[tilespmem:$0x1B400] =	vst v63  }
.LBB2_7:
0x11e: {  	_ =	sfence.sel $0x180000  }
0x11f: {  	[bflag:$0x0] =	sbarrier.arrive $0xFFFF  }
0x120: {  	_ =	strace $0x90000047  }
0x121: {  	s0 =	stileid.u32;
	[bflag:$0x2] =	sbarrier.arrive $0xFFFF  }
0x122: {  	p0 =	sne.s32 s0, $0x0;
	s0 =	rddreg [dreg:$0x3]  }
0x123: {  	s0 =	sadd.s32 @!p0 $0x100000, s0  }
0x124: {  	[sflag:s0] =	ssyncadd.tile.s32 @!p0 $0x1;
	_ =	shalt  }
.Lfunc_end2:
_tile_overlayer_lowered:
.L_overlay_start_2:
0x125: {  	(tag) =	ssettag $0x2  }
0x126: {  	s0 =	rddreg [dreg:$0x0];
	s2 =	stileid.u32  }
0x127: {  	s1 =	rddreg [dreg:$0x1];
	p0 =	sne.s32 s2, $0x0  }
0x128: {  	s3 =	rddreg [dreg:$0x2];
	[bflag:$0x3] =	sbarrier.arrive $0xFFFF;
	s2 =	simm.s32 @!p0 $0x1C0D  }
0x129: {  	[timem:s3], [sflag:s2] =	dma.local @!p0 [hbm:s0], s1  }
0x12a: {  	s0 =	simm.s32 @!p0 $0xD  }
0x12b: {  	_ =	swait.ge @!p0 [sflag:s0], s1  }
0x12c: {  	s1 =	ssub.s32 @!p0 $0x0, s1;
	[sflag:s0] =	ssyncset.done @!p0 $0x0  }
0x12d: {  	[sflag:s0] =	ssyncadd.s32 @!p0 s1  }
0x12e: {  	[bflag:$0x3] =	sbarrier.arrive $0xFFFF  }
0x12f: {  	_ =	shalt  }

</sc_bundles>
